<compile_context>
chip_gen: v7x
topology: tpu7x:2x2x1
jax: 0.10.2.dev20260603
libtpu: 0.0.44.dev20260713+nightly
codegen_flags: <defaults>
</compile_context>

<pallas_src>
import functools

import jax
import jax.numpy as jnp
from jax import lax
from jax.experimental import pallas as pl
from jax.experimental.pallas import tpu as pltpu
from jax.experimental.pallas import tpu_sc as plsc


def _build_sc_kernel(N, TD, LD, NSETS, MAXLEX, NW, C):
    NL = NSETS * MAXLEX
    per_w = N // NW
    assert per_w % (2 * C) == 0
    n_pairs = per_w // (2 * C)
    LV = LD // 16

    mesh = plsc.VectorSubcoreMesh(core_axis_name="c", subcore_axis_name="s")

    buf = lambda shape, dt: pltpu.VMEM(shape, dt)

    @functools.partial(
        pl.kernel,
        out_type=jax.ShapeDtypeStruct((N, TD + NSETS * LD), jnp.float32),
        mesh=mesh,
        compiler_params=pltpu.CompilerParams(use_tc_tiling_on_sc=False),
        scratch_types=[
            buf((C,), jnp.int32), buf((C,), jnp.int32),
            buf((C * NL,), jnp.int32), buf((C * NL,), jnp.int32),
            buf((C * 32,), jnp.float32), buf((C * 32,), jnp.float32),
            buf((C, TD), jnp.float32), buf((C, TD), jnp.float32),
            buf((C * NL, LD), jnp.float32), buf((C * NL, LD), jnp.float32),
            buf((C, NSETS * LD), jnp.float32),
            pltpu.SemaphoreType.DMA, pltpu.SemaphoreType.DMA,
        ],
    )
    def sc_kernel(tok_ids, lex_ids, w_flat, tok_tab, lex_tab, out,
                  tok_idx_a, tok_idx_b, lex_idx_a, lex_idx_b,
                  w_a, w_b, tok_rows_a, tok_rows_b,
                  lex_rows_a, lex_rows_b, lex_out, sem_a, sem_b):
        nc = 2
        wid = lax.axis_index("s") * nc + lax.axis_index("c")

        def fire(base, tok_idx_v, lex_idx_v, w_v, tok_rows, lex_rows, sem):
            pltpu.sync_copy(tok_ids.at[pl.ds(base, C)], tok_idx_v)
            pltpu.sync_copy(lex_ids.at[pl.ds(base * NL, C * NL)], lex_idx_v)
            pltpu.sync_copy(w_flat.at[pl.ds(base * 32, C * 32)], w_v)
            cps = [pltpu.async_copy(tok_tab.at[tok_idx_v], tok_rows, sem),
                   pltpu.async_copy(lex_tab.at[lex_idx_v], lex_rows, sem)]
            return cps

        def finish(base, cps, w_v, tok_rows, lex_rows):
            for cp in cps:
                cp.wait()

            def pos_body(i, c2):
                rbase = i * NL
                wrows = [w_v[pl.ds(i * 32, 16)], w_v[pl.ds(i * 32 + 16, 16)]]
                for n in range(NSETS):
                    acc = [jnp.zeros((16,), jnp.float32) for _ in range(LV)]
                    for m in range(MAXLEX):
                        r = rbase + n * MAXLEX + m
                        k = n * MAXLEX + m
                        wv = wrows[k // 16][k % 16]
                        for cc in range(LV):
                            acc[cc] = acc[cc] + lex_rows[r, pl.ds(cc * 16, 16)] * wv
                    for cc in range(LV):
                        lex_out[i, pl.ds(n * LD + cc * 16, 16)] = acc[cc]
                return c2

            lax.fori_loop(0, C, pos_body, 0)

            pltpu.sync_copy(tok_rows, out.at[pl.ds(base, C), pl.ds(0, TD)])
            pltpu.sync_copy(
                lex_out, out.at[pl.ds(base, C), pl.ds(TD, NSETS * LD)])

        def pair_body(k, carry):
            base_a = wid * per_w + (2 * k) * C
            base_b = base_a + C
            cps_a = fire(base_a, tok_idx_a, lex_idx_a, w_a,
                         tok_rows_a, lex_rows_a, sem_a)
            cps_b = fire(base_b, tok_idx_b, lex_idx_b, w_b,
                         tok_rows_b, lex_rows_b, sem_b)
            finish(base_a, cps_a, w_a, tok_rows_a, lex_rows_a)
            finish(base_b, cps_b, w_b, tok_rows_b, lex_rows_b)
            return carry

        lax.fori_loop(0, n_pairs, pair_body, 0)

    return sc_kernel


def kernel(inputs, lexicons, weights, token_table, lexicon_table):
    B, S = inputs.shape
    _, _, NSETS, MAXLEX = lexicons.shape
    TD = token_table.shape[1]
    LD = lexicon_table.shape[1]
    N = B * S
    NL = NSETS * MAXLEX
    NW = 32
    C = 32

    tok_ids = inputs.reshape(N).astype(jnp.int32)
    lex_ids = lexicons.reshape(N * NL).astype(jnp.int32)
    w_flat = jnp.pad(weights.reshape(N, NL), ((0, 0), (0, 32 - NL))).reshape(N * 32)

    sc = _build_sc_kernel(N, TD, LD, NSETS, MAXLEX, NW, C)
    out = sc(tok_ids, lex_ids, w_flat, token_table, lexicon_table)
    return out.reshape(B, S, TD + NSETS * LD)

# --- scband reference (transcript-rebuilt; emitter-appended) ---
"""Pipeline reference for scband-softword-embedding-35871566856636 (READ-ONLY COPY).

The authoritative reference and input builder live on the scoring server;
editing this copy changes nothing except your own understanding.
"""

import jax, jax.numpy as jnp
import numpy as np

N_TOKENS = 100000
TOKEN_DIM = 128
N_LEXICONS = 1000000
LEXICON_DIM = 64
B, S, NSETS, MAXLEX = 1024, 50, 4, 5


def setup_inputs(seed: int = 0) -> dict:
    key = jax.random.key(seed)
    k1, k2, k3, k4, k5 = jax.random.split(key, 5)
    inputs = jax.random.randint(k1, (B, S), 0, N_TOKENS, dtype=jnp.int64 if jax.config.jax_enable_x64 else jnp.int32)
    lexicons = jax.random.randint(k2, (B, S, NSETS, MAXLEX), 0, N_LEXICONS, dtype=jnp.int64 if jax.config.jax_enable_x64 else jnp.int32)
    weights = jax.random.uniform(k3, (B, S, NSETS, MAXLEX), dtype=jnp.float32)
    token_table = jax.random.normal(k4, (N_TOKENS, TOKEN_DIM), dtype=jnp.float32)
    lexicon_table = jax.random.normal(k5, (N_LEXICONS, LEXICON_DIM), dtype=jnp.float32)
    return {"inputs": inputs, "lexicons": lexicons, "weights": weights,
            "token_table": token_table, "lexicon_table": lexicon_table}


def reference(inputs, lexicons, weights, token_table, lexicon_table):
    batch_size, seq_len = inputs.shape
    # static token embedding lookup
    token_embeds = jnp.take(token_table, inputs, axis=0)              # [B, S, token_dim]
    # lexicon embedding lookup
    lexicon_embeds = jnp.take(lexicon_table, lexicons, axis=0)        # [B, S, n_sets, max_n_lexicons, lexicon_dim]
    # weighted sum over matched lexicons (mul by broadcast weights, sum over dim=3)
    lexicon_embeds = lexicon_embeds * weights[..., None]
    lexicon_embeds = lexicon_embeds.sum(axis=3).reshape(batch_size, seq_len, -1)  # [B, S, n_sets*lexicon_dim]
    outputs = jnp.concatenate([token_embeds, lexicon_embeds], axis=-1)            # [B, S, token_dim + n_sets*lexicon_dim]
    return outputs

if __name__ == "__main__":
    import jax
    _d = setup_inputs()
    print(jax.jit(kernel)(*tuple(_d.values())))

</pallas_src>

<mosaic_0001>
#map = affine_map<(d0, d1) -> (0)>
#map1 = affine_map<(d0, d1) -> (0, 0)>
module attributes {stable_mosaic.version = 14 : i64} {
  func.func @sc_kernel(%arg0: i32, %arg1: i32, %arg2: memref<51200xi32, #tpu.memory_space<hbm>>, %arg3: memref<1024000xi32, #tpu.memory_space<hbm>>, %arg4: memref<1638400xf32, #tpu.memory_space<hbm>>, %arg5: memref<100000x128xf32, #tpu.memory_space<hbm>>, %arg6: memref<1000000x64xf32, #tpu.memory_space<hbm>>, %arg7: memref<51200x384xf32, #tpu.memory_space<hbm>>, %arg8: memref<32xi32, #tpu.memory_space<vmem>>, %arg9: memref<32xi32, #tpu.memory_space<vmem>>, %arg10: memref<640xi32, #tpu.memory_space<vmem>>, %arg11: memref<640xi32, #tpu.memory_space<vmem>>, %arg12: memref<1024xf32, #tpu.memory_space<vmem>>, %arg13: memref<1024xf32, #tpu.memory_space<vmem>>, %arg14: memref<32x128xf32, #tpu.memory_space<vmem>>, %arg15: memref<32x128xf32, #tpu.memory_space<vmem>>, %arg16: memref<640x64xf32, #tpu.memory_space<vmem>>, %arg17: memref<640x64xf32, #tpu.memory_space<vmem>>, %arg18: memref<32x256xf32, #tpu.memory_space<vmem>>, %arg19: memref<!tpu.dma_semaphore, #tpu.memory_space<semaphore_mem>>, %arg20: memref<!tpu.dma_semaphore, #tpu.memory_space<semaphore_mem>>) attributes {dimension_semantics = [#tpu.dimension_semantics<core_parallel>, #tpu.dimension_semantics<subcore_parallel>], iteration_bounds = array<i64: 2, 16>, scalar_prefetch = 0 : i64, scratch_operands = 13 : i64, tpu.core_type = #tpu.core_type<sc_vector_subcore>, window_params = [{transform_indices = #map}, {transform_indices = #map}, {transform_indices = #map}, {transform_indices = #map1}, {transform_indices = #map1}, {transform_indices = #map1}]} {
    %mul3A = arith.constant 2 : i32
    %mul3A_0 = arith.muli %arg1, %mul3A : i32
    %add3A = arith.addi %mul3A_0, %arg0 : i32
    %scan3A = arith.constant 0 : i32
    %scan3A_1 = arith.constant 0 : i32
    %scan3A_2 = arith.constant 25 : i32
    %scan3A_3 = arith.addi %scan3A_1, %scan3A_2 : i32
    %scan3A_4 = arith.constant 1 : i32
    scf.for %scan3A_6 = %scan3A_1 to %scan3A_3 step %scan3A_4  : i32 {
      %mul3A_7 = arith.constant 1600 : i32
      %mul3A_8 = arith.muli %add3A, %mul3A_7 : i32
      %mul3A_9 = arith.constant 2 : i32
      %mul3A_10 = arith.muli %mul3A_9, %scan3A_6 : i32
      %mul3A_11 = arith.constant 32 : i32
      %mul3A_12 = arith.muli %mul3A_10, %mul3A_11 : i32
      %add3A_13 = arith.addi %mul3A_8, %mul3A_12 : i32
      %add3A_14 = arith.constant 32 : i32
      %add3A_15 = arith.addi %add3A_13, %add3A_14 : i32
      "tpu.region"() ({
        %run_scoped3A = tpu.sem_alloc : memref<!tpu.dma_semaphore, #tpu.memory_space<semaphore_mem>>
        %dma_start3A_58 = tpu.memref_slice %arg2[%add3A_13] : memref<51200xi32, #tpu.memory_space<hbm>> -> memref<32xi32, #tpu.memory_space<hbm>>
        %dma_start3A_59 = tpu.memref_slice %arg2[%add3A_13] : memref<51200xi32, #tpu.memory_space<hbm>> -> memref<32xi32, #tpu.memory_space<hbm>>
        tpu.enqueue_dma source(%dma_start3A_59 : memref<32xi32, #tpu.memory_space<hbm>>) target(%arg8 : memref<32xi32, #tpu.memory_space<vmem>>) target_semaphore(%run_scoped3A : memref<!tpu.dma_semaphore, #tpu.memory_space<semaphore_mem>>)
        %dma_wait3A_60 = tpu.memref_slice %arg2[%add3A_13] : memref<51200xi32, #tpu.memory_space<hbm>> -> memref<32xi32, #tpu.memory_space<hbm>>
        %dma_wait3A_61 = tpu.memref_slice %arg2[%add3A_13] : memref<51200xi32, #tpu.memory_space<hbm>> -> memref<32xi32, #tpu.memory_space<hbm>>
        tpu.wait_dma2 semaphore(%run_scoped3A : memref<!tpu.dma_semaphore, #tpu.memory_space<semaphore_mem>>) src(%dma_wait3A_61 : memref<32xi32, #tpu.memory_space<hbm>>) dst(%arg8 : memref<32xi32, #tpu.memory_space<vmem>>)
        tpu.yield
      }) : () -> ()
      %mul3A_16 = arith.constant 20 : i32
      %mul3A_17 = arith.muli %add3A_13, %mul3A_16 : i32
      "tpu.region"() ({
        %run_scoped3A = tpu.sem_alloc : memref<!tpu.dma_semaphore, #tpu.memory_space<semaphore_mem>>
        %dma_start3A_58 = tpu.memref_slice %arg3[%mul3A_17] : memref<1024000xi32, #tpu.memory_space<hbm>> -> memref<640xi32, #tpu.memory_space<hbm>>
        %dma_start3A_59 = tpu.memref_slice %arg3[%mul3A_17] : memref<1024000xi32, #tpu.memory_space<hbm>> -> memref<640xi32, #tpu.memory_space<hbm>>
        tpu.enqueue_dma source(%dma_start3A_59 : memref<640xi32, #tpu.memory_space<hbm>>) target(%arg10 : memref<640xi32, #tpu.memory_space<vmem>>) target_semaphore(%run_scoped3A : memref<!tpu.dma_semaphore, #tpu.memory_space<semaphore_mem>>)
        %dma_wait3A_60 = tpu.memref_slice %arg3[%mul3A_17] : memref<1024000xi32, #tpu.memory_space<hbm>> -> memref<640xi32, #tpu.memory_space<hbm>>
        %dma_wait3A_61 = tpu.memref_slice %arg3[%mul3A_17] : memref<1024000xi32, #tpu.memory_space<hbm>> -> memref<640xi32, #tpu.memory_space<hbm>>
        tpu.wait_dma2 semaphore(%run_scoped3A : memref<!tpu.dma_semaphore, #tpu.memory_space<semaphore_mem>>) src(%dma_wait3A_61 : memref<640xi32, #tpu.memory_space<hbm>>) dst(%arg10 : memref<640xi32, #tpu.memory_space<vmem>>)
        tpu.yield
      }) : () -> ()
      %mul3A_18 = arith.constant 32 : i32
      %mul3A_19 = arith.muli %add3A_13, %mul3A_18 : i32
      "tpu.region"() ({
        %run_scoped3A = tpu.sem_alloc : memref<!tpu.dma_semaphore, #tpu.memory_space<semaphore_mem>>
        %dma_start3A_58 = tpu.memref_slice %arg4[%mul3A_19] : memref<1638400xf32, #tpu.memory_space<hbm>> -> memref<1024xf32, #tpu.memory_space<hbm>>
        %dma_start3A_59 = tpu.memref_slice %arg4[%mul3A_19] : memref<1638400xf32, #tpu.memory_space<hbm>> -> memref<1024xf32, #tpu.memory_space<hbm>>
        tpu.enqueue_dma source(%dma_start3A_59 : memref<1024xf32, #tpu.memory_space<hbm>>) target(%arg12 : memref<1024xf32, #tpu.memory_space<vmem>>) target_semaphore(%run_scoped3A : memref<!tpu.dma_semaphore, #tpu.memory_space<semaphore_mem>>)
        %dma_wait3A_60 = tpu.memref_slice %arg4[%mul3A_19] : memref<1638400xf32, #tpu.memory_space<hbm>> -> memref<1024xf32, #tpu.memory_space<hbm>>
        %dma_wait3A_61 = tpu.memref_slice %arg4[%mul3A_19] : memref<1638400xf32, #tpu.memory_space<hbm>> -> memref<1024xf32, #tpu.memory_space<hbm>>
        tpu.wait_dma2 semaphore(%run_scoped3A : memref<!tpu.dma_semaphore, #tpu.memory_space<semaphore_mem>>) src(%dma_wait3A_61 : memref<1024xf32, #tpu.memory_space<hbm>>) dst(%arg12 : memref<1024xf32, #tpu.memory_space<vmem>>)
        tpu.yield
      }) : () -> ()
      %dma_start3A = arith.constant 0 : i32
      %dma_start3A_20 = arith.constant 0 : i32
      %dma_start3A_21 = tpu.memref_slice %arg5[%dma_start3A, %dma_start3A_20] : memref<100000x128xf32, #tpu.memory_space<hbm>> -> memref<100000x128xf32, #tpu.memory_space<hbm>>
      tpu.enqueue_indirect_dma source(%dma_start3A_21 : memref<100000x128xf32, #tpu.memory_space<hbm>>) target(%arg14 : memref<32x128xf32, #tpu.memory_space<vmem>>) offsets(%arg8 : memref<32xi32, #tpu.memory_space<vmem>>) semaphore(%arg19 : memref<!tpu.dma_semaphore, #tpu.memory_space<semaphore_mem>>)
      %dma_start3A_22 = arith.constant 0 : i32
      %dma_start3A_23 = arith.constant 0 : i32
      %dma_start3A_24 = tpu.memref_slice %arg6[%dma_start3A_22, %dma_start3A_23] : memref<1000000x64xf32, #tpu.memory_space<hbm>> -> memref<1000000x64xf32, #tpu.memory_space<hbm>>
      tpu.enqueue_indirect_dma source(%dma_start3A_24 : memref<1000000x64xf32, #tpu.memory_space<hbm>>) target(%arg16 : memref<640x64xf32, #tpu.memory_space<vmem>>) offsets(%arg10 : memref<640xi32, #tpu.memory_space<vmem>>) semaphore(%arg19 : memref<!tpu.dma_semaphore, #tpu.memory_space<semaphore_mem>>)
      "tpu.region"() ({
        %run_scoped3A = tpu.sem_alloc : memref<!tpu.dma_semaphore, #tpu.memory_space<semaphore_mem>>
        %dma_start3A_58 = tpu.memref_slice %arg2[%add3A_15] : memref<51200xi32, #tpu.memory_space<hbm>> -> memref<32xi32, #tpu.memory_space<hbm>>
        %dma_start3A_59 = tpu.memref_slice %arg2[%add3A_15] : memref<51200xi32, #tpu.memory_space<hbm>> -> memref<32xi32, #tpu.memory_space<hbm>>
        tpu.enqueue_dma source(%dma_start3A_59 : memref<32xi32, #tpu.memory_space<hbm>>) target(%arg9 : memref<32xi32, #tpu.memory_space<vmem>>) target_semaphore(%run_scoped3A : memref<!tpu.dma_semaphore, #tpu.memory_space<semaphore_mem>>)
        %dma_wait3A_60 = tpu.memref_slice %arg2[%add3A_15] : memref<51200xi32, #tpu.memory_space<hbm>> -> memref<32xi32, #tpu.memory_space<hbm>>
        %dma_wait3A_61 = tpu.memref_slice %arg2[%add3A_15] : memref<51200xi32, #tpu.memory_space<hbm>> -> memref<32xi32, #tpu.memory_space<hbm>>
        tpu.wait_dma2 semaphore(%run_scoped3A : memref<!tpu.dma_semaphore, #tpu.memory_space<semaphore_mem>>) src(%dma_wait3A_61 : memref<32xi32, #tpu.memory_space<hbm>>) dst(%arg9 : memref<32xi32, #tpu.memory_space<vmem>>)
        tpu.yield
      }) : () -> ()
      %mul3A_25 = arith.constant 20 : i32
      %mul3A_26 = arith.muli %add3A_15, %mul3A_25 : i32
      "tpu.region"() ({
        %run_scoped3A = tpu.sem_alloc : memref<!tpu.dma_semaphore, #tpu.memory_space<semaphore_mem>>
        %dma_start3A_58 = tpu.memref_slice %arg3[%mul3A_26] : memref<1024000xi32, #tpu.memory_space<hbm>> -> memref<640xi32, #tpu.memory_space<hbm>>
        %dma_start3A_59 = tpu.memref_slice %arg3[%mul3A_26] : memref<1024000xi32, #tpu.memory_space<hbm>> -> memref<640xi32, #tpu.memory_space<hbm>>
        tpu.enqueue_dma source(%dma_start3A_59 : memref<640xi32, #tpu.memory_space<hbm>>) target(%arg11 : memref<640xi32, #tpu.memory_space<vmem>>) target_semaphore(%run_scoped3A : memref<!tpu.dma_semaphore, #tpu.memory_space<semaphore_mem>>)
        %dma_wait3A_60 = tpu.memref_slice %arg3[%mul3A_26] : memref<1024000xi32, #tpu.memory_space<hbm>> -> memref<640xi32, #tpu.memory_space<hbm>>
        %dma_wait3A_61 = tpu.memref_slice %arg3[%mul3A_26] : memref<1024000xi32, #tpu.memory_space<hbm>> -> memref<640xi32, #tpu.memory_space<hbm>>
        tpu.wait_dma2 semaphore(%run_scoped3A : memref<!tpu.dma_semaphore, #tpu.memory_space<semaphore_mem>>) src(%dma_wait3A_61 : memref<640xi32, #tpu.memory_space<hbm>>) dst(%arg11 : memref<640xi32, #tpu.memory_space<vmem>>)
        tpu.yield
      }) : () -> ()
      %mul3A_27 = arith.constant 32 : i32
      %mul3A_28 = arith.muli %add3A_15, %mul3A_27 : i32
      "tpu.region"() ({
        %run_scoped3A = tpu.sem_alloc : memref<!tpu.dma_semaphore, #tpu.memory_space<semaphore_mem>>
        %dma_start3A_58 = tpu.memref_slice %arg4[%mul3A_28] : memref<1638400xf32, #tpu.memory_space<hbm>> -> memref<1024xf32, #tpu.memory_space<hbm>>
        %dma_start3A_59 = tpu.memref_slice %arg4[%mul3A_28] : memref<1638400xf32, #tpu.memory_space<hbm>> -> memref<1024xf32, #tpu.memory_space<hbm>>
        tpu.enqueue_dma source(%dma_start3A_59 : memref<1024xf32, #tpu.memory_space<hbm>>) target(%arg13 : memref<1024xf32, #tpu.memory_space<vmem>>) target_semaphore(%run_scoped3A : memref<!tpu.dma_semaphore, #tpu.memory_space<semaphore_mem>>)
        %dma_wait3A_60 = tpu.memref_slice %arg4[%mul3A_28] : memref<1638400xf32, #tpu.memory_space<hbm>> -> memref<1024xf32, #tpu.memory_space<hbm>>
        %dma_wait3A_61 = tpu.memref_slice %arg4[%mul3A_28] : memref<1638400xf32, #tpu.memory_space<hbm>> -> memref<1024xf32, #tpu.memory_space<hbm>>
        tpu.wait_dma2 semaphore(%run_scoped3A : memref<!tpu.dma_semaphore, #tpu.memory_space<semaphore_mem>>) src(%dma_wait3A_61 : memref<1024xf32, #tpu.memory_space<hbm>>) dst(%arg13 : memref<1024xf32, #tpu.memory_space<vmem>>)
        tpu.yield
      }) : () -> ()
      %dma_start3A_29 = arith.constant 0 : i32
      %dma_start3A_30 = arith.constant 0 : i32
      %dma_start3A_31 = tpu.memref_slice %arg5[%dma_start3A_29, %dma_start3A_30] : memref<100000x128xf32, #tpu.memory_space<hbm>> -> memref<100000x128xf32, #tpu.memory_space<hbm>>
      tpu.enqueue_indirect_dma source(%dma_start3A_31 : memref<100000x128xf32, #tpu.memory_space<hbm>>) target(%arg15 : memref<32x128xf32, #tpu.memory_space<vmem>>) offsets(%arg9 : memref<32xi32, #tpu.memory_space<vmem>>) semaphore(%arg20 : memref<!tpu.dma_semaphore, #tpu.memory_space<semaphore_mem>>)
      %dma_start3A_32 = arith.constant 0 : i32
      %dma_start3A_33 = arith.constant 0 : i32
      %dma_start3A_34 = tpu.memref_slice %arg6[%dma_start3A_32, %dma_start3A_33] : memref<1000000x64xf32, #tpu.memory_space<hbm>> -> memref<1000000x64xf32, #tpu.memory_space<hbm>>
      tpu.enqueue_indirect_dma source(%dma_start3A_34 : memref<1000000x64xf32, #tpu.memory_space<hbm>>) target(%arg17 : memref<640x64xf32, #tpu.memory_space<vmem>>) offsets(%arg11 : memref<640xi32, #tpu.memory_space<vmem>>) semaphore(%arg20 : memref<!tpu.dma_semaphore, #tpu.memory_space<semaphore_mem>>)
      %dma_wait3A = arith.constant 0 : i32
      %dma_wait3A_35 = arith.constant 0 : i32
      %dma_wait3A_36 = tpu.memref_slice %arg5[%dma_wait3A, %dma_wait3A_35] : memref<100000x128xf32, #tpu.memory_space<hbm>> -> memref<100000x128xf32, #tpu.memory_space<hbm>>
      tpu.wait_indirect_dma semaphore(%arg19 : memref<!tpu.dma_semaphore, #tpu.memory_space<semaphore_mem>>) src(%dma_wait3A_36 : memref<100000x128xf32, #tpu.memory_space<hbm>>) dst(%arg14 : memref<32x128xf32, #tpu.memory_space<vmem>>)
      %dma_wait3A_37 = arith.constant 0 : i32
      %dma_wait3A_38 = arith.constant 0 : i32
      %dma_wait3A_39 = tpu.memref_slice %arg6[%dma_wait3A_37, %dma_wait3A_38] : memref<1000000x64xf32, #tpu.memory_space<hbm>> -> memref<1000000x64xf32, #tpu.memory_space<hbm>>
      tpu.wait_indirect_dma semaphore(%arg19 : memref<!tpu.dma_semaphore, #tpu.memory_space<semaphore_mem>>) src(%dma_wait3A_39 : memref<1000000x64xf32, #tpu.memory_space<hbm>>) dst(%arg16 : memref<640x64xf32, #tpu.memory_space<vmem>>)
      %scan3A_40 = arith.constant 0 : i32
      %scan3A_41 = arith.constant 0 : i32
      %scan3A_42 = arith.constant 32 : i32
      %scan3A_43 = arith.addi %scan3A_41, %scan3A_42 : i32
      %scan3A_44 = arith.constant 1 : i32
      scf.for %scan3A_58 = %scan3A_41 to %scan3A_43 step %scan3A_44  : i32 {
        %mul3A_59 = arith.constant 20 : i32
        %mul3A_60 = arith.muli %scan3A_58, %mul3A_59 : i32
        %mul3A_61 = arith.constant 32 : i32
        %mul3A_62 = arith.muli %scan3A_58, %mul3A_61 : i32
        %get3A = arith.index_cast %mul3A_62 : i32 to index
        %get3A_63 = tpu.vector_load %arg12[%get3A] {strides = array<i32>} : memref<1024xf32, #tpu.memory_space<vmem>>, vector<16xf32>,
        %get3A_64 = vector.shape_cast %get3A_63 : vector<16xf32> to vector<16xf32>
        %mul3A_65 = arith.constant 32 : i32
        %mul3A_66 = arith.muli %scan3A_58, %mul3A_65 : i32
        %add3A_67 = arith.constant 16 : i32
        %add3A_68 = arith.addi %mul3A_66, %add3A_67 : i32
        %get3A_69 = arith.index_cast %add3A_68 : i32 to index
        %get3A_70 = tpu.vector_load %arg12[%get3A_69] {strides = array<i32>} : memref<1024xf32, #tpu.memory_space<vmem>>, vector<16xf32>,
        %get3A_71 = vector.shape_cast %get3A_70 : vector<16xf32> to vector<16xf32>
        %broadcast_in_dim3A = arith.constant 0.000000e+00 : f32
        %broadcast_in_dim3A_72 = vector.broadcast %broadcast_in_dim3A : f32 to vector<16xf32>
        %broadcast_in_dim3A_73 = arith.constant 0.000000e+00 : f32
        %broadcast_in_dim3A_74 = vector.broadcast %broadcast_in_dim3A_73 : f32 to vector<16xf32>
        %broadcast_in_dim3A_75 = arith.constant 0.000000e+00 : f32
        %broadcast_in_dim3A_76 = vector.broadcast %broadcast_in_dim3A_75 : f32 to vector<16xf32>
        %broadcast_in_dim3A_77 = arith.constant 0.000000e+00 : f32
        %broadcast_in_dim3A_78 = vector.broadcast %broadcast_in_dim3A_77 : f32 to vector<16xf32>
        %add3A_79 = arith.constant 0 : i32
        %add3A_80 = arith.addi %mul3A_60, %add3A_79 : i32
        %add3A_81 = arith.constant 0 : i32
        %add3A_82 = arith.addi %add3A_80, %add3A_81 : i32
        %slice3A = vector.extract_strided_slice %get3A_64 {offsets = [0], sizes = [1], strides = [1]} : vector<16xf32> to vector<1xf32>
        %squeeze3A = vector.extract %slice3A[0] : f32 from vector<1xf32>
        %get3A_83 = arith.index_cast %add3A_82 : i32 to index
        %get3A_84 = arith.constant 0 : index
        %get3A_85 = tpu.vector_load %arg16[%get3A_83, %get3A_84] {strides = array<i32>} : memref<640x64xf32, #tpu.memory_space<vmem>>, vector<1x16xf32>,
        %get3A_86 = vector.shape_cast %get3A_85 : vector<1x16xf32> to vector<16xf32>
        %mul3A_87 = vector.broadcast %squeeze3A : f32 to vector<16xf32>
        %mul3A_88 = arith.mulf %get3A_86, %mul3A_87 : vector<16xf32>
        %add3A_89 = arith.addf %broadcast_in_dim3A_72, %mul3A_88 : vector<16xf32>
        %get3A_90 = arith.index_cast %add3A_82 : i32 to index
        %get3A_91 = arith.constant 16 : index
        %get3A_92 = tpu.vector_load %arg16[%get3A_90, %get3A_91] {strides = array<i32>} : memref<640x64xf32, #tpu.memory_space<vmem>>, vector<1x16xf32>,
        %get3A_93 = vector.shape_cast %get3A_92 : vector<1x16xf32> to vector<16xf32>
        %mul3A_94 = vector.broadcast %squeeze3A : f32 to vector<16xf32>
        %mul3A_95 = arith.mulf %get3A_93, %mul3A_94 : vector<16xf32>
        %add3A_96 = arith.addf %broadcast_in_dim3A_74, %mul3A_95 : vector<16xf32>
        %get3A_97 = arith.index_cast %add3A_82 : i32 to index
        %get3A_98 = arith.constant 32 : index
        %get3A_99 = tpu.vector_load %arg16[%get3A_97, %get3A_98] {strides = array<i32>} : memref<640x64xf32, #tpu.memory_space<vmem>>, vector<1x16xf32>,
        %get3A_100 = vector.shape_cast %get3A_99 : vector<1x16xf32> to vector<16xf32>
        %mul3A_101 = vector.broadcast %squeeze3A : f32 to vector<16xf32>
        %mul3A_102 = arith.mulf %get3A_100, %mul3A_101 : vector<16xf32>
        %add3A_103 = arith.addf %broadcast_in_dim3A_76, %mul3A_102 : vector<16xf32>
        %get3A_104 = arith.index_cast %add3A_82 : i32 to index
        %get3A_105 = arith.constant 48 : index
        %get3A_106 = tpu.vector_load %arg16[%get3A_104, %get3A_105] {strides = array<i32>} : memref<640x64xf32, #tpu.memory_space<vmem>>, vector<1x16xf32>,
        %get3A_107 = vector.shape_cast %get3A_106 : vector<1x16xf32> to vector<16xf32>
        %mul3A_108 = vector.broadcast %squeeze3A : f32 to vector<16xf32>
        %mul3A_109 = arith.mulf %get3A_107, %mul3A_108 : vector<16xf32>
        %add3A_110 = arith.addf %broadcast_in_dim3A_78, %mul3A_109 : vector<16xf32>
        %add3A_111 = arith.constant 0 : i32
        %add3A_112 = arith.addi %mul3A_60, %add3A_111 : i32
        %add3A_113 = arith.constant 1 : i32
        %add3A_114 = arith.addi %add3A_112, %add3A_113 : i32
        %slice3A_115 = vector.extract_strided_slice %get3A_64 {offsets = [1], sizes = [1], strides = [1]} : vector<16xf32> to vector<1xf32>
        %squeeze3A_116 = vector.extract %slice3A_115[0] : f32 from vector<1xf32>
        %get3A_117 = arith.index_cast %add3A_114 : i32 to index
        %get3A_118 = arith.constant 0 : index
        %get3A_119 = tpu.vector_load %arg16[%get3A_117, %get3A_118] {strides = array<i32>} : memref<640x64xf32, #tpu.memory_space<vmem>>, vector<1x16xf32>,
        %get3A_120 = vector.shape_cast %get3A_119 : vector<1x16xf32> to vector<16xf32>
        %mul3A_121 = vector.broadcast %squeeze3A_116 : f32 to vector<16xf32>
        %mul3A_122 = arith.mulf %get3A_120, %mul3A_121 : vector<16xf32>
        %add3A_123 = arith.addf %add3A_89, %mul3A_122 : vector<16xf32>
        %get3A_124 = arith.index_cast %add3A_114 : i32 to index
        %get3A_125 = arith.constant 16 : index
        %get3A_126 = tpu.vector_load %arg16[%get3A_124, %get3A_125] {strides = array<i32>} : memref<640x64xf32, #tpu.memory_space<vmem>>, vector<1x16xf32>,
        %get3A_127 = vector.shape_cast %get3A_126 : vector<1x16xf32> to vector<16xf32>
        %mul3A_128 = vector.broadcast %squeeze3A_116 : f32 to vector<16xf32>
        %mul3A_129 = arith.mulf %get3A_127, %mul3A_128 : vector<16xf32>
        %add3A_130 = arith.addf %add3A_96, %mul3A_129 : vector<16xf32>
        %get3A_131 = arith.index_cast %add3A_114 : i32 to index
        %get3A_132 = arith.constant 32 : index
        %get3A_133 = tpu.vector_load %arg16[%get3A_131, %get3A_132] {strides = array<i32>} : memref<640x64xf32, #tpu.memory_space<vmem>>, vector<1x16xf32>,
        %get3A_134 = vector.shape_cast %get3A_133 : vector<1x16xf32> to vector<16xf32>
        %mul3A_135 = vector.broadcast %squeeze3A_116 : f32 to vector<16xf32>
        %mul3A_136 = arith.mulf %get3A_134, %mul3A_135 : vector<16xf32>
        %add3A_137 = arith.addf %add3A_103, %mul3A_136 : vector<16xf32>
        %get3A_138 = arith.index_cast %add3A_114 : i32 to index
        %get3A_139 = arith.constant 48 : index
        %get3A_140 = tpu.vector_load %arg16[%get3A_138, %get3A_139] {strides = array<i32>} : memref<640x64xf32, #tpu.memory_space<vmem>>, vector<1x16xf32>,
        %get3A_141 = vector.shape_cast %get3A_140 : vector<1x16xf32> to vector<16xf32>
        %mul3A_142 = vector.broadcast %squeeze3A_116 : f32 to vector<16xf32>
        %mul3A_143 = arith.mulf %get3A_141, %mul3A_142 : vector<16xf32>
        %add3A_144 = arith.addf %add3A_110, %mul3A_143 : vector<16xf32>
        %add3A_145 = arith.constant 0 : i32
        %add3A_146 = arith.addi %mul3A_60, %add3A_145 : i32
        %add3A_147 = arith.constant 2 : i32
        %add3A_148 = arith.addi %add3A_146, %add3A_147 : i32
        %slice3A_149 = vector.extract_strided_slice %get3A_64 {offsets = [2], sizes = [1], strides = [1]} : vector<16xf32> to vector<1xf32>
        %squeeze3A_150 = vector.extract %slice3A_149[0] : f32 from vector<1xf32>
        %get3A_151 = arith.index_cast %add3A_148 : i32 to index
        %get3A_152 = arith.constant 0 : index
        %get3A_153 = tpu.vector_load %arg16[%get3A_151, %get3A_152] {strides = array<i32>} : memref<640x64xf32, #tpu.memory_space<vmem>>, vector<1x16xf32>,
        %get3A_154 = vector.shape_cast %get3A_153 : vector<1x16xf32> to vector<16xf32>
        %mul3A_155 = vector.broadcast %squeeze3A_150 : f32 to vector<16xf32>
        %mul3A_156 = arith.mulf %get3A_154, %mul3A_155 : vector<16xf32>
        %add3A_157 = arith.addf %add3A_123, %mul3A_156 : vector<16xf32>
        %get3A_158 = arith.index_cast %add3A_148 : i32 to index
        %get3A_159 = arith.constant 16 : index
        %get3A_160 = tpu.vector_load %arg16[%get3A_158, %get3A_159] {strides = array<i32>} : memref<640x64xf32, #tpu.memory_space<vmem>>, vector<1x16xf32>,
        %get3A_161 = vector.shape_cast %get3A_160 : vector<1x16xf32> to vector<16xf32>
        %mul3A_162 = vector.broadcast %squeeze3A_150 : f32 to vector<16xf32>
        %mul3A_163 = arith.mulf %get3A_161, %mul3A_162 : vector<16xf32>
        %add3A_164 = arith.addf %add3A_130, %mul3A_163 : vector<16xf32>
        %get3A_165 = arith.index_cast %add3A_148 : i32 to index
        %get3A_166 = arith.constant 32 : index
        %get3A_167 = tpu.vector_load %arg16[%get3A_165, %get3A_166] {strides = array<i32>} : memref<640x64xf32, #tpu.memory_space<vmem>>, vector<1x16xf32>,
        %get3A_168 = vector.shape_cast %get3A_167 : vector<1x16xf32> to vector<16xf32>
        %mul3A_169 = vector.broadcast %squeeze3A_150 : f32 to vector<16xf32>
        %mul3A_170 = arith.mulf %get3A_168, %mul3A_169 : vector<16xf32>
        %add3A_171 = arith.addf %add3A_137, %mul3A_170 : vector<16xf32>
        %get3A_172 = arith.index_cast %add3A_148 : i32 to index
        %get3A_173 = arith.constant 48 : index
        %get3A_174 = tpu.vector_load %arg16[%get3A_172, %get3A_173] {strides = array<i32>} : memref<640x64xf32, #tpu.memory_space<vmem>>, vector<1x16xf32>,
        %get3A_175 = vector.shape_cast %get3A_174 : vector<1x16xf32> to vector<16xf32>
        %mul3A_176 = vector.broadcast %squeeze3A_150 : f32 to vector<16xf32>
        %mul3A_177 = arith.mulf %get3A_175, %mul3A_176 : vector<16xf32>
        %add3A_178 = arith.addf %add3A_144, %mul3A_177 : vector<16xf32>
        %add3A_179 = arith.constant 0 : i32
        %add3A_180 = arith.addi %mul3A_60, %add3A_179 : i32
        %add3A_181 = arith.constant 3 : i32
        %add3A_182 = arith.addi %add3A_180, %add3A_181 : i32
        %slice3A_183 = vector.extract_strided_slice %get3A_64 {offsets = [3], sizes = [1], strides = [1]} : vector<16xf32> to vector<1xf32>
        %squeeze3A_184 = vector.extract %slice3A_183[0] : f32 from vector<1xf32>
        %get3A_185 = arith.index_cast %add3A_182 : i32 to index
        %get3A_186 = arith.constant 0 : index
        %get3A_187 = tpu.vector_load %arg16[%get3A_185, %get3A_186] {strides = array<i32>} : memref<640x64xf32, #tpu.memory_space<vmem>>, vector<1x16xf32>,
        %get3A_188 = vector.shape_cast %get3A_187 : vector<1x16xf32> to vector<16xf32>
        %mul3A_189 = vector.broadcast %squeeze3A_184 : f32 to vector<16xf32>
        %mul3A_190 = arith.mulf %get3A_188, %mul3A_189 : vector<16xf32>
        %add3A_191 = arith.addf %add3A_157, %mul3A_190 : vector<16xf32>
        %get3A_192 = arith.index_cast %add3A_182 : i32 to index
        %get3A_193 = arith.constant 16 : index
        %get3A_194 = tpu.vector_load %arg16[%get3A_192, %get3A_193] {strides = array<i32>} : memref<640x64xf32, #tpu.memory_space<vmem>>, vector<1x16xf32>,
        %get3A_195 = vector.shape_cast %get3A_194 : vector<1x16xf32> to vector<16xf32>
        %mul3A_196 = vector.broadcast %squeeze3A_184 : f32 to vector<16xf32>
        %mul3A_197 = arith.mulf %get3A_195, %mul3A_196 : vector<16xf32>
        %add3A_198 = arith.addf %add3A_164, %mul3A_197 : vector<16xf32>
        %get3A_199 = arith.index_cast %add3A_182 : i32 to index
        %get3A_200 = arith.constant 32 : index
        %get3A_201 = tpu.vector_load %arg16[%get3A_199, %get3A_200] {strides = array<i32>} : memref<640x64xf32, #tpu.memory_space<vmem>>, vector<1x16xf32>,
        %get3A_202 = vector.shape_cast %get3A_201 : vector<1x16xf32> to vector<16xf32>
        %mul3A_203 = vector.broadcast %squeeze3A_184 : f32 to vector<16xf32>
        %mul3A_204 = arith.mulf %get3A_202, %mul3A_203 : vector<16xf32>
        %add3A_205 = arith.addf %add3A_171, %mul3A_204 : vector<16xf32>
        %get3A_206 = arith.index_cast %add3A_182 : i32 to index
        %get3A_207 = arith.constant 48 : index
        %get3A_208 = tpu.vector_load %arg16[%get3A_206, %get3A_207] {strides = array<i32>} : memref<640x64xf32, #tpu.memory_space<vmem>>, vector<1x16xf32>,
        %get3A_209 = vector.shape_cast %get3A_208 : vector<1x16xf32> to vector<16xf32>
        %mul3A_210 = vector.broadcast %squeeze3A_184 : f32 to vector<16xf32>
        %mul3A_211 = arith.mulf %get3A_209, %mul3A_210 : vector<16xf32>
        %add3A_212 = arith.addf %add3A_178, %mul3A_211 : vector<16xf32>
        %add3A_213 = arith.constant 0 : i32
        %add3A_214 = arith.addi %mul3A_60, %add3A_213 : i32
        %add3A_215 = arith.constant 4 : i32
        %add3A_216 = arith.addi %add3A_214, %add3A_215 : i32
        %slice3A_217 = vector.extract_strided_slice %get3A_64 {offsets = [4], sizes = [1], strides = [1]} : vector<16xf32> to vector<1xf32>
        %squeeze3A_218 = vector.extract %slice3A_217[0] : f32 from vector<1xf32>
        %get3A_219 = arith.index_cast %add3A_216 : i32 to index
        %get3A_220 = arith.constant 0 : index
        %get3A_221 = tpu.vector_load %arg16[%get3A_219, %get3A_220] {strides = array<i32>} : memref<640x64xf32, #tpu.memory_space<vmem>>, vector<1x16xf32>,
        %get3A_222 = vector.shape_cast %get3A_221 : vector<1x16xf32> to vector<16xf32>
        %mul3A_223 = vector.broadcast %squeeze3A_218 : f32 to vector<16xf32>
        %mul3A_224 = arith.mulf %get3A_222, %mul3A_223 : vector<16xf32>
        %add3A_225 = arith.addf %add3A_191, %mul3A_224 : vector<16xf32>
        %get3A_226 = arith.index_cast %add3A_216 : i32 to index
        %get3A_227 = arith.constant 16 : index
        %get3A_228 = tpu.vector_load %arg16[%get3A_226, %get3A_227] {strides = array<i32>} : memref<640x64xf32, #tpu.memory_space<vmem>>, vector<1x16xf32>,
        %get3A_229 = vector.shape_cast %get3A_228 : vector<1x16xf32> to vector<16xf32>
        %mul3A_230 = vector.broadcast %squeeze3A_218 : f32 to vector<16xf32>
        %mul3A_231 = arith.mulf %get3A_229, %mul3A_230 : vector<16xf32>
        %add3A_232 = arith.addf %add3A_198, %mul3A_231 : vector<16xf32>
        %get3A_233 = arith.index_cast %add3A_216 : i32 to index
        %get3A_234 = arith.constant 32 : index
        %get3A_235 = tpu.vector_load %arg16[%get3A_233, %get3A_234] {strides = array<i32>} : memref<640x64xf32, #tpu.memory_space<vmem>>, vector<1x16xf32>,
        %get3A_236 = vector.shape_cast %get3A_235 : vector<1x16xf32> to vector<16xf32>
        %mul3A_237 = vector.broadcast %squeeze3A_218 : f32 to vector<16xf32>
        %mul3A_238 = arith.mulf %get3A_236, %mul3A_237 : vector<16xf32>
        %add3A_239 = arith.addf %add3A_205, %mul3A_238 : vector<16xf32>
        %get3A_240 = arith.index_cast %add3A_216 : i32 to index
        %get3A_241 = arith.constant 48 : index
        %get3A_242 = tpu.vector_load %arg16[%get3A_240, %get3A_241] {strides = array<i32>} : memref<640x64xf32, #tpu.memory_space<vmem>>, vector<1x16xf32>,
        %get3A_243 = vector.shape_cast %get3A_242 : vector<1x16xf32> to vector<16xf32>
        %mul3A_244 = vector.broadcast %squeeze3A_218 : f32 to vector<16xf32>
        %mul3A_245 = arith.mulf %get3A_243, %mul3A_244 : vector<16xf32>
        %add3A_246 = arith.addf %add3A_212, %mul3A_245 : vector<16xf32>
        %swap3A = arith.index_cast %scan3A_58 : i32 to index
        %swap3A_247 = arith.constant 0 : index
        %swap3A_248 = tpu.vector_load %arg18[%swap3A, %swap3A_247] {strides = array<i32>} : memref<32x256xf32, #tpu.memory_space<vmem>>, vector<1x16xf32>,
        %swap3A_249 = vector.shape_cast %swap3A_248 : vector<1x16xf32> to vector<16xf32>
        %swap3A_250 = vector.shape_cast %add3A_225 : vector<16xf32> to vector<1x16xf32>
        tpu.vector_store %arg18[%swap3A, %swap3A_247], %swap3A_250 {strides = array<i32>} : memref<32x256xf32, #tpu.memory_space<vmem>>, vector<1x16xf32>,
        %swap3A_251 = arith.index_cast %scan3A_58 : i32 to index
        %swap3A_252 = arith.constant 16 : index
        %swap3A_253 = tpu.vector_load %arg18[%swap3A_251, %swap3A_252] {strides = array<i32>} : memref<32x256xf32, #tpu.memory_space<vmem>>, vector<1x16xf32>,
        %swap3A_254 = vector.shape_cast %swap3A_253 : vector<1x16xf32> to vector<16xf32>
        %swap3A_255 = vector.shape_cast %add3A_232 : vector<16xf32> to vector<1x16xf32>
        tpu.vector_store %arg18[%swap3A_251, %swap3A_252], %swap3A_255 {strides = array<i32>} : memref<32x256xf32, #tpu.memory_space<vmem>>, vector<1x16xf32>,
        %swap3A_256 = arith.index_cast %scan3A_58 : i32 to index
        %swap3A_257 = arith.constant 32 : index
        %swap3A_258 = tpu.vector_load %arg18[%swap3A_256, %swap3A_257] {strides = array<i32>} : memref<32x256xf32, #tpu.memory_space<vmem>>, vector<1x16xf32>,
        %swap3A_259 = vector.shape_cast %swap3A_258 : vector<1x16xf32> to vector<16xf32>
        %swap3A_260 = vector.shape_cast %add3A_239 : vector<16xf32> to vector<1x16xf32>
        tpu.vector_store %arg18[%swap3A_256, %swap3A_257], %swap3A_260 {strides = array<i32>} : memref<32x256xf32, #tpu.memory_space<vmem>>, vector<1x16xf32>,
        %swap3A_261 = arith.index_cast %scan3A_58 : i32 to index
        %swap3A_262 = arith.constant 48 : index
        %swap3A_263 = tpu.vector_load %arg18[%swap3A_261, %swap3A_262] {strides = array<i32>} : memref<32x256xf32, #tpu.memory_space<vmem>>, vector<1x16xf32>,
        %swap3A_264 = vector.shape_cast %swap3A_263 : vector<1x16xf32> to vector<16xf32>
        %swap3A_265 = vector.shape_cast %add3A_246 : vector<16xf32> to vector<1x16xf32>
        tpu.vector_store %arg18[%swap3A_261, %swap3A_262], %swap3A_265 {strides = array<i32>} : memref<32x256xf32, #tpu.memory_space<vmem>>, vector<1x16xf32>,
        %broadcast_in_dim3A_266 = arith.constant 0.000000e+00 : f32
        %broadcast_in_dim3A_267 = vector.broadcast %broadcast_in_dim3A_266 : f32 to vector<16xf32>
        %broadcast_in_dim3A_268 = arith.constant 0.000000e+00 : f32
        %broadcast_in_dim3A_269 = vector.broadcast %broadcast_in_dim3A_268 : f32 to vector<16xf32>
        %broadcast_in_dim3A_270 = arith.constant 0.000000e+00 : f32
        %broadcast_in_dim3A_271 = vector.broadcast %broadcast_in_dim3A_270 : f32 to vector<16xf32>
        %broadcast_in_dim3A_272 = arith.constant 0.000000e+00 : f32
        %broadcast_in_dim3A_273 = vector.broadcast %broadcast_in_dim3A_272 : f32 to vector<16xf32>
        %add3A_274 = arith.constant 5 : i32
        %add3A_275 = arith.addi %mul3A_60, %add3A_274 : i32
        %add3A_276 = arith.constant 0 : i32
        %add3A_277 = arith.addi %add3A_275, %add3A_276 : i32
        %slice3A_278 = vector.extract_strided_slice %get3A_64 {offsets = [5], sizes = [1], strides = [1]} : vector<16xf32> to vector<1xf32>
        %squeeze3A_279 = vector.extract %slice3A_278[0] : f32 from vector<1xf32>
        %get3A_280 = arith.index_cast %add3A_277 : i32 to index
        %get3A_281 = arith.constant 0 : index
        %get3A_282 = tpu.vector_load %arg16[%get3A_280, %get3A_281] {strides = array<i32>} : memref<640x64xf32, #tpu.memory_space<vmem>>, vector<1x16xf32>,
        %get3A_283 = vector.shape_cast %get3A_282 : vector<1x16xf32> to vector<16xf32>
        %mul3A_284 = vector.broadcast %squeeze3A_279 : f32 to vector<16xf32>
        %mul3A_285 = arith.mulf %get3A_283, %mul3A_284 : vector<16xf32>
        %add3A_286 = arith.addf %broadcast_in_dim3A_267, %mul3A_285 : vector<16xf32>
        %get3A_287 = arith.index_cast %add3A_277 : i32 to index
        %get3A_288 = arith.constant 16 : index
        %get3A_289 = tpu.vector_load %arg16[%get3A_287, %get3A_288] {strides = array<i32>} : memref<640x64xf32, #tpu.memory_space<vmem>>, vector<1x16xf32>,
        %get3A_290 = vector.shape_cast %get3A_289 : vector<1x16xf32> to vector<16xf32>
        %mul3A_291 = vector.broadcast %squeeze3A_279 : f32 to vector<16xf32>
        %mul3A_292 = arith.mulf %get3A_290, %mul3A_291 : vector<16xf32>
        %add3A_293 = arith.addf %broadcast_in_dim3A_269, %mul3A_292 : vector<16xf32>
        %get3A_294 = arith.index_cast %add3A_277 : i32 to index
        %get3A_295 = arith.constant 32 : index
        %get3A_296 = tpu.vector_load %arg16[%get3A_294, %get3A_295] {strides = array<i32>} : memref<640x64xf32, #tpu.memory_space<vmem>>, vector<1x16xf32>,
        %get3A_297 = vector.shape_cast %get3A_296 : vector<1x16xf32> to vector<16xf32>
        %mul3A_298 = vector.broadcast %squeeze3A_279 : f32 to vector<16xf32>
        %mul3A_299 = arith.mulf %get3A_297, %mul3A_298 : vector<16xf32>
        %add3A_300 = arith.addf %broadcast_in_dim3A_271, %mul3A_299 : vector<16xf32>
        %get3A_301 = arith.index_cast %add3A_277 : i32 to index
        %get3A_302 = arith.constant 48 : index
        %get3A_303 = tpu.vector_load %arg16[%get3A_301, %get3A_302] {strides = array<i32>} : memref<640x64xf32, #tpu.memory_space<vmem>>, vector<1x16xf32>,
        %get3A_304 = vector.shape_cast %get3A_303 : vector<1x16xf32> to vector<16xf32>
        %mul3A_305 = vector.broadcast %squeeze3A_279 : f32 to vector<16xf32>
        %mul3A_306 = arith.mulf %get3A_304, %mul3A_305 : vector<16xf32>
        %add3A_307 = arith.addf %broadcast_in_dim3A_273, %mul3A_306 : vector<16xf32>
        %add3A_308 = arith.constant 5 : i32
        %add3A_309 = arith.addi %mul3A_60, %add3A_308 : i32
        %add3A_310 = arith.constant 1 : i32
        %add3A_311 = arith.addi %add3A_309, %add3A_310 : i32
        %slice3A_312 = vector.extract_strided_slice %get3A_64 {offsets = [6], sizes = [1], strides = [1]} : vector<16xf32> to vector<1xf32>
        %squeeze3A_313 = vector.extract %slice3A_312[0] : f32 from vector<1xf32>
        %get3A_314 = arith.index_cast %add3A_311 : i32 to index
        %get3A_315 = arith.constant 0 : index
        %get3A_316 = tpu.vector_load %arg16[%get3A_314, %get3A_315] {strides = array<i32>} : memref<640x64xf32, #tpu.memory_space<vmem>>, vector<1x16xf32>,
        %get3A_317 = vector.shape_cast %get3A_316 : vector<1x16xf32> to vector<16xf32>
        %mul3A_318 = vector.broadcast %squeeze3A_313 : f32 to vector<16xf32>
        %mul3A_319 = arith.mulf %get3A_317, %mul3A_318 : vector<16xf32>
        %add3A_320 = arith.addf %add3A_286, %mul3A_319 : vector<16xf32>
        %get3A_321 = arith.index_cast %add3A_311 : i32 to index
        %get3A_322 = arith.constant 16 : index
        %get3A_323 = tpu.vector_load %arg16[%get3A_321, %get3A_322] {strides = array<i32>} : memref<640x64xf32, #tpu.memory_space<vmem>>, vector<1x16xf32>,
        %get3A_324 = vector.shape_cast %get3A_323 : vector<1x16xf32> to vector<16xf32>
        %mul3A_325 = vector.broadcast %squeeze3A_313 : f32 to vector<16xf32>
        %mul3A_326 = arith.mulf %get3A_324, %mul3A_325 : vector<16xf32>
        %add3A_327 = arith.addf %add3A_293, %mul3A_326 : vector<16xf32>
        %get3A_328 = arith.index_cast %add3A_311 : i32 to index
        %get3A_329 = arith.constant 32 : index
        %get3A_330 = tpu.vector_load %arg16[%get3A_328, %get3A_329] {strides = array<i32>} : memref<640x64xf32, #tpu.memory_space<vmem>>, vector<1x16xf32>,
        %get3A_331 = vector.shape_cast %get3A_330 : vector<1x16xf32> to vector<16xf32>
        %mul3A_332 = vector.broadcast %squeeze3A_313 : f32 to vector<16xf32>
        %mul3A_333 = arith.mulf %get3A_331, %mul3A_332 : vector<16xf32>
        %add3A_334 = arith.addf %add3A_300, %mul3A_333 : vector<16xf32>
        %get3A_335 = arith.index_cast %add3A_311 : i32 to index
        %get3A_336 = arith.constant 48 : index
        %get3A_337 = tpu.vector_load %arg16[%get3A_335, %get3A_336] {strides = array<i32>} : memref<640x64xf32, #tpu.memory_space<vmem>>, vector<1x16xf32>,
        %get3A_338 = vector.shape_cast %get3A_337 : vector<1x16xf32> to vector<16xf32>
        %mul3A_339 = vector.broadcast %squeeze3A_313 : f32 to vector<16xf32>
        %mul3A_340 = arith.mulf %get3A_338, %mul3A_339 : vector<16xf32>
        %add3A_341 = arith.addf %add3A_307, %mul3A_340 : vector<16xf32>
        %add3A_342 = arith.constant 5 : i32
        %add3A_343 = arith.addi %mul3A_60, %add3A_342 : i32
        %add3A_344 = arith.constant 2 : i32
        %add3A_345 = arith.addi %add3A_343, %add3A_344 : i32
        %slice3A_346 = vector.extract_strided_slice %get3A_64 {offsets = [7], sizes = [1], strides = [1]} : vector<16xf32> to vector<1xf32>
        %squeeze3A_347 = vector.extract %slice3A_346[0] : f32 from vector<1xf32>
        %get3A_348 = arith.index_cast %add3A_345 : i32 to index
        %get3A_349 = arith.constant 0 : index
        %get3A_350 = tpu.vector_load %arg16[%get3A_348, %get3A_349] {strides = array<i32>} : memref<640x64xf32, #tpu.memory_space<vmem>>, vector<1x16xf32>,
        %get3A_351 = vector.shape_cast %get3A_350 : vector<1x16xf32> to vector<16xf32>
        %mul3A_352 = vector.broadcast %squeeze3A_347 : f32 to vector<16xf32>
        %mul3A_353 = arith.mulf %get3A_351, %mul3A_352 : vector<16xf32>
        %add3A_354 = arith.addf %add3A_320, %mul3A_353 : vector<16xf32>
        %get3A_355 = arith.index_cast %add3A_345 : i32 to index
        %get3A_356 = arith.constant 16 : index
        %get3A_357 = tpu.vector_load %arg16[%get3A_355, %get3A_356] {strides = array<i32>} : memref<640x64xf32, #tpu.memory_space<vmem>>, vector<1x16xf32>,
        %get3A_358 = vector.shape_cast %get3A_357 : vector<1x16xf32> to vector<16xf32>
        %mul3A_359 = vector.broadcast %squeeze3A_347 : f32 to vector<16xf32>
        %mul3A_360 = arith.mulf %get3A_358, %mul3A_359 : vector<16xf32>
        %add3A_361 = arith.addf %add3A_327, %mul3A_360 : vector<16xf32>
        %get3A_362 = arith.index_cast %add3A_345 : i32 to index
        %get3A_363 = arith.constant 32 : index
        %get3A_364 = tpu.vector_load %arg16[%get3A_362, %get3A_363] {strides = array<i32>} : memref<640x64xf32, #tpu.memory_space<vmem>>, vector<1x16xf32>,
        %get3A_365 = vector.shape_cast %get3A_364 : vector<1x16xf32> to vector<16xf32>
        %mul3A_366 = vector.broadcast %squeeze3A_347 : f32 to vector<16xf32>
        %mul3A_367 = arith.mulf %get3A_365, %mul3A_366 : vector<16xf32>
        %add3A_368 = arith.addf %add3A_334, %mul3A_367 : vector<16xf32>
        %get3A_369 = arith.index_cast %add3A_345 : i32 to index
        %get3A_370 = arith.constant 48 : index
        %get3A_371 = tpu.vector_load %arg16[%get3A_369, %get3A_370] {strides = array<i32>} : memref<640x64xf32, #tpu.memory_space<vmem>>, vector<1x16xf32>,
        %get3A_372 = vector.shape_cast %get3A_371 : vector<1x16xf32> to vector<16xf32>
        %mul3A_373 = vector.broadcast %squeeze3A_347 : f32 to vector<16xf32>
        %mul3A_374 = arith.mulf %get3A_372, %mul3A_373 : vector<16xf32>
        %add3A_375 = arith.addf %add3A_341, %mul3A_374 : vector<16xf32>
        %add3A_376 = arith.constant 5 : i32
        %add3A_377 = arith.addi %mul3A_60, %add3A_376 : i32
        %add3A_378 = arith.constant 3 : i32
        %add3A_379 = arith.addi %add3A_377, %add3A_378 : i32
        %slice3A_380 = vector.extract_strided_slice %get3A_64 {offsets = [8], sizes = [1], strides = [1]} : vector<16xf32> to vector<1xf32>
        %squeeze3A_381 = vector.extract %slice3A_380[0] : f32 from vector<1xf32>
        %get3A_382 = arith.index_cast %add3A_379 : i32 to index
        %get3A_383 = arith.constant 0 : index
        %get3A_384 = tpu.vector_load %arg16[%get3A_382, %get3A_383] {strides = array<i32>} : memref<640x64xf32, #tpu.memory_space<vmem>>, vector<1x16xf32>,
        %get3A_385 = vector.shape_cast %get3A_384 : vector<1x16xf32> to vector<16xf32>
        %mul3A_386 = vector.broadcast %squeeze3A_381 : f32 to vector<16xf32>
        %mul3A_387 = arith.mulf %get3A_385, %mul3A_386 : vector<16xf32>
        %add3A_388 = arith.addf %add3A_354, %mul3A_387 : vector<16xf32>
        %get3A_389 = arith.index_cast %add3A_379 : i32 to index
        %get3A_390 = arith.constant 16 : index
        %get3A_391 = tpu.vector_load %arg16[%get3A_389, %get3A_390] {strides = array<i32>} : memref<640x64xf32, #tpu.memory_space<vmem>>, vector<1x16xf32>,
        %get3A_392 = vector.shape_cast %get3A_391 : vector<1x16xf32> to vector<16xf32>
        %mul3A_393 = vector.broadcast %squeeze3A_381 : f32 to vector<16xf32>
        %mul3A_394 = arith.mulf %get3A_392, %mul3A_393 : vector<16xf32>
        %add3A_395 = arith.addf %add3A_361, %mul3A_394 : vector<16xf32>
        %get3A_396 = arith.index_cast %add3A_379 : i32 to index
        %get3A_397 = arith.constant 32 : index
        %get3A_398 = tpu.vector_load %arg16[%get3A_396, %get3A_397] {strides = array<i32>} : memref<640x64xf32, #tpu.memory_space<vmem>>, vector<1x16xf32>,
        %get3A_399 = vector.shape_cast %get3A_398 : vector<1x16xf32> to vector<16xf32>
        %mul3A_400 = vector.broadcast %squeeze3A_381 : f32 to vector<16xf32>
        %mul3A_401 = arith.mulf %get3A_399, %mul3A_400 : vector<16xf32>
        %add3A_402 = arith.addf %add3A_368, %mul3A_401 : vector<16xf32>
        %get3A_403 = arith.index_cast %add3A_379 : i32 to index
        %get3A_404 = arith.constant 48 : index
        %get3A_405 = tpu.vector_load %arg16[%get3A_403, %get3A_404] {strides = array<i32>} : memref<640x64xf32, #tpu.memory_space<vmem>>, vector<1x16xf32>,
        %get3A_406 = vector.shape_cast %get3A_405 : vector<1x16xf32> to vector<16xf32>
        %mul3A_407 = vector.broadcast %squeeze3A_381 : f32 to vector<16xf32>
        %mul3A_408 = arith.mulf %get3A_406, %mul3A_407 : vector<16xf32>
        %add3A_409 = arith.addf %add3A_375, %mul3A_408 : vector<16xf32>
        %add3A_410 = arith.constant 5 : i32
        %add3A_411 = arith.addi %mul3A_60, %add3A_410 : i32
        %add3A_412 = arith.constant 4 : i32
        %add3A_413 = arith.addi %add3A_411, %add3A_412 : i32
        %slice3A_414 = vector.extract_strided_slice %get3A_64 {offsets = [9], sizes = [1], strides = [1]} : vector<16xf32> to vector<1xf32>
        %squeeze3A_415 = vector.extract %slice3A_414[0] : f32 from vector<1xf32>
        %get3A_416 = arith.index_cast %add3A_413 : i32 to index
        %get3A_417 = arith.constant 0 : index
        %get3A_418 = tpu.vector_load %arg16[%get3A_416, %get3A_417] {strides = array<i32>} : memref<640x64xf32, #tpu.memory_space<vmem>>, vector<1x16xf32>,
        %get3A_419 = vector.shape_cast %get3A_418 : vector<1x16xf32> to vector<16xf32>
        %mul3A_420 = vector.broadcast %squeeze3A_415 : f32 to vector<16xf32>
        %mul3A_421 = arith.mulf %get3A_419, %mul3A_420 : vector<16xf32>
        %add3A_422 = arith.addf %add3A_388, %mul3A_421 : vector<16xf32>
        %get3A_423 = arith.index_cast %add3A_413 : i32 to index
        %get3A_424 = arith.constant 16 : index
        %get3A_425 = tpu.vector_load %arg16[%get3A_423, %get3A_424] {strides = array<i32>} : memref<640x64xf32, #tpu.memory_space<vmem>>, vector<1x16xf32>,
        %get3A_426 = vector.shape_cast %get3A_425 : vector<1x16xf32> to vector<16xf32>
        %mul3A_427 = vector.broadcast %squeeze3A_415 : f32 to vector<16xf32>
        %mul3A_428 = arith.mulf %get3A_426, %mul3A_427 : vector<16xf32>
        %add3A_429 = arith.addf %add3A_395, %mul3A_428 : vector<16xf32>
        %get3A_430 = arith.index_cast %add3A_413 : i32 to index
        %get3A_431 = arith.constant 32 : index
        %get3A_432 = tpu.vector_load %arg16[%get3A_430, %get3A_431] {strides = array<i32>} : memref<640x64xf32, #tpu.memory_space<vmem>>, vector<1x16xf32>,
        %get3A_433 = vector.shape_cast %get3A_432 : vector<1x16xf32> to vector<16xf32>
        %mul3A_434 = vector.broadcast %squeeze3A_415 : f32 to vector<16xf32>
        %mul3A_435 = arith.mulf %get3A_433, %mul3A_434 : vector<16xf32>
        %add3A_436 = arith.addf %add3A_402, %mul3A_435 : vector<16xf32>
        %get3A_437 = arith.index_cast %add3A_413 : i32 to index
        %get3A_438 = arith.constant 48 : index
        %get3A_439 = tpu.vector_load %arg16[%get3A_437, %get3A_438] {strides = array<i32>} : memref<640x64xf32, #tpu.memory_space<vmem>>, vector<1x16xf32>,
        %get3A_440 = vector.shape_cast %get3A_439 : vector<1x16xf32> to vector<16xf32>
        %mul3A_441 = vector.broadcast %squeeze3A_415 : f32 to vector<16xf32>
        %mul3A_442 = arith.mulf %get3A_440, %mul3A_441 : vector<16xf32>
        %add3A_443 = arith.addf %add3A_409, %mul3A_442 : vector<16xf32>
        %swap3A_444 = arith.index_cast %scan3A_58 : i32 to index
        %swap3A_445 = arith.constant 64 : index
        %swap3A_446 = tpu.vector_load %arg18[%swap3A_444, %swap3A_445] {strides = array<i32>} : memref<32x256xf32, #tpu.memory_space<vmem>>, vector<1x16xf32>,
        %swap3A_447 = vector.shape_cast %swap3A_446 : vector<1x16xf32> to vector<16xf32>
        %swap3A_448 = vector.shape_cast %add3A_422 : vector<16xf32> to vector<1x16xf32>
        tpu.vector_store %arg18[%swap3A_444, %swap3A_445], %swap3A_448 {strides = array<i32>} : memref<32x256xf32, #tpu.memory_space<vmem>>, vector<1x16xf32>,
        %swap3A_449 = arith.index_cast %scan3A_58 : i32 to index
        %swap3A_450 = arith.constant 80 : index
        %swap3A_451 = tpu.vector_load %arg18[%swap3A_449, %swap3A_450] {strides = array<i32>} : memref<32x256xf32, #tpu.memory_space<vmem>>, vector<1x16xf32>,
        %swap3A_452 = vector.shape_cast %swap3A_451 : vector<1x16xf32> to vector<16xf32>
        %swap3A_453 = vector.shape_cast %add3A_429 : vector<16xf32> to vector<1x16xf32>
        tpu.vector_store %arg18[%swap3A_449, %swap3A_450], %swap3A_453 {strides = array<i32>} : memref<32x256xf32, #tpu.memory_space<vmem>>, vector<1x16xf32>,
        %swap3A_454 = arith.index_cast %scan3A_58 : i32 to index
        %swap3A_455 = arith.constant 96 : index
        %swap3A_456 = tpu.vector_load %arg18[%swap3A_454, %swap3A_455] {strides = array<i32>} : memref<32x256xf32, #tpu.memory_space<vmem>>, vector<1x16xf32>,
        %swap3A_457 = vector.shape_cast %swap3A_456 : vector<1x16xf32> to vector<16xf32>
        %swap3A_458 = vector.shape_cast %add3A_436 : vector<16xf32> to vector<1x16xf32>
        tpu.vector_store %arg18[%swap3A_454, %swap3A_455], %swap3A_458 {strides = array<i32>} : memref<32x256xf32, #tpu.memory_space<vmem>>, vector<1x16xf32>,
        %swap3A_459 = arith.index_cast %scan3A_58 : i32 to index
        %swap3A_460 = arith.constant 112 : index
        %swap3A_461 = tpu.vector_load %arg18[%swap3A_459, %swap3A_460] {strides = array<i32>} : memref<32x256xf32, #tpu.memory_space<vmem>>, vector<1x16xf32>,
        %swap3A_462 = vector.shape_cast %swap3A_461 : vector<1x16xf32> to vector<16xf32>
        %swap3A_463 = vector.shape_cast %add3A_443 : vector<16xf32> to vector<1x16xf32>
        tpu.vector_store %arg18[%swap3A_459, %swap3A_460], %swap3A_463 {strides = array<i32>} : memref<32x256xf32, #tpu.memory_space<vmem>>, vector<1x16xf32>,
        %broadcast_in_dim3A_464 = arith.constant 0.000000e+00 : f32
        %broadcast_in_dim3A_465 = vector.broadcast %broadcast_in_dim3A_464 : f32 to vector<16xf32>
        %broadcast_in_dim3A_466 = arith.constant 0.000000e+00 : f32
        %broadcast_in_dim3A_467 = vector.broadcast %broadcast_in_dim3A_466 : f32 to vector<16xf32>
        %broadcast_in_dim3A_468 = arith.constant 0.000000e+00 : f32
        %broadcast_in_dim3A_469 = vector.broadcast %broadcast_in_dim3A_468 : f32 to vector<16xf32>
        %broadcast_in_dim3A_470 = arith.constant 0.000000e+00 : f32
        %broadcast_in_dim3A_471 = vector.broadcast %broadcast_in_dim3A_470 : f32 to vector<16xf32>
        %add3A_472 = arith.constant 10 : i32
        %add3A_473 = arith.addi %mul3A_60, %add3A_472 : i32
        %add3A_474 = arith.constant 0 : i32
        %add3A_475 = arith.addi %add3A_473, %add3A_474 : i32
        %slice3A_476 = vector.extract_strided_slice %get3A_64 {offsets = [10], sizes = [1], strides = [1]} : vector<16xf32> to vector<1xf32>
        %squeeze3A_477 = vector.extract %slice3A_476[0] : f32 from vector<1xf32>
        %get3A_478 = arith.index_cast %add3A_475 : i32 to index
        %get3A_479 = arith.constant 0 : index
        %get3A_480 = tpu.vector_load %arg16[%get3A_478, %get3A_479] {strides = array<i32>} : memref<640x64xf32, #tpu.memory_space<vmem>>, vector<1x16xf32>,
        %get3A_481 = vector.shape_cast %get3A_480 : vector<1x16xf32> to vector<16xf32>
        %mul3A_482 = vector.broadcast %squeeze3A_477 : f32 to vector<16xf32>
        %mul3A_483 = arith.mulf %get3A_481, %mul3A_482 : vector<16xf32>
        %add3A_484 = arith.addf %broadcast_in_dim3A_465, %mul3A_483 : vector<16xf32>
        %get3A_485 = arith.index_cast %add3A_475 : i32 to index
        %get3A_486 = arith.constant 16 : index
        %get3A_487 = tpu.vector_load %arg16[%get3A_485, %get3A_486] {strides = array<i32>} : memref<640x64xf32, #tpu.memory_space<vmem>>, vector<1x16xf32>,
        %get3A_488 = vector.shape_cast %get3A_487 : vector<1x16xf32> to vector<16xf32>
        %mul3A_489 = vector.broadcast %squeeze3A_477 : f32 to vector<16xf32>
        %mul3A_490 = arith.mulf %get3A_488, %mul3A_489 : vector<16xf32>
        %add3A_491 = arith.addf %broadcast_in_dim3A_467, %mul3A_490 : vector<16xf32>
        %get3A_492 = arith.index_cast %add3A_475 : i32 to index
        %get3A_493 = arith.constant 32 : index
        %get3A_494 = tpu.vector_load %arg16[%get3A_492, %get3A_493] {strides = array<i32>} : memref<640x64xf32, #tpu.memory_space<vmem>>, vector<1x16xf32>,
        %get3A_495 = vector.shape_cast %get3A_494 : vector<1x16xf32> to vector<16xf32>
        %mul3A_496 = vector.broadcast %squeeze3A_477 : f32 to vector<16xf32>
        %mul3A_497 = arith.mulf %get3A_495, %mul3A_496 : vector<16xf32>
        %add3A_498 = arith.addf %broadcast_in_dim3A_469, %mul3A_497 : vector<16xf32>
        %get3A_499 = arith.index_cast %add3A_475 : i32 to index
        %get3A_500 = arith.constant 48 : index
        %get3A_501 = tpu.vector_load %arg16[%get3A_499, %get3A_500] {strides = array<i32>} : memref<640x64xf32, #tpu.memory_space<vmem>>, vector<1x16xf32>,
        %get3A_502 = vector.shape_cast %get3A_501 : vector<1x16xf32> to vector<16xf32>
        %mul3A_503 = vector.broadcast %squeeze3A_477 : f32 to vector<16xf32>
        %mul3A_504 = arith.mulf %get3A_502, %mul3A_503 : vector<16xf32>
        %add3A_505 = arith.addf %broadcast_in_dim3A_471, %mul3A_504 : vector<16xf32>
        %add3A_506 = arith.constant 10 : i32
        %add3A_507 = arith.addi %mul3A_60, %add3A_506 : i32
        %add3A_508 = arith.constant 1 : i32
        %add3A_509 = arith.addi %add3A_507, %add3A_508 : i32
        %slice3A_510 = vector.extract_strided_slice %get3A_64 {offsets = [11], sizes = [1], strides = [1]} : vector<16xf32> to vector<1xf32>
        %squeeze3A_511 = vector.extract %slice3A_510[0] : f32 from vector<1xf32>
        %get3A_512 = arith.index_cast %add3A_509 : i32 to index
        %get3A_513 = arith.constant 0 : index
        %get3A_514 = tpu.vector_load %arg16[%get3A_512, %get3A_513] {strides = array<i32>} : memref<640x64xf32, #tpu.memory_space<vmem>>, vector<1x16xf32>,
        %get3A_515 = vector.shape_cast %get3A_514 : vector<1x16xf32> to vector<16xf32>
        %mul3A_516 = vector.broadcast %squeeze3A_511 : f32 to vector<16xf32>
        %mul3A_517 = arith.mulf %get3A_515, %mul3A_516 : vector<16xf32>
        %add3A_518 = arith.addf %add3A_484, %mul3A_517 : vector<16xf32>
        %get3A_519 = arith.index_cast %add3A_509 : i32 to index
        %get3A_520 = arith.constant 16 : index
        %get3A_521 = tpu.vector_load %arg16[%get3A_519, %get3A_520] {strides = array<i32>} : memref<640x64xf32, #tpu.memory_space<vmem>>, vector<1x16xf32>,
        %get3A_522 = vector.shape_cast %get3A_521 : vector<1x16xf32> to vector<16xf32>
        %mul3A_523 = vector.broadcast %squeeze3A_511 : f32 to vector<16xf32>
        %mul3A_524 = arith.mulf %get3A_522, %mul3A_523 : vector<16xf32>
        %add3A_525 = arith.addf %add3A_491, %mul3A_524 : vector<16xf32>
        %get3A_526 = arith.index_cast %add3A_509 : i32 to index
        %get3A_527 = arith.constant 32 : index
        %get3A_528 = tpu.vector_load %arg16[%get3A_526, %get3A_527] {strides = array<i32>} : memref<640x64xf32, #tpu.memory_space<vmem>>, vector<1x16xf32>,
        %get3A_529 = vector.shape_cast %get3A_528 : vector<1x16xf32> to vector<16xf32>
        %mul3A_530 = vector.broadcast %squeeze3A_511 : f32 to vector<16xf32>
        %mul3A_531 = arith.mulf %get3A_529, %mul3A_530 : vector<16xf32>
        %add3A_532 = arith.addf %add3A_498, %mul3A_531 : vector<16xf32>
        %get3A_533 = arith.index_cast %add3A_509 : i32 to index
        %get3A_534 = arith.constant 48 : index
        %get3A_535 = tpu.vector_load %arg16[%get3A_533, %get3A_534] {strides = array<i32>} : memref<640x64xf32, #tpu.memory_space<vmem>>, vector<1x16xf32>,
        %get3A_536 = vector.shape_cast %get3A_535 : vector<1x16xf32> to vector<16xf32>
        %mul3A_537 = vector.broadcast %squeeze3A_511 : f32 to vector<16xf32>
        %mul3A_538 = arith.mulf %get3A_536, %mul3A_537 : vector<16xf32>
        %add3A_539 = arith.addf %add3A_505, %mul3A_538 : vector<16xf32>
        %add3A_540 = arith.constant 10 : i32
        %add3A_541 = arith.addi %mul3A_60, %add3A_540 : i32
        %add3A_542 = arith.constant 2 : i32
        %add3A_543 = arith.addi %add3A_541, %add3A_542 : i32
        %slice3A_544 = vector.extract_strided_slice %get3A_64 {offsets = [12], sizes = [1], strides = [1]} : vector<16xf32> to vector<1xf32>
        %squeeze3A_545 = vector.extract %slice3A_544[0] : f32 from vector<1xf32>
        %get3A_546 = arith.index_cast %add3A_543 : i32 to index
        %get3A_547 = arith.constant 0 : index
        %get3A_548 = tpu.vector_load %arg16[%get3A_546, %get3A_547] {strides = array<i32>} : memref<640x64xf32, #tpu.memory_space<vmem>>, vector<1x16xf32>,
        %get3A_549 = vector.shape_cast %get3A_548 : vector<1x16xf32> to vector<16xf32>
        %mul3A_550 = vector.broadcast %squeeze3A_545 : f32 to vector<16xf32>
        %mul3A_551 = arith.mulf %get3A_549, %mul3A_550 : vector<16xf32>
        %add3A_552 = arith.addf %add3A_518, %mul3A_551 : vector<16xf32>
        %get3A_553 = arith.index_cast %add3A_543 : i32 to index
        %get3A_554 = arith.constant 16 : index
        %get3A_555 = tpu.vector_load %arg16[%get3A_553, %get3A_554] {strides = array<i32>} : memref<640x64xf32, #tpu.memory_space<vmem>>, vector<1x16xf32>,
        %get3A_556 = vector.shape_cast %get3A_555 : vector<1x16xf32> to vector<16xf32>
        %mul3A_557 = vector.broadcast %squeeze3A_545 : f32 to vector<16xf32>
        %mul3A_558 = arith.mulf %get3A_556, %mul3A_557 : vector<16xf32>
        %add3A_559 = arith.addf %add3A_525, %mul3A_558 : vector<16xf32>
        %get3A_560 = arith.index_cast %add3A_543 : i32 to index
        %get3A_561 = arith.constant 32 : index
        %get3A_562 = tpu.vector_load %arg16[%get3A_560, %get3A_561] {strides = array<i32>} : memref<640x64xf32, #tpu.memory_space<vmem>>, vector<1x16xf32>,
        %get3A_563 = vector.shape_cast %get3A_562 : vector<1x16xf32> to vector<16xf32>
        %mul3A_564 = vector.broadcast %squeeze3A_545 : f32 to vector<16xf32>
        %mul3A_565 = arith.mulf %get3A_563, %mul3A_564 : vector<16xf32>
        %add3A_566 = arith.addf %add3A_532, %mul3A_565 : vector<16xf32>
        %get3A_567 = arith.index_cast %add3A_543 : i32 to index
        %get3A_568 = arith.constant 48 : index
        %get3A_569 = tpu.vector_load %arg16[%get3A_567, %get3A_568] {strides = array<i32>} : memref<640x64xf32, #tpu.memory_space<vmem>>, vector<1x16xf32>,
        %get3A_570 = vector.shape_cast %get3A_569 : vector<1x16xf32> to vector<16xf32>
        %mul3A_571 = vector.broadcast %squeeze3A_545 : f32 to vector<16xf32>
        %mul3A_572 = arith.mulf %get3A_570, %mul3A_571 : vector<16xf32>
        %add3A_573 = arith.addf %add3A_539, %mul3A_572 : vector<16xf32>
        %add3A_574 = arith.constant 10 : i32
        %add3A_575 = arith.addi %mul3A_60, %add3A_574 : i32
        %add3A_576 = arith.constant 3 : i32
        %add3A_577 = arith.addi %add3A_575, %add3A_576 : i32
        %slice3A_578 = vector.extract_strided_slice %get3A_64 {offsets = [13], sizes = [1], strides = [1]} : vector<16xf32> to vector<1xf32>
        %squeeze3A_579 = vector.extract %slice3A_578[0] : f32 from vector<1xf32>
        %get3A_580 = arith.index_cast %add3A_577 : i32 to index
        %get3A_581 = arith.constant 0 : index
        %get3A_582 = tpu.vector_load %arg16[%get3A_580, %get3A_581] {strides = array<i32>} : memref<640x64xf32, #tpu.memory_space<vmem>>, vector<1x16xf32>,
        %get3A_583 = vector.shape_cast %get3A_582 : vector<1x16xf32> to vector<16xf32>
        %mul3A_584 = vector.broadcast %squeeze3A_579 : f32 to vector<16xf32>
        %mul3A_585 = arith.mulf %get3A_583, %mul3A_584 : vector<16xf32>
        %add3A_586 = arith.addf %add3A_552, %mul3A_585 : vector<16xf32>
        %get3A_587 = arith.index_cast %add3A_577 : i32 to index
        %get3A_588 = arith.constant 16 : index
        %get3A_589 = tpu.vector_load %arg16[%get3A_587, %get3A_588] {strides = array<i32>} : memref<640x64xf32, #tpu.memory_space<vmem>>, vector<1x16xf32>,
        %get3A_590 = vector.shape_cast %get3A_589 : vector<1x16xf32> to vector<16xf32>
        %mul3A_591 = vector.broadcast %squeeze3A_579 : f32 to vector<16xf32>
        %mul3A_592 = arith.mulf %get3A_590, %mul3A_591 : vector<16xf32>
        %add3A_593 = arith.addf %add3A_559, %mul3A_592 : vector<16xf32>
        %get3A_594 = arith.index_cast %add3A_577 : i32 to index
        %get3A_595 = arith.constant 32 : index
        %get3A_596 = tpu.vector_load %arg16[%get3A_594, %get3A_595] {strides = array<i32>} : memref<640x64xf32, #tpu.memory_space<vmem>>, vector<1x16xf32>,
        %get3A_597 = vector.shape_cast %get3A_596 : vector<1x16xf32> to vector<16xf32>
        %mul3A_598 = vector.broadcast %squeeze3A_579 : f32 to vector<16xf32>
        %mul3A_599 = arith.mulf %get3A_597, %mul3A_598 : vector<16xf32>
        %add3A_600 = arith.addf %add3A_566, %mul3A_599 : vector<16xf32>
        %get3A_601 = arith.index_cast %add3A_577 : i32 to index
        %get3A_602 = arith.constant 48 : index
        %get3A_603 = tpu.vector_load %arg16[%get3A_601, %get3A_602] {strides = array<i32>} : memref<640x64xf32, #tpu.memory_space<vmem>>, vector<1x16xf32>,
        %get3A_604 = vector.shape_cast %get3A_603 : vector<1x16xf32> to vector<16xf32>
        %mul3A_605 = vector.broadcast %squeeze3A_579 : f32 to vector<16xf32>
        %mul3A_606 = arith.mulf %get3A_604, %mul3A_605 : vector<16xf32>
        %add3A_607 = arith.addf %add3A_573, %mul3A_606 : vector<16xf32>
        %add3A_608 = arith.constant 10 : i32
        %add3A_609 = arith.addi %mul3A_60, %add3A_608 : i32
        %add3A_610 = arith.constant 4 : i32
        %add3A_611 = arith.addi %add3A_609, %add3A_610 : i32
        %slice3A_612 = vector.extract_strided_slice %get3A_64 {offsets = [14], sizes = [1], strides = [1]} : vector<16xf32> to vector<1xf32>
        %squeeze3A_613 = vector.extract %slice3A_612[0] : f32 from vector<1xf32>
        %get3A_614 = arith.index_cast %add3A_611 : i32 to index
        %get3A_615 = arith.constant 0 : index
        %get3A_616 = tpu.vector_load %arg16[%get3A_614, %get3A_615] {strides = array<i32>} : memref<640x64xf32, #tpu.memory_space<vmem>>, vector<1x16xf32>,
        %get3A_617 = vector.shape_cast %get3A_616 : vector<1x16xf32> to vector<16xf32>
        %mul3A_618 = vector.broadcast %squeeze3A_613 : f32 to vector<16xf32>
        %mul3A_619 = arith.mulf %get3A_617, %mul3A_618 : vector<16xf32>
        %add3A_620 = arith.addf %add3A_586, %mul3A_619 : vector<16xf32>
        %get3A_621 = arith.index_cast %add3A_611 : i32 to index
        %get3A_622 = arith.constant 16 : index
        %get3A_623 = tpu.vector_load %arg16[%get3A_621, %get3A_622] {strides = array<i32>} : memref<640x64xf32, #tpu.memory_space<vmem>>, vector<1x16xf32>,
        %get3A_624 = vector.shape_cast %get3A_623 : vector<1x16xf32> to vector<16xf32>
        %mul3A_625 = vector.broadcast %squeeze3A_613 : f32 to vector<16xf32>
        %mul3A_626 = arith.mulf %get3A_624, %mul3A_625 : vector<16xf32>
        %add3A_627 = arith.addf %add3A_593, %mul3A_626 : vector<16xf32>
        %get3A_628 = arith.index_cast %add3A_611 : i32 to index
        %get3A_629 = arith.constant 32 : index
        %get3A_630 = tpu.vector_load %arg16[%get3A_628, %get3A_629] {strides = array<i32>} : memref<640x64xf32, #tpu.memory_space<vmem>>, vector<1x16xf32>,
        %get3A_631 = vector.shape_cast %get3A_630 : vector<1x16xf32> to vector<16xf32>
        %mul3A_632 = vector.broadcast %squeeze3A_613 : f32 to vector<16xf32>
        %mul3A_633 = arith.mulf %get3A_631, %mul3A_632 : vector<16xf32>
        %add3A_634 = arith.addf %add3A_600, %mul3A_633 : vector<16xf32>
        %get3A_635 = arith.index_cast %add3A_611 : i32 to index
        %get3A_636 = arith.constant 48 : index
        %get3A_637 = tpu.vector_load %arg16[%get3A_635, %get3A_636] {strides = array<i32>} : memref<640x64xf32, #tpu.memory_space<vmem>>, vector<1x16xf32>,
        %get3A_638 = vector.shape_cast %get3A_637 : vector<1x16xf32> to vector<16xf32>
        %mul3A_639 = vector.broadcast %squeeze3A_613 : f32 to vector<16xf32>
        %mul3A_640 = arith.mulf %get3A_638, %mul3A_639 : vector<16xf32>
        %add3A_641 = arith.addf %add3A_607, %mul3A_640 : vector<16xf32>
        %swap3A_642 = arith.index_cast %scan3A_58 : i32 to index
        %swap3A_643 = arith.constant 128 : index
        %swap3A_644 = tpu.vector_load %arg18[%swap3A_642, %swap3A_643] {strides = array<i32>} : memref<32x256xf32, #tpu.memory_space<vmem>>, vector<1x16xf32>,
        %swap3A_645 = vector.shape_cast %swap3A_644 : vector<1x16xf32> to vector<16xf32>
        %swap3A_646 = vector.shape_cast %add3A_620 : vector<16xf32> to vector<1x16xf32>
        tpu.vector_store %arg18[%swap3A_642, %swap3A_643], %swap3A_646 {strides = array<i32>} : memref<32x256xf32, #tpu.memory_space<vmem>>, vector<1x16xf32>,
        %swap3A_647 = arith.index_cast %scan3A_58 : i32 to index
        %swap3A_648 = arith.constant 144 : index
        %swap3A_649 = tpu.vector_load %arg18[%swap3A_647, %swap3A_648] {strides = array<i32>} : memref<32x256xf32, #tpu.memory_space<vmem>>, vector<1x16xf32>,
        %swap3A_650 = vector.shape_cast %swap3A_649 : vector<1x16xf32> to vector<16xf32>
        %swap3A_651 = vector.shape_cast %add3A_627 : vector<16xf32> to vector<1x16xf32>
        tpu.vector_store %arg18[%swap3A_647, %swap3A_648], %swap3A_651 {strides = array<i32>} : memref<32x256xf32, #tpu.memory_space<vmem>>, vector<1x16xf32>,
        %swap3A_652 = arith.index_cast %scan3A_58 : i32 to index
        %swap3A_653 = arith.constant 160 : index
        %swap3A_654 = tpu.vector_load %arg18[%swap3A_652, %swap3A_653] {strides = array<i32>} : memref<32x256xf32, #tpu.memory_space<vmem>>, vector<1x16xf32>,
        %swap3A_655 = vector.shape_cast %swap3A_654 : vector<1x16xf32> to vector<16xf32>
        %swap3A_656 = vector.shape_cast %add3A_634 : vector<16xf32> to vector<1x16xf32>
        tpu.vector_store %arg18[%swap3A_652, %swap3A_653], %swap3A_656 {strides = array<i32>} : memref<32x256xf32, #tpu.memory_space<vmem>>, vector<1x16xf32>,
        %swap3A_657 = arith.index_cast %scan3A_58 : i32 to index
        %swap3A_658 = arith.constant 176 : index
        %swap3A_659 = tpu.vector_load %arg18[%swap3A_657, %swap3A_658] {strides = array<i32>} : memref<32x256xf32, #tpu.memory_space<vmem>>, vector<1x16xf32>,
        %swap3A_660 = vector.shape_cast %swap3A_659 : vector<1x16xf32> to vector<16xf32>
        %swap3A_661 = vector.shape_cast %add3A_641 : vector<16xf32> to vector<1x16xf32>
        tpu.vector_store %arg18[%swap3A_657, %swap3A_658], %swap3A_661 {strides = array<i32>} : memref<32x256xf32, #tpu.memory_space<vmem>>, vector<1x16xf32>,
        %broadcast_in_dim3A_662 = arith.constant 0.000000e+00 : f32
        %broadcast_in_dim3A_663 = vector.broadcast %broadcast_in_dim3A_662 : f32 to vector<16xf32>
        %broadcast_in_dim3A_664 = arith.constant 0.000000e+00 : f32
        %broadcast_in_dim3A_665 = vector.broadcast %broadcast_in_dim3A_664 : f32 to vector<16xf32>
        %broadcast_in_dim3A_666 = arith.constant 0.000000e+00 : f32
        %broadcast_in_dim3A_667 = vector.broadcast %broadcast_in_dim3A_666 : f32 to vector<16xf32>
        %broadcast_in_dim3A_668 = arith.constant 0.000000e+00 : f32
        %broadcast_in_dim3A_669 = vector.broadcast %broadcast_in_dim3A_668 : f32 to vector<16xf32>
        %add3A_670 = arith.constant 15 : i32
        %add3A_671 = arith.addi %mul3A_60, %add3A_670 : i32
        %add3A_672 = arith.constant 0 : i32
        %add3A_673 = arith.addi %add3A_671, %add3A_672 : i32
        %slice3A_674 = vector.extract_strided_slice %get3A_64 {offsets = [15], sizes = [1], strides = [1]} : vector<16xf32> to vector<1xf32>
        %squeeze3A_675 = vector.extract %slice3A_674[0] : f32 from vector<1xf32>
        %get3A_676 = arith.index_cast %add3A_673 : i32 to index
        %get3A_677 = arith.constant 0 : index
        %get3A_678 = tpu.vector_load %arg16[%get3A_676, %get3A_677] {strides = array<i32>} : memref<640x64xf32, #tpu.memory_space<vmem>>, vector<1x16xf32>,
        %get3A_679 = vector.shape_cast %get3A_678 : vector<1x16xf32> to vector<16xf32>
        %mul3A_680 = vector.broadcast %squeeze3A_675 : f32 to vector<16xf32>
        %mul3A_681 = arith.mulf %get3A_679, %mul3A_680 : vector<16xf32>
        %add3A_682 = arith.addf %broadcast_in_dim3A_663, %mul3A_681 : vector<16xf32>
        %get3A_683 = arith.index_cast %add3A_673 : i32 to index
        %get3A_684 = arith.constant 16 : index
        %get3A_685 = tpu.vector_load %arg16[%get3A_683, %get3A_684] {strides = array<i32>} : memref<640x64xf32, #tpu.memory_space<vmem>>, vector<1x16xf32>,
        %get3A_686 = vector.shape_cast %get3A_685 : vector<1x16xf32> to vector<16xf32>
        %mul3A_687 = vector.broadcast %squeeze3A_675 : f32 to vector<16xf32>
        %mul3A_688 = arith.mulf %get3A_686, %mul3A_687 : vector<16xf32>
        %add3A_689 = arith.addf %broadcast_in_dim3A_665, %mul3A_688 : vector<16xf32>
        %get3A_690 = arith.index_cast %add3A_673 : i32 to index
        %get3A_691 = arith.constant 32 : index
        %get3A_692 = tpu.vector_load %arg16[%get3A_690, %get3A_691] {strides = array<i32>} : memref<640x64xf32, #tpu.memory_space<vmem>>, vector<1x16xf32>,
        %get3A_693 = vector.shape_cast %get3A_692 : vector<1x16xf32> to vector<16xf32>
        %mul3A_694 = vector.broadcast %squeeze3A_675 : f32 to vector<16xf32>
        %mul3A_695 = arith.mulf %get3A_693, %mul3A_694 : vector<16xf32>
        %add3A_696 = arith.addf %broadcast_in_dim3A_667, %mul3A_695 : vector<16xf32>
        %get3A_697 = arith.index_cast %add3A_673 : i32 to index
        %get3A_698 = arith.constant 48 : index
        %get3A_699 = tpu.vector_load %arg16[%get3A_697, %get3A_698] {strides = array<i32>} : memref<640x64xf32, #tpu.memory_space<vmem>>, vector<1x16xf32>,
        %get3A_700 = vector.shape_cast %get3A_699 : vector<1x16xf32> to vector<16xf32>
        %mul3A_701 = vector.broadcast %squeeze3A_675 : f32 to vector<16xf32>
        %mul3A_702 = arith.mulf %get3A_700, %mul3A_701 : vector<16xf32>
        %add3A_703 = arith.addf %broadcast_in_dim3A_669, %mul3A_702 : vector<16xf32>
        %add3A_704 = arith.constant 15 : i32
        %add3A_705 = arith.addi %mul3A_60, %add3A_704 : i32
        %add3A_706 = arith.constant 1 : i32
        %add3A_707 = arith.addi %add3A_705, %add3A_706 : i32
        %slice3A_708 = vector.extract_strided_slice %get3A_71 {offsets = [0], sizes = [1], strides = [1]} : vector<16xf32> to vector<1xf32>
        %squeeze3A_709 = vector.extract %slice3A_708[0] : f32 from vector<1xf32>
        %get3A_710 = arith.index_cast %add3A_707 : i32 to index
        %get3A_711 = arith.constant 0 : index
        %get3A_712 = tpu.vector_load %arg16[%get3A_710, %get3A_711] {strides = array<i32>} : memref<640x64xf32, #tpu.memory_space<vmem>>, vector<1x16xf32>,
        %get3A_713 = vector.shape_cast %get3A_712 : vector<1x16xf32> to vector<16xf32>
        %mul3A_714 = vector.broadcast %squeeze3A_709 : f32 to vector<16xf32>
        %mul3A_715 = arith.mulf %get3A_713, %mul3A_714 : vector<16xf32>
        %add3A_716 = arith.addf %add3A_682, %mul3A_715 : vector<16xf32>
        %get3A_717 = arith.index_cast %add3A_707 : i32 to index
        %get3A_718 = arith.constant 16 : index
        %get3A_719 = tpu.vector_load %arg16[%get3A_717, %get3A_718] {strides = array<i32>} : memref<640x64xf32, #tpu.memory_space<vmem>>, vector<1x16xf32>,
        %get3A_720 = vector.shape_cast %get3A_719 : vector<1x16xf32> to vector<16xf32>
        %mul3A_721 = vector.broadcast %squeeze3A_709 : f32 to vector<16xf32>
        %mul3A_722 = arith.mulf %get3A_720, %mul3A_721 : vector<16xf32>
        %add3A_723 = arith.addf %add3A_689, %mul3A_722 : vector<16xf32>
        %get3A_724 = arith.index_cast %add3A_707 : i32 to index
        %get3A_725 = arith.constant 32 : index
        %get3A_726 = tpu.vector_load %arg16[%get3A_724, %get3A_725] {strides = array<i32>} : memref<640x64xf32, #tpu.memory_space<vmem>>, vector<1x16xf32>,
        %get3A_727 = vector.shape_cast %get3A_726 : vector<1x16xf32> to vector<16xf32>
        %mul3A_728 = vector.broadcast %squeeze3A_709 : f32 to vector<16xf32>
        %mul3A_729 = arith.mulf %get3A_727, %mul3A_728 : vector<16xf32>
        %add3A_730 = arith.addf %add3A_696, %mul3A_729 : vector<16xf32>
        %get3A_731 = arith.index_cast %add3A_707 : i32 to index
        %get3A_732 = arith.constant 48 : index
        %get3A_733 = tpu.vector_load %arg16[%get3A_731, %get3A_732] {strides = array<i32>} : memref<640x64xf32, #tpu.memory_space<vmem>>, vector<1x16xf32>,
        %get3A_734 = vector.shape_cast %get3A_733 : vector<1x16xf32> to vector<16xf32>
        %mul3A_735 = vector.broadcast %squeeze3A_709 : f32 to vector<16xf32>
        %mul3A_736 = arith.mulf %get3A_734, %mul3A_735 : vector<16xf32>
        %add3A_737 = arith.addf %add3A_703, %mul3A_736 : vector<16xf32>
        %add3A_738 = arith.constant 15 : i32
        %add3A_739 = arith.addi %mul3A_60, %add3A_738 : i32
        %add3A_740 = arith.constant 2 : i32
        %add3A_741 = arith.addi %add3A_739, %add3A_740 : i32
        %slice3A_742 = vector.extract_strided_slice %get3A_71 {offsets = [1], sizes = [1], strides = [1]} : vector<16xf32> to vector<1xf32>
        %squeeze3A_743 = vector.extract %slice3A_742[0] : f32 from vector<1xf32>
        %get3A_744 = arith.index_cast %add3A_741 : i32 to index
        %get3A_745 = arith.constant 0 : index
        %get3A_746 = tpu.vector_load %arg16[%get3A_744, %get3A_745] {strides = array<i32>} : memref<640x64xf32, #tpu.memory_space<vmem>>, vector<1x16xf32>,
        %get3A_747 = vector.shape_cast %get3A_746 : vector<1x16xf32> to vector<16xf32>
        %mul3A_748 = vector.broadcast %squeeze3A_743 : f32 to vector<16xf32>
        %mul3A_749 = arith.mulf %get3A_747, %mul3A_748 : vector<16xf32>
        %add3A_750 = arith.addf %add3A_716, %mul3A_749 : vector<16xf32>
        %get3A_751 = arith.index_cast %add3A_741 : i32 to index
        %get3A_752 = arith.constant 16 : index
        %get3A_753 = tpu.vector_load %arg16[%get3A_751, %get3A_752] {strides = array<i32>} : memref<640x64xf32, #tpu.memory_space<vmem>>, vector<1x16xf32>,
        %get3A_754 = vector.shape_cast %get3A_753 : vector<1x16xf32> to vector<16xf32>
        %mul3A_755 = vector.broadcast %squeeze3A_743 : f32 to vector<16xf32>
        %mul3A_756 = arith.mulf %get3A_754, %mul3A_755 : vector<16xf32>
        %add3A_757 = arith.addf %add3A_723, %mul3A_756 : vector<16xf32>
        %get3A_758 = arith.index_cast %add3A_741 : i32 to index
        %get3A_759 = arith.constant 32 : index
        %get3A_760 = tpu.vector_load %arg16[%get3A_758, %get3A_759] {strides = array<i32>} : memref<640x64xf32, #tpu.memory_space<vmem>>, vector<1x16xf32>,
        %get3A_761 = vector.shape_cast %get3A_760 : vector<1x16xf32> to vector<16xf32>
        %mul3A_762 = vector.broadcast %squeeze3A_743 : f32 to vector<16xf32>
        %mul3A_763 = arith.mulf %get3A_761, %mul3A_762 : vector<16xf32>
        %add3A_764 = arith.addf %add3A_730, %mul3A_763 : vector<16xf32>
        %get3A_765 = arith.index_cast %add3A_741 : i32 to index
        %get3A_766 = arith.constant 48 : index
        %get3A_767 = tpu.vector_load %arg16[%get3A_765, %get3A_766] {strides = array<i32>} : memref<640x64xf32, #tpu.memory_space<vmem>>, vector<1x16xf32>,
        %get3A_768 = vector.shape_cast %get3A_767 : vector<1x16xf32> to vector<16xf32>
        %mul3A_769 = vector.broadcast %squeeze3A_743 : f32 to vector<16xf32>
        %mul3A_770 = arith.mulf %get3A_768, %mul3A_769 : vector<16xf32>
        %add3A_771 = arith.addf %add3A_737, %mul3A_770 : vector<16xf32>
        %add3A_772 = arith.constant 15 : i32
        %add3A_773 = arith.addi %mul3A_60, %add3A_772 : i32
        %add3A_774 = arith.constant 3 : i32
        %add3A_775 = arith.addi %add3A_773, %add3A_774 : i32
        %slice3A_776 = vector.extract_strided_slice %get3A_71 {offsets = [2], sizes = [1], strides = [1]} : vector<16xf32> to vector<1xf32>
        %squeeze3A_777 = vector.extract %slice3A_776[0] : f32 from vector<1xf32>
        %get3A_778 = arith.index_cast %add3A_775 : i32 to index
        %get3A_779 = arith.constant 0 : index
        %get3A_780 = tpu.vector_load %arg16[%get3A_778, %get3A_779] {strides = array<i32>} : memref<640x64xf32, #tpu.memory_space<vmem>>, vector<1x16xf32>,
        %get3A_781 = vector.shape_cast %get3A_780 : vector<1x16xf32> to vector<16xf32>
        %mul3A_782 = vector.broadcast %squeeze3A_777 : f32 to vector<16xf32>
        %mul3A_783 = arith.mulf %get3A_781, %mul3A_782 : vector<16xf32>
        %add3A_784 = arith.addf %add3A_750, %mul3A_783 : vector<16xf32>
        %get3A_785 = arith.index_cast %add3A_775 : i32 to index
        %get3A_786 = arith.constant 16 : index
        %get3A_787 = tpu.vector_load %arg16[%get3A_785, %get3A_786] {strides = array<i32>} : memref<640x64xf32, #tpu.memory_space<vmem>>, vector<1x16xf32>,
        %get3A_788 = vector.shape_cast %get3A_787 : vector<1x16xf32> to vector<16xf32>
        %mul3A_789 = vector.broadcast %squeeze3A_777 : f32 to vector<16xf32>
        %mul3A_790 = arith.mulf %get3A_788, %mul3A_789 : vector<16xf32>
        %add3A_791 = arith.addf %add3A_757, %mul3A_790 : vector<16xf32>
        %get3A_792 = arith.index_cast %add3A_775 : i32 to index
        %get3A_793 = arith.constant 32 : index
        %get3A_794 = tpu.vector_load %arg16[%get3A_792, %get3A_793] {strides = array<i32>} : memref<640x64xf32, #tpu.memory_space<vmem>>, vector<1x16xf32>,
        %get3A_795 = vector.shape_cast %get3A_794 : vector<1x16xf32> to vector<16xf32>
        %mul3A_796 = vector.broadcast %squeeze3A_777 : f32 to vector<16xf32>
        %mul3A_797 = arith.mulf %get3A_795, %mul3A_796 : vector<16xf32>
        %add3A_798 = arith.addf %add3A_764, %mul3A_797 : vector<16xf32>
        %get3A_799 = arith.index_cast %add3A_775 : i32 to index
        %get3A_800 = arith.constant 48 : index
        %get3A_801 = tpu.vector_load %arg16[%get3A_799, %get3A_800] {strides = array<i32>} : memref<640x64xf32, #tpu.memory_space<vmem>>, vector<1x16xf32>,
        %get3A_802 = vector.shape_cast %get3A_801 : vector<1x16xf32> to vector<16xf32>
        %mul3A_803 = vector.broadcast %squeeze3A_777 : f32 to vector<16xf32>
        %mul3A_804 = arith.mulf %get3A_802, %mul3A_803 : vector<16xf32>
        %add3A_805 = arith.addf %add3A_771, %mul3A_804 : vector<16xf32>
        %add3A_806 = arith.constant 15 : i32
        %add3A_807 = arith.addi %mul3A_60, %add3A_806 : i32
        %add3A_808 = arith.constant 4 : i32
        %add3A_809 = arith.addi %add3A_807, %add3A_808 : i32
        %slice3A_810 = vector.extract_strided_slice %get3A_71 {offsets = [3], sizes = [1], strides = [1]} : vector<16xf32> to vector<1xf32>
        %squeeze3A_811 = vector.extract %slice3A_810[0] : f32 from vector<1xf32>
        %get3A_812 = arith.index_cast %add3A_809 : i32 to index
        %get3A_813 = arith.constant 0 : index
        %get3A_814 = tpu.vector_load %arg16[%get3A_812, %get3A_813] {strides = array<i32>} : memref<640x64xf32, #tpu.memory_space<vmem>>, vector<1x16xf32>,
        %get3A_815 = vector.shape_cast %get3A_814 : vector<1x16xf32> to vector<16xf32>
        %mul3A_816 = vector.broadcast %squeeze3A_811 : f32 to vector<16xf32>
        %mul3A_817 = arith.mulf %get3A_815, %mul3A_816 : vector<16xf32>
        %add3A_818 = arith.addf %add3A_784, %mul3A_817 : vector<16xf32>
        %get3A_819 = arith.index_cast %add3A_809 : i32 to index
        %get3A_820 = arith.constant 16 : index
        %get3A_821 = tpu.vector_load %arg16[%get3A_819, %get3A_820] {strides = array<i32>} : memref<640x64xf32, #tpu.memory_space<vmem>>, vector<1x16xf32>,
        %get3A_822 = vector.shape_cast %get3A_821 : vector<1x16xf32> to vector<16xf32>
        %mul3A_823 = vector.broadcast %squeeze3A_811 : f32 to vector<16xf32>
        %mul3A_824 = arith.mulf %get3A_822, %mul3A_823 : vector<16xf32>
        %add3A_825 = arith.addf %add3A_791, %mul3A_824 : vector<16xf32>
        %get3A_826 = arith.index_cast %add3A_809 : i32 to index
        %get3A_827 = arith.constant 32 : index
        %get3A_828 = tpu.vector_load %arg16[%get3A_826, %get3A_827] {strides = array<i32>} : memref<640x64xf32, #tpu.memory_space<vmem>>, vector<1x16xf32>,
        %get3A_829 = vector.shape_cast %get3A_828 : vector<1x16xf32> to vector<16xf32>
        %mul3A_830 = vector.broadcast %squeeze3A_811 : f32 to vector<16xf32>
        %mul3A_831 = arith.mulf %get3A_829, %mul3A_830 : vector<16xf32>
        %add3A_832 = arith.addf %add3A_798, %mul3A_831 : vector<16xf32>
        %get3A_833 = arith.index_cast %add3A_809 : i32 to index
        %get3A_834 = arith.constant 48 : index
        %get3A_835 = tpu.vector_load %arg16[%get3A_833, %get3A_834] {strides = array<i32>} : memref<640x64xf32, #tpu.memory_space<vmem>>, vector<1x16xf32>,
        %get3A_836 = vector.shape_cast %get3A_835 : vector<1x16xf32> to vector<16xf32>
        %mul3A_837 = vector.broadcast %squeeze3A_811 : f32 to vector<16xf32>
        %mul3A_838 = arith.mulf %get3A_836, %mul3A_837 : vector<16xf32>
        %add3A_839 = arith.addf %add3A_805, %mul3A_838 : vector<16xf32>
        %swap3A_840 = arith.index_cast %scan3A_58 : i32 to index
        %swap3A_841 = arith.constant 192 : index
        %swap3A_842 = tpu.vector_load %arg18[%swap3A_840, %swap3A_841] {strides = array<i32>} : memref<32x256xf32, #tpu.memory_space<vmem>>, vector<1x16xf32>,
        %swap3A_843 = vector.shape_cast %swap3A_842 : vector<1x16xf32> to vector<16xf32>
        %swap3A_844 = vector.shape_cast %add3A_818 : vector<16xf32> to vector<1x16xf32>
        tpu.vector_store %arg18[%swap3A_840, %swap3A_841], %swap3A_844 {strides = array<i32>} : memref<32x256xf32, #tpu.memory_space<vmem>>, vector<1x16xf32>,
        %swap3A_845 = arith.index_cast %scan3A_58 : i32 to index
        %swap3A_846 = arith.constant 208 : index
        %swap3A_847 = tpu.vector_load %arg18[%swap3A_845, %swap3A_846] {strides = array<i32>} : memref<32x256xf32, #tpu.memory_space<vmem>>, vector<1x16xf32>,
        %swap3A_848 = vector.shape_cast %swap3A_847 : vector<1x16xf32> to vector<16xf32>
        %swap3A_849 = vector.shape_cast %add3A_825 : vector<16xf32> to vector<1x16xf32>
        tpu.vector_store %arg18[%swap3A_845, %swap3A_846], %swap3A_849 {strides = array<i32>} : memref<32x256xf32, #tpu.memory_space<vmem>>, vector<1x16xf32>,
        %swap3A_850 = arith.index_cast %scan3A_58 : i32 to index
        %swap3A_851 = arith.constant 224 : index
        %swap3A_852 = tpu.vector_load %arg18[%swap3A_850, %swap3A_851] {strides = array<i32>} : memref<32x256xf32, #tpu.memory_space<vmem>>, vector<1x16xf32>,
        %swap3A_853 = vector.shape_cast %swap3A_852 : vector<1x16xf32> to vector<16xf32>
        %swap3A_854 = vector.shape_cast %add3A_832 : vector<16xf32> to vector<1x16xf32>
        tpu.vector_store %arg18[%swap3A_850, %swap3A_851], %swap3A_854 {strides = array<i32>} : memref<32x256xf32, #tpu.memory_space<vmem>>, vector<1x16xf32>,
        %swap3A_855 = arith.index_cast %scan3A_58 : i32 to index
        %swap3A_856 = arith.constant 240 : index
        %swap3A_857 = tpu.vector_load %arg18[%swap3A_855, %swap3A_856] {strides = array<i32>} : memref<32x256xf32, #tpu.memory_space<vmem>>, vector<1x16xf32>,
        %swap3A_858 = vector.shape_cast %swap3A_857 : vector<1x16xf32> to vector<16xf32>
        %swap3A_859 = vector.shape_cast %add3A_839 : vector<16xf32> to vector<1x16xf32>
        tpu.vector_store %arg18[%swap3A_855, %swap3A_856], %swap3A_859 {strides = array<i32>} : memref<32x256xf32, #tpu.memory_space<vmem>>, vector<1x16xf32>,
      }
      %scan3A_45 = arith.constant 32 : i32
      "tpu.region"() ({
        %run_scoped3A = tpu.sem_alloc : memref<!tpu.dma_semaphore, #tpu.memory_space<semaphore_mem>>
        %dma_start3A_58 = arith.constant 0 : i32
        %dma_start3A_59 = tpu.memref_slice %arg7[%add3A_13, %dma_start3A_58] : memref<51200x384xf32, #tpu.memory_space<hbm>> -> memref<32x128xf32, #tpu.memory_space<hbm>>
        %dma_start3A_60 = arith.constant 0 : i32
        %dma_start3A_61 = tpu.memref_slice %arg7[%add3A_13, %dma_start3A_60] : memref<51200x384xf32, #tpu.memory_space<hbm>> -> memref<32x128xf32, #tpu.memory_space<hbm>>
        tpu.enqueue_dma source(%arg14 : memref<32x128xf32, #tpu.memory_space<vmem>>) target(%dma_start3A_61 : memref<32x128xf32, #tpu.memory_space<hbm>>) target_semaphore(%run_scoped3A : memref<!tpu.dma_semaphore, #tpu.memory_space<semaphore_mem>>)
        %dma_wait3A_62 = arith.constant 0 : i32
        %dma_wait3A_63 = tpu.memref_slice %arg7[%add3A_13, %dma_wait3A_62] : memref<51200x384xf32, #tpu.memory_space<hbm>> -> memref<32x128xf32, #tpu.memory_space<hbm>>
        %dma_wait3A_64 = arith.constant 0 : i32
        %dma_wait3A_65 = tpu.memref_slice %arg7[%add3A_13, %dma_wait3A_64] : memref<51200x384xf32, #tpu.memory_space<hbm>> -> memref<32x128xf32, #tpu.memory_space<hbm>>
        tpu.wait_dma2 semaphore(%run_scoped3A : memref<!tpu.dma_semaphore, #tpu.memory_space<semaphore_mem>>) src(%arg14 : memref<32x128xf32, #tpu.memory_space<vmem>>) dst(%dma_wait3A_65 : memref<32x128xf32, #tpu.memory_space<hbm>>)
        tpu.yield
      }) : () -> ()
      "tpu.region"() ({
        %run_scoped3A = tpu.sem_alloc : memref<!tpu.dma_semaphore, #tpu.memory_space<semaphore_mem>>
        %dma_start3A_58 = arith.constant 128 : i32
        %dma_start3A_59 = tpu.memref_slice %arg7[%add3A_13, %dma_start3A_58] : memref<51200x384xf32, #tpu.memory_space<hbm>> -> memref<32x256xf32, #tpu.memory_space<hbm>>
        %dma_start3A_60 = arith.constant 128 : i32
        %dma_start3A_61 = tpu.memref_slice %arg7[%add3A_13, %dma_start3A_60] : memref<51200x384xf32, #tpu.memory_space<hbm>> -> memref<32x256xf32, #tpu.memory_space<hbm>>
        tpu.enqueue_dma source(%arg18 : memref<32x256xf32, #tpu.memory_space<vmem>>) target(%dma_start3A_61 : memref<32x256xf32, #tpu.memory_space<hbm>>) target_semaphore(%run_scoped3A : memref<!tpu.dma_semaphore, #tpu.memory_space<semaphore_mem>>)
        %dma_wait3A_62 = arith.constant 128 : i32
        %dma_wait3A_63 = tpu.memref_slice %arg7[%add3A_13, %dma_wait3A_62] : memref<51200x384xf32, #tpu.memory_space<hbm>> -> memref<32x256xf32, #tpu.memory_space<hbm>>
        %dma_wait3A_64 = arith.constant 128 : i32
        %dma_wait3A_65 = tpu.memref_slice %arg7[%add3A_13, %dma_wait3A_64] : memref<51200x384xf32, #tpu.memory_space<hbm>> -> memref<32x256xf32, #tpu.memory_space<hbm>>
        tpu.wait_dma2 semaphore(%run_scoped3A : memref<!tpu.dma_semaphore, #tpu.memory_space<semaphore_mem>>) src(%arg18 : memref<32x256xf32, #tpu.memory_space<vmem>>) dst(%dma_wait3A_65 : memref<32x256xf32, #tpu.memory_space<hbm>>)
        tpu.yield
      }) : () -> ()
      %dma_wait3A_46 = arith.constant 0 : i32
      %dma_wait3A_47 = arith.constant 0 : i32
      %dma_wait3A_48 = tpu.memref_slice %arg5[%dma_wait3A_46, %dma_wait3A_47] : memref<100000x128xf32, #tpu.memory_space<hbm>> -> memref<100000x128xf32, #tpu.memory_space<hbm>>
      tpu.wait_indirect_dma semaphore(%arg20 : memref<!tpu.dma_semaphore, #tpu.memory_space<semaphore_mem>>) src(%dma_wait3A_48 : memref<100000x128xf32, #tpu.memory_space<hbm>>) dst(%arg15 : memref<32x128xf32, #tpu.memory_space<vmem>>)
      %dma_wait3A_49 = arith.constant 0 : i32
      %dma_wait3A_50 = arith.constant 0 : i32
      %dma_wait3A_51 = tpu.memref_slice %arg6[%dma_wait3A_49, %dma_wait3A_50] : memref<1000000x64xf32, #tpu.memory_space<hbm>> -> memref<1000000x64xf32, #tpu.memory_space<hbm>>
      tpu.wait_indirect_dma semaphore(%arg20 : memref<!tpu.dma_semaphore, #tpu.memory_space<semaphore_mem>>) src(%dma_wait3A_51 : memref<1000000x64xf32, #tpu.memory_space<hbm>>) dst(%arg17 : memref<640x64xf32, #tpu.memory_space<vmem>>)
      %scan3A_52 = arith.constant 0 : i32
      %scan3A_53 = arith.constant 0 : i32
      %scan3A_54 = arith.constant 32 : i32
      %scan3A_55 = arith.addi %scan3A_53, %scan3A_54 : i32
      %scan3A_56 = arith.constant 1 : i32
      scf.for %scan3A_58 = %scan3A_53 to %scan3A_55 step %scan3A_56  : i32 {
        %mul3A_59 = arith.constant 20 : i32
        %mul3A_60 = arith.muli %scan3A_58, %mul3A_59 : i32
        %mul3A_61 = arith.constant 32 : i32
        %mul3A_62 = arith.muli %scan3A_58, %mul3A_61 : i32
        %get3A = arith.index_cast %mul3A_62 : i32 to index
        %get3A_63 = tpu.vector_load %arg13[%get3A] {strides = array<i32>} : memref<1024xf32, #tpu.memory_space<vmem>>, vector<16xf32>,
        %get3A_64 = vector.shape_cast %get3A_63 : vector<16xf32> to vector<16xf32>
        %mul3A_65 = arith.constant 32 : i32
        %mul3A_66 = arith.muli %scan3A_58, %mul3A_65 : i32
        %add3A_67 = arith.constant 16 : i32
        %add3A_68 = arith.addi %mul3A_66, %add3A_67 : i32
        %get3A_69 = arith.index_cast %add3A_68 : i32 to index
        %get3A_70 = tpu.vector_load %arg13[%get3A_69] {strides = array<i32>} : memref<1024xf32, #tpu.memory_space<vmem>>, vector<16xf32>,
        %get3A_71 = vector.shape_cast %get3A_70 : vector<16xf32> to vector<16xf32>
        %broadcast_in_dim3A = arith.constant 0.000000e+00 : f32
        %broadcast_in_dim3A_72 = vector.broadcast %broadcast_in_dim3A : f32 to vector<16xf32>
        %broadcast_in_dim3A_73 = arith.constant 0.000000e+00 : f32
        %broadcast_in_dim3A_74 = vector.broadcast %broadcast_in_dim3A_73 : f32 to vector<16xf32>
        %broadcast_in_dim3A_75 = arith.constant 0.000000e+00 : f32
        %broadcast_in_dim3A_76 = vector.broadcast %broadcast_in_dim3A_75 : f32 to vector<16xf32>
        %broadcast_in_dim3A_77 = arith.constant 0.000000e+00 : f32
        %broadcast_in_dim3A_78 = vector.broadcast %broadcast_in_dim3A_77 : f32 to vector<16xf32>
        %add3A_79 = arith.constant 0 : i32
        %add3A_80 = arith.addi %mul3A_60, %add3A_79 : i32
        %add3A_81 = arith.constant 0 : i32
        %add3A_82 = arith.addi %add3A_80, %add3A_81 : i32
        %slice3A = vector.extract_strided_slice %get3A_64 {offsets = [0], sizes = [1], strides = [1]} : vector<16xf32> to vector<1xf32>
        %squeeze3A = vector.extract %slice3A[0] : f32 from vector<1xf32>
        %get3A_83 = arith.index_cast %add3A_82 : i32 to index
        %get3A_84 = arith.constant 0 : index
        %get3A_85 = tpu.vector_load %arg17[%get3A_83, %get3A_84] {strides = array<i32>} : memref<640x64xf32, #tpu.memory_space<vmem>>, vector<1x16xf32>,
        %get3A_86 = vector.shape_cast %get3A_85 : vector<1x16xf32> to vector<16xf32>
        %mul3A_87 = vector.broadcast %squeeze3A : f32 to vector<16xf32>
        %mul3A_88 = arith.mulf %get3A_86, %mul3A_87 : vector<16xf32>
        %add3A_89 = arith.addf %broadcast_in_dim3A_72, %mul3A_88 : vector<16xf32>
        %get3A_90 = arith.index_cast %add3A_82 : i32 to index
        %get3A_91 = arith.constant 16 : index
        %get3A_92 = tpu.vector_load %arg17[%get3A_90, %get3A_91] {strides = array<i32>} : memref<640x64xf32, #tpu.memory_space<vmem>>, vector<1x16xf32>,
        %get3A_93 = vector.shape_cast %get3A_92 : vector<1x16xf32> to vector<16xf32>
        %mul3A_94 = vector.broadcast %squeeze3A : f32 to vector<16xf32>
        %mul3A_95 = arith.mulf %get3A_93, %mul3A_94 : vector<16xf32>
        %add3A_96 = arith.addf %broadcast_in_dim3A_74, %mul3A_95 : vector<16xf32>
        %get3A_97 = arith.index_cast %add3A_82 : i32 to index
        %get3A_98 = arith.constant 32 : index
        %get3A_99 = tpu.vector_load %arg17[%get3A_97, %get3A_98] {strides = array<i32>} : memref<640x64xf32, #tpu.memory_space<vmem>>, vector<1x16xf32>,
        %get3A_100 = vector.shape_cast %get3A_99 : vector<1x16xf32> to vector<16xf32>
        %mul3A_101 = vector.broadcast %squeeze3A : f32 to vector<16xf32>
        %mul3A_102 = arith.mulf %get3A_100, %mul3A_101 : vector<16xf32>
        %add3A_103 = arith.addf %broadcast_in_dim3A_76, %mul3A_102 : vector<16xf32>
        %get3A_104 = arith.index_cast %add3A_82 : i32 to index
        %get3A_105 = arith.constant 48 : index
        %get3A_106 = tpu.vector_load %arg17[%get3A_104, %get3A_105] {strides = array<i32>} : memref<640x64xf32, #tpu.memory_space<vmem>>, vector<1x16xf32>,
        %get3A_107 = vector.shape_cast %get3A_106 : vector<1x16xf32> to vector<16xf32>
        %mul3A_108 = vector.broadcast %squeeze3A : f32 to vector<16xf32>
        %mul3A_109 = arith.mulf %get3A_107, %mul3A_108 : vector<16xf32>
        %add3A_110 = arith.addf %broadcast_in_dim3A_78, %mul3A_109 : vector<16xf32>
        %add3A_111 = arith.constant 0 : i32
        %add3A_112 = arith.addi %mul3A_60, %add3A_111 : i32
        %add3A_113 = arith.constant 1 : i32
        %add3A_114 = arith.addi %add3A_112, %add3A_113 : i32
        %slice3A_115 = vector.extract_strided_slice %get3A_64 {offsets = [1], sizes = [1], strides = [1]} : vector<16xf32> to vector<1xf32>
        %squeeze3A_116 = vector.extract %slice3A_115[0] : f32 from vector<1xf32>
        %get3A_117 = arith.index_cast %add3A_114 : i32 to index
        %get3A_118 = arith.constant 0 : index
        %get3A_119 = tpu.vector_load %arg17[%get3A_117, %get3A_118] {strides = array<i32>} : memref<640x64xf32, #tpu.memory_space<vmem>>, vector<1x16xf32>,
        %get3A_120 = vector.shape_cast %get3A_119 : vector<1x16xf32> to vector<16xf32>
        %mul3A_121 = vector.broadcast %squeeze3A_116 : f32 to vector<16xf32>
        %mul3A_122 = arith.mulf %get3A_120, %mul3A_121 : vector<16xf32>
        %add3A_123 = arith.addf %add3A_89, %mul3A_122 : vector<16xf32>
        %get3A_124 = arith.index_cast %add3A_114 : i32 to index
        %get3A_125 = arith.constant 16 : index
        %get3A_126 = tpu.vector_load %arg17[%get3A_124, %get3A_125] {strides = array<i32>} : memref<640x64xf32, #tpu.memory_space<vmem>>, vector<1x16xf32>,
        %get3A_127 = vector.shape_cast %get3A_126 : vector<1x16xf32> to vector<16xf32>
        %mul3A_128 = vector.broadcast %squeeze3A_116 : f32 to vector<16xf32>
        %mul3A_129 = arith.mulf %get3A_127, %mul3A_128 : vector<16xf32>
        %add3A_130 = arith.addf %add3A_96, %mul3A_129 : vector<16xf32>
        %get3A_131 = arith.index_cast %add3A_114 : i32 to index
        %get3A_132 = arith.constant 32 : index
        %get3A_133 = tpu.vector_load %arg17[%get3A_131, %get3A_132] {strides = array<i32>} : memref<640x64xf32, #tpu.memory_space<vmem>>, vector<1x16xf32>,
        %get3A_134 = vector.shape_cast %get3A_133 : vector<1x16xf32> to vector<16xf32>
        %mul3A_135 = vector.broadcast %squeeze3A_116 : f32 to vector<16xf32>
        %mul3A_136 = arith.mulf %get3A_134, %mul3A_135 : vector<16xf32>
        %add3A_137 = arith.addf %add3A_103, %mul3A_136 : vector<16xf32>
        %get3A_138 = arith.index_cast %add3A_114 : i32 to index
        %get3A_139 = arith.constant 48 : index
        %get3A_140 = tpu.vector_load %arg17[%get3A_138, %get3A_139] {strides = array<i32>} : memref<640x64xf32, #tpu.memory_space<vmem>>, vector<1x16xf32>,
        %get3A_141 = vector.shape_cast %get3A_140 : vector<1x16xf32> to vector<16xf32>
        %mul3A_142 = vector.broadcast %squeeze3A_116 : f32 to vector<16xf32>
        %mul3A_143 = arith.mulf %get3A_141, %mul3A_142 : vector<16xf32>
        %add3A_144 = arith.addf %add3A_110, %mul3A_143 : vector<16xf32>
        %add3A_145 = arith.constant 0 : i32
        %add3A_146 = arith.addi %mul3A_60, %add3A_145 : i32
        %add3A_147 = arith.constant 2 : i32
        %add3A_148 = arith.addi %add3A_146, %add3A_147 : i32
        %slice3A_149 = vector.extract_strided_slice %get3A_64 {offsets = [2], sizes = [1], strides = [1]} : vector<16xf32> to vector<1xf32>
        %squeeze3A_150 = vector.extract %slice3A_149[0] : f32 from vector<1xf32>
        %get3A_151 = arith.index_cast %add3A_148 : i32 to index
        %get3A_152 = arith.constant 0 : index
        %get3A_153 = tpu.vector_load %arg17[%get3A_151, %get3A_152] {strides = array<i32>} : memref<640x64xf32, #tpu.memory_space<vmem>>, vector<1x16xf32>,
        %get3A_154 = vector.shape_cast %get3A_153 : vector<1x16xf32> to vector<16xf32>
        %mul3A_155 = vector.broadcast %squeeze3A_150 : f32 to vector<16xf32>
        %mul3A_156 = arith.mulf %get3A_154, %mul3A_155 : vector<16xf32>
        %add3A_157 = arith.addf %add3A_123, %mul3A_156 : vector<16xf32>
        %get3A_158 = arith.index_cast %add3A_148 : i32 to index
        %get3A_159 = arith.constant 16 : index
        %get3A_160 = tpu.vector_load %arg17[%get3A_158, %get3A_159] {strides = array<i32>} : memref<640x64xf32, #tpu.memory_space<vmem>>, vector<1x16xf32>,
        %get3A_161 = vector.shape_cast %get3A_160 : vector<1x16xf32> to vector<16xf32>
        %mul3A_162 = vector.broadcast %squeeze3A_150 : f32 to vector<16xf32>
        %mul3A_163 = arith.mulf %get3A_161, %mul3A_162 : vector<16xf32>
        %add3A_164 = arith.addf %add3A_130, %mul3A_163 : vector<16xf32>
        %get3A_165 = arith.index_cast %add3A_148 : i32 to index
        %get3A_166 = arith.constant 32 : index
        %get3A_167 = tpu.vector_load %arg17[%get3A_165, %get3A_166] {strides = array<i32>} : memref<640x64xf32, #tpu.memory_space<vmem>>, vector<1x16xf32>,
        %get3A_168 = vector.shape_cast %get3A_167 : vector<1x16xf32> to vector<16xf32>
        %mul3A_169 = vector.broadcast %squeeze3A_150 : f32 to vector<16xf32>
        %mul3A_170 = arith.mulf %get3A_168, %mul3A_169 : vector<16xf32>
        %add3A_171 = arith.addf %add3A_137, %mul3A_170 : vector<16xf32>
        %get3A_172 = arith.index_cast %add3A_148 : i32 to index
        %get3A_173 = arith.constant 48 : index
        %get3A_174 = tpu.vector_load %arg17[%get3A_172, %get3A_173] {strides = array<i32>} : memref<640x64xf32, #tpu.memory_space<vmem>>, vector<1x16xf32>,
        %get3A_175 = vector.shape_cast %get3A_174 : vector<1x16xf32> to vector<16xf32>
        %mul3A_176 = vector.broadcast %squeeze3A_150 : f32 to vector<16xf32>
        %mul3A_177 = arith.mulf %get3A_175, %mul3A_176 : vector<16xf32>
        %add3A_178 = arith.addf %add3A_144, %mul3A_177 : vector<16xf32>
        %add3A_179 = arith.constant 0 : i32
        %add3A_180 = arith.addi %mul3A_60, %add3A_179 : i32
        %add3A_181 = arith.constant 3 : i32
        %add3A_182 = arith.addi %add3A_180, %add3A_181 : i32
        %slice3A_183 = vector.extract_strided_slice %get3A_64 {offsets = [3], sizes = [1], strides = [1]} : vector<16xf32> to vector<1xf32>
        %squeeze3A_184 = vector.extract %slice3A_183[0] : f32 from vector<1xf32>
        %get3A_185 = arith.index_cast %add3A_182 : i32 to index
        %get3A_186 = arith.constant 0 : index
        %get3A_187 = tpu.vector_load %arg17[%get3A_185, %get3A_186] {strides = array<i32>} : memref<640x64xf32, #tpu.memory_space<vmem>>, vector<1x16xf32>,
        %get3A_188 = vector.shape_cast %get3A_187 : vector<1x16xf32> to vector<16xf32>
        %mul3A_189 = vector.broadcast %squeeze3A_184 : f32 to vector<16xf32>
        %mul3A_190 = arith.mulf %get3A_188, %mul3A_189 : vector<16xf32>
        %add3A_191 = arith.addf %add3A_157, %mul3A_190 : vector<16xf32>
        %get3A_192 = arith.index_cast %add3A_182 : i32 to index
        %get3A_193 = arith.constant 16 : index
        %get3A_194 = tpu.vector_load %arg17[%get3A_192, %get3A_193] {strides = array<i32>} : memref<640x64xf32, #tpu.memory_space<vmem>>, vector<1x16xf32>,
        %get3A_195 = vector.shape_cast %get3A_194 : vector<1x16xf32> to vector<16xf32>
        %mul3A_196 = vector.broadcast %squeeze3A_184 : f32 to vector<16xf32>
        %mul3A_197 = arith.mulf %get3A_195, %mul3A_196 : vector<16xf32>
        %add3A_198 = arith.addf %add3A_164, %mul3A_197 : vector<16xf32>
        %get3A_199 = arith.index_cast %add3A_182 : i32 to index
        %get3A_200 = arith.constant 32 : index
        %get3A_201 = tpu.vector_load %arg17[%get3A_199, %get3A_200] {strides = array<i32>} : memref<640x64xf32, #tpu.memory_space<vmem>>, vector<1x16xf32>,
        %get3A_202 = vector.shape_cast %get3A_201 : vector<1x16xf32> to vector<16xf32>
        %mul3A_203 = vector.broadcast %squeeze3A_184 : f32 to vector<16xf32>
        %mul3A_204 = arith.mulf %get3A_202, %mul3A_203 : vector<16xf32>
        %add3A_205 = arith.addf %add3A_171, %mul3A_204 : vector<16xf32>
        %get3A_206 = arith.index_cast %add3A_182 : i32 to index
        %get3A_207 = arith.constant 48 : index
        %get3A_208 = tpu.vector_load %arg17[%get3A_206, %get3A_207] {strides = array<i32>} : memref<640x64xf32, #tpu.memory_space<vmem>>, vector<1x16xf32>,
        %get3A_209 = vector.shape_cast %get3A_208 : vector<1x16xf32> to vector<16xf32>
        %mul3A_210 = vector.broadcast %squeeze3A_184 : f32 to vector<16xf32>
        %mul3A_211 = arith.mulf %get3A_209, %mul3A_210 : vector<16xf32>
        %add3A_212 = arith.addf %add3A_178, %mul3A_211 : vector<16xf32>
        %add3A_213 = arith.constant 0 : i32
        %add3A_214 = arith.addi %mul3A_60, %add3A_213 : i32
        %add3A_215 = arith.constant 4 : i32
        %add3A_216 = arith.addi %add3A_214, %add3A_215 : i32
        %slice3A_217 = vector.extract_strided_slice %get3A_64 {offsets = [4], sizes = [1], strides = [1]} : vector<16xf32> to vector<1xf32>
        %squeeze3A_218 = vector.extract %slice3A_217[0] : f32 from vector<1xf32>
        %get3A_219 = arith.index_cast %add3A_216 : i32 to index
        %get3A_220 = arith.constant 0 : index
        %get3A_221 = tpu.vector_load %arg17[%get3A_219, %get3A_220] {strides = array<i32>} : memref<640x64xf32, #tpu.memory_space<vmem>>, vector<1x16xf32>,
        %get3A_222 = vector.shape_cast %get3A_221 : vector<1x16xf32> to vector<16xf32>
        %mul3A_223 = vector.broadcast %squeeze3A_218 : f32 to vector<16xf32>
        %mul3A_224 = arith.mulf %get3A_222, %mul3A_223 : vector<16xf32>
        %add3A_225 = arith.addf %add3A_191, %mul3A_224 : vector<16xf32>
        %get3A_226 = arith.index_cast %add3A_216 : i32 to index
        %get3A_227 = arith.constant 16 : index
        %get3A_228 = tpu.vector_load %arg17[%get3A_226, %get3A_227] {strides = array<i32>} : memref<640x64xf32, #tpu.memory_space<vmem>>, vector<1x16xf32>,
        %get3A_229 = vector.shape_cast %get3A_228 : vector<1x16xf32> to vector<16xf32>
        %mul3A_230 = vector.broadcast %squeeze3A_218 : f32 to vector<16xf32>
        %mul3A_231 = arith.mulf %get3A_229, %mul3A_230 : vector<16xf32>
        %add3A_232 = arith.addf %add3A_198, %mul3A_231 : vector<16xf32>
        %get3A_233 = arith.index_cast %add3A_216 : i32 to index
        %get3A_234 = arith.constant 32 : index
        %get3A_235 = tpu.vector_load %arg17[%get3A_233, %get3A_234] {strides = array<i32>} : memref<640x64xf32, #tpu.memory_space<vmem>>, vector<1x16xf32>,
        %get3A_236 = vector.shape_cast %get3A_235 : vector<1x16xf32> to vector<16xf32>
        %mul3A_237 = vector.broadcast %squeeze3A_218 : f32 to vector<16xf32>
        %mul3A_238 = arith.mulf %get3A_236, %mul3A_237 : vector<16xf32>
        %add3A_239 = arith.addf %add3A_205, %mul3A_238 : vector<16xf32>
        %get3A_240 = arith.index_cast %add3A_216 : i32 to index
        %get3A_241 = arith.constant 48 : index
        %get3A_242 = tpu.vector_load %arg17[%get3A_240, %get3A_241] {strides = array<i32>} : memref<640x64xf32, #tpu.memory_space<vmem>>, vector<1x16xf32>,
        %get3A_243 = vector.shape_cast %get3A_242 : vector<1x16xf32> to vector<16xf32>
        %mul3A_244 = vector.broadcast %squeeze3A_218 : f32 to vector<16xf32>
        %mul3A_245 = arith.mulf %get3A_243, %mul3A_244 : vector<16xf32>
        %add3A_246 = arith.addf %add3A_212, %mul3A_245 : vector<16xf32>
        %swap3A = arith.index_cast %scan3A_58 : i32 to index
        %swap3A_247 = arith.constant 0 : index
        %swap3A_248 = tpu.vector_load %arg18[%swap3A, %swap3A_247] {strides = array<i32>} : memref<32x256xf32, #tpu.memory_space<vmem>>, vector<1x16xf32>,
        %swap3A_249 = vector.shape_cast %swap3A_248 : vector<1x16xf32> to vector<16xf32>
        %swap3A_250 = vector.shape_cast %add3A_225 : vector<16xf32> to vector<1x16xf32>
        tpu.vector_store %arg18[%swap3A, %swap3A_247], %swap3A_250 {strides = array<i32>} : memref<32x256xf32, #tpu.memory_space<vmem>>, vector<1x16xf32>,
        %swap3A_251 = arith.index_cast %scan3A_58 : i32 to index
        %swap3A_252 = arith.constant 16 : index
        %swap3A_253 = tpu.vector_load %arg18[%swap3A_251, %swap3A_252] {strides = array<i32>} : memref<32x256xf32, #tpu.memory_space<vmem>>, vector<1x16xf32>,
        %swap3A_254 = vector.shape_cast %swap3A_253 : vector<1x16xf32> to vector<16xf32>
        %swap3A_255 = vector.shape_cast %add3A_232 : vector<16xf32> to vector<1x16xf32>
        tpu.vector_store %arg18[%swap3A_251, %swap3A_252], %swap3A_255 {strides = array<i32>} : memref<32x256xf32, #tpu.memory_space<vmem>>, vector<1x16xf32>,
        %swap3A_256 = arith.index_cast %scan3A_58 : i32 to index
        %swap3A_257 = arith.constant 32 : index
        %swap3A_258 = tpu.vector_load %arg18[%swap3A_256, %swap3A_257] {strides = array<i32>} : memref<32x256xf32, #tpu.memory_space<vmem>>, vector<1x16xf32>,
        %swap3A_259 = vector.shape_cast %swap3A_258 : vector<1x16xf32> to vector<16xf32>
        %swap3A_260 = vector.shape_cast %add3A_239 : vector<16xf32> to vector<1x16xf32>
        tpu.vector_store %arg18[%swap3A_256, %swap3A_257], %swap3A_260 {strides = array<i32>} : memref<32x256xf32, #tpu.memory_space<vmem>>, vector<1x16xf32>,
        %swap3A_261 = arith.index_cast %scan3A_58 : i32 to index
        %swap3A_262 = arith.constant 48 : index
        %swap3A_263 = tpu.vector_load %arg18[%swap3A_261, %swap3A_262] {strides = array<i32>} : memref<32x256xf32, #tpu.memory_space<vmem>>, vector<1x16xf32>,
        %swap3A_264 = vector.shape_cast %swap3A_263 : vector<1x16xf32> to vector<16xf32>
        %swap3A_265 = vector.shape_cast %add3A_246 : vector<16xf32> to vector<1x16xf32>
        tpu.vector_store %arg18[%swap3A_261, %swap3A_262], %swap3A_265 {strides = array<i32>} : memref<32x256xf32, #tpu.memory_space<vmem>>, vector<1x16xf32>,
        %broadcast_in_dim3A_266 = arith.constant 0.000000e+00 : f32
        %broadcast_in_dim3A_267 = vector.broadcast %broadcast_in_dim3A_266 : f32 to vector<16xf32>
        %broadcast_in_dim3A_268 = arith.constant 0.000000e+00 : f32
        %broadcast_in_dim3A_269 = vector.broadcast %broadcast_in_dim3A_268 : f32 to vector<16xf32>
        %broadcast_in_dim3A_270 = arith.constant 0.000000e+00 : f32
        %broadcast_in_dim3A_271 = vector.broadcast %broadcast_in_dim3A_270 : f32 to vector<16xf32>
        %broadcast_in_dim3A_272 = arith.constant 0.000000e+00 : f32
        %broadcast_in_dim3A_273 = vector.broadcast %broadcast_in_dim3A_272 : f32 to vector<16xf32>
        %add3A_274 = arith.constant 5 : i32
        %add3A_275 = arith.addi %mul3A_60, %add3A_274 : i32
        %add3A_276 = arith.constant 0 : i32
        %add3A_277 = arith.addi %add3A_275, %add3A_276 : i32
        %slice3A_278 = vector.extract_strided_slice %get3A_64 {offsets = [5], sizes = [1], strides = [1]} : vector<16xf32> to vector<1xf32>
        %squeeze3A_279 = vector.extract %slice3A_278[0] : f32 from vector<1xf32>
        %get3A_280 = arith.index_cast %add3A_277 : i32 to index
        %get3A_281 = arith.constant 0 : index
        %get3A_282 = tpu.vector_load %arg17[%get3A_280, %get3A_281] {strides = array<i32>} : memref<640x64xf32, #tpu.memory_space<vmem>>, vector<1x16xf32>,
        %get3A_283 = vector.shape_cast %get3A_282 : vector<1x16xf32> to vector<16xf32>
        %mul3A_284 = vector.broadcast %squeeze3A_279 : f32 to vector<16xf32>
        %mul3A_285 = arith.mulf %get3A_283, %mul3A_284 : vector<16xf32>
        %add3A_286 = arith.addf %broadcast_in_dim3A_267, %mul3A_285 : vector<16xf32>
        %get3A_287 = arith.index_cast %add3A_277 : i32 to index
        %get3A_288 = arith.constant 16 : index
        %get3A_289 = tpu.vector_load %arg17[%get3A_287, %get3A_288] {strides = array<i32>} : memref<640x64xf32, #tpu.memory_space<vmem>>, vector<1x16xf32>,
        %get3A_290 = vector.shape_cast %get3A_289 : vector<1x16xf32> to vector<16xf32>
        %mul3A_291 = vector.broadcast %squeeze3A_279 : f32 to vector<16xf32>
        %mul3A_292 = arith.mulf %get3A_290, %mul3A_291 : vector<16xf32>
        %add3A_293 = arith.addf %broadcast_in_dim3A_269, %mul3A_292 : vector<16xf32>
        %get3A_294 = arith.index_cast %add3A_277 : i32 to index
        %get3A_295 = arith.constant 32 : index
        %get3A_296 = tpu.vector_load %arg17[%get3A_294, %get3A_295] {strides = array<i32>} : memref<640x64xf32, #tpu.memory_space<vmem>>, vector<1x16xf32>,
        %get3A_297 = vector.shape_cast %get3A_296 : vector<1x16xf32> to vector<16xf32>
        %mul3A_298 = vector.broadcast %squeeze3A_279 : f32 to vector<16xf32>
        %mul3A_299 = arith.mulf %get3A_297, %mul3A_298 : vector<16xf32>
        %add3A_300 = arith.addf %broadcast_in_dim3A_271, %mul3A_299 : vector<16xf32>
        %get3A_301 = arith.index_cast %add3A_277 : i32 to index
        %get3A_302 = arith.constant 48 : index
        %get3A_303 = tpu.vector_load %arg17[%get3A_301, %get3A_302] {strides = array<i32>} : memref<640x64xf32, #tpu.memory_space<vmem>>, vector<1x16xf32>,
        %get3A_304 = vector.shape_cast %get3A_303 : vector<1x16xf32> to vector<16xf32>
        %mul3A_305 = vector.broadcast %squeeze3A_279 : f32 to vector<16xf32>
        %mul3A_306 = arith.mulf %get3A_304, %mul3A_305 : vector<16xf32>
        %add3A_307 = arith.addf %broadcast_in_dim3A_273, %mul3A_306 : vector<16xf32>
        %add3A_308 = arith.constant 5 : i32
        %add3A_309 = arith.addi %mul3A_60, %add3A_308 : i32
        %add3A_310 = arith.constant 1 : i32
        %add3A_311 = arith.addi %add3A_309, %add3A_310 : i32
        %slice3A_312 = vector.extract_strided_slice %get3A_64 {offsets = [6], sizes = [1], strides = [1]} : vector<16xf32> to vector<1xf32>
        %squeeze3A_313 = vector.extract %slice3A_312[0] : f32 from vector<1xf32>
        %get3A_314 = arith.index_cast %add3A_311 : i32 to index
        %get3A_315 = arith.constant 0 : index
        %get3A_316 = tpu.vector_load %arg17[%get3A_314, %get3A_315] {strides = array<i32>} : memref<640x64xf32, #tpu.memory_space<vmem>>, vector<1x16xf32>,
        %get3A_317 = vector.shape_cast %get3A_316 : vector<1x16xf32> to vector<16xf32>
        %mul3A_318 = vector.broadcast %squeeze3A_313 : f32 to vector<16xf32>
        %mul3A_319 = arith.mulf %get3A_317, %mul3A_318 : vector<16xf32>
        %add3A_320 = arith.addf %add3A_286, %mul3A_319 : vector<16xf32>
        %get3A_321 = arith.index_cast %add3A_311 : i32 to index
        %get3A_322 = arith.constant 16 : index
        %get3A_323 = tpu.vector_load %arg17[%get3A_321, %get3A_322] {strides = array<i32>} : memref<640x64xf32, #tpu.memory_space<vmem>>, vector<1x16xf32>,
        %get3A_324 = vector.shape_cast %get3A_323 : vector<1x16xf32> to vector<16xf32>
        %mul3A_325 = vector.broadcast %squeeze3A_313 : f32 to vector<16xf32>
        %mul3A_326 = arith.mulf %get3A_324, %mul3A_325 : vector<16xf32>
        %add3A_327 = arith.addf %add3A_293, %mul3A_326 : vector<16xf32>
        %get3A_328 = arith.index_cast %add3A_311 : i32 to index
        %get3A_329 = arith.constant 32 : index
        %get3A_330 = tpu.vector_load %arg17[%get3A_328, %get3A_329] {strides = array<i32>} : memref<640x64xf32, #tpu.memory_space<vmem>>, vector<1x16xf32>,
        %get3A_331 = vector.shape_cast %get3A_330 : vector<1x16xf32> to vector<16xf32>
        %mul3A_332 = vector.broadcast %squeeze3A_313 : f32 to vector<16xf32>
        %mul3A_333 = arith.mulf %get3A_331, %mul3A_332 : vector<16xf32>
        %add3A_334 = arith.addf %add3A_300, %mul3A_333 : vector<16xf32>
        %get3A_335 = arith.index_cast %add3A_311 : i32 to index
        %get3A_336 = arith.constant 48 : index
        %get3A_337 = tpu.vector_load %arg17[%get3A_335, %get3A_336] {strides = array<i32>} : memref<640x64xf32, #tpu.memory_space<vmem>>, vector<1x16xf32>,
        %get3A_338 = vector.shape_cast %get3A_337 : vector<1x16xf32> to vector<16xf32>
        %mul3A_339 = vector.broadcast %squeeze3A_313 : f32 to vector<16xf32>
        %mul3A_340 = arith.mulf %get3A_338, %mul3A_339 : vector<16xf32>
        %add3A_341 = arith.addf %add3A_307, %mul3A_340 : vector<16xf32>
        %add3A_342 = arith.constant 5 : i32
        %add3A_343 = arith.addi %mul3A_60, %add3A_342 : i32
        %add3A_344 = arith.constant 2 : i32
        %add3A_345 = arith.addi %add3A_343, %add3A_344 : i32
        %slice3A_346 = vector.extract_strided_slice %get3A_64 {offsets = [7], sizes = [1], strides = [1]} : vector<16xf32> to vector<1xf32>
        %squeeze3A_347 = vector.extract %slice3A_346[0] : f32 from vector<1xf32>
        %get3A_348 = arith.index_cast %add3A_345 : i32 to index
        %get3A_349 = arith.constant 0 : index
        %get3A_350 = tpu.vector_load %arg17[%get3A_348, %get3A_349] {strides = array<i32>} : memref<640x64xf32, #tpu.memory_space<vmem>>, vector<1x16xf32>,
        %get3A_351 = vector.shape_cast %get3A_350 : vector<1x16xf32> to vector<16xf32>
        %mul3A_352 = vector.broadcast %squeeze3A_347 : f32 to vector<16xf32>
        %mul3A_353 = arith.mulf %get3A_351, %mul3A_352 : vector<16xf32>
        %add3A_354 = arith.addf %add3A_320, %mul3A_353 : vector<16xf32>
        %get3A_355 = arith.index_cast %add3A_345 : i32 to index
        %get3A_356 = arith.constant 16 : index
        %get3A_357 = tpu.vector_load %arg17[%get3A_355, %get3A_356] {strides = array<i32>} : memref<640x64xf32, #tpu.memory_space<vmem>>, vector<1x16xf32>,
        %get3A_358 = vector.shape_cast %get3A_357 : vector<1x16xf32> to vector<16xf32>
        %mul3A_359 = vector.broadcast %squeeze3A_347 : f32 to vector<16xf32>
        %mul3A_360 = arith.mulf %get3A_358, %mul3A_359 : vector<16xf32>
        %add3A_361 = arith.addf %add3A_327, %mul3A_360 : vector<16xf32>
        %get3A_362 = arith.index_cast %add3A_345 : i32 to index
        %get3A_363 = arith.constant 32 : index
        %get3A_364 = tpu.vector_load %arg17[%get3A_362, %get3A_363] {strides = array<i32>} : memref<640x64xf32, #tpu.memory_space<vmem>>, vector<1x16xf32>,
        %get3A_365 = vector.shape_cast %get3A_364 : vector<1x16xf32> to vector<16xf32>
        %mul3A_366 = vector.broadcast %squeeze3A_347 : f32 to vector<16xf32>
        %mul3A_367 = arith.mulf %get3A_365, %mul3A_366 : vector<16xf32>
        %add3A_368 = arith.addf %add3A_334, %mul3A_367 : vector<16xf32>
        %get3A_369 = arith.index_cast %add3A_345 : i32 to index
        %get3A_370 = arith.constant 48 : index
        %get3A_371 = tpu.vector_load %arg17[%get3A_369, %get3A_370] {strides = array<i32>} : memref<640x64xf32, #tpu.memory_space<vmem>>, vector<1x16xf32>,
        %get3A_372 = vector.shape_cast %get3A_371 : vector<1x16xf32> to vector<16xf32>
        %mul3A_373 = vector.broadcast %squeeze3A_347 : f32 to vector<16xf32>
        %mul3A_374 = arith.mulf %get3A_372, %mul3A_373 : vector<16xf32>
        %add3A_375 = arith.addf %add3A_341, %mul3A_374 : vector<16xf32>
        %add3A_376 = arith.constant 5 : i32
        %add3A_377 = arith.addi %mul3A_60, %add3A_376 : i32
        %add3A_378 = arith.constant 3 : i32
        %add3A_379 = arith.addi %add3A_377, %add3A_378 : i32
        %slice3A_380 = vector.extract_strided_slice %get3A_64 {offsets = [8], sizes = [1], strides = [1]} : vector<16xf32> to vector<1xf32>
        %squeeze3A_381 = vector.extract %slice3A_380[0] : f32 from vector<1xf32>
        %get3A_382 = arith.index_cast %add3A_379 : i32 to index
        %get3A_383 = arith.constant 0 : index
        %get3A_384 = tpu.vector_load %arg17[%get3A_382, %get3A_383] {strides = array<i32>} : memref<640x64xf32, #tpu.memory_space<vmem>>, vector<1x16xf32>,
        %get3A_385 = vector.shape_cast %get3A_384 : vector<1x16xf32> to vector<16xf32>
        %mul3A_386 = vector.broadcast %squeeze3A_381 : f32 to vector<16xf32>
        %mul3A_387 = arith.mulf %get3A_385, %mul3A_386 : vector<16xf32>
        %add3A_388 = arith.addf %add3A_354, %mul3A_387 : vector<16xf32>
        %get3A_389 = arith.index_cast %add3A_379 : i32 to index
        %get3A_390 = arith.constant 16 : index
        %get3A_391 = tpu.vector_load %arg17[%get3A_389, %get3A_390] {strides = array<i32>} : memref<640x64xf32, #tpu.memory_space<vmem>>, vector<1x16xf32>,
        %get3A_392 = vector.shape_cast %get3A_391 : vector<1x16xf32> to vector<16xf32>
        %mul3A_393 = vector.broadcast %squeeze3A_381 : f32 to vector<16xf32>
        %mul3A_394 = arith.mulf %get3A_392, %mul3A_393 : vector<16xf32>
        %add3A_395 = arith.addf %add3A_361, %mul3A_394 : vector<16xf32>
        %get3A_396 = arith.index_cast %add3A_379 : i32 to index
        %get3A_397 = arith.constant 32 : index
        %get3A_398 = tpu.vector_load %arg17[%get3A_396, %get3A_397] {strides = array<i32>} : memref<640x64xf32, #tpu.memory_space<vmem>>, vector<1x16xf32>,
        %get3A_399 = vector.shape_cast %get3A_398 : vector<1x16xf32> to vector<16xf32>
        %mul3A_400 = vector.broadcast %squeeze3A_381 : f32 to vector<16xf32>
        %mul3A_401 = arith.mulf %get3A_399, %mul3A_400 : vector<16xf32>
        %add3A_402 = arith.addf %add3A_368, %mul3A_401 : vector<16xf32>
        %get3A_403 = arith.index_cast %add3A_379 : i32 to index
        %get3A_404 = arith.constant 48 : index
        %get3A_405 = tpu.vector_load %arg17[%get3A_403, %get3A_404] {strides = array<i32>} : memref<640x64xf32, #tpu.memory_space<vmem>>, vector<1x16xf32>,
        %get3A_406 = vector.shape_cast %get3A_405 : vector<1x16xf32> to vector<16xf32>
        %mul3A_407 = vector.broadcast %squeeze3A_381 : f32 to vector<16xf32>
        %mul3A_408 = arith.mulf %get3A_406, %mul3A_407 : vector<16xf32>
        %add3A_409 = arith.addf %add3A_375, %mul3A_408 : vector<16xf32>
        %add3A_410 = arith.constant 5 : i32
        %add3A_411 = arith.addi %mul3A_60, %add3A_410 : i32
        %add3A_412 = arith.constant 4 : i32
        %add3A_413 = arith.addi %add3A_411, %add3A_412 : i32
        %slice3A_414 = vector.extract_strided_slice %get3A_64 {offsets = [9], sizes = [1], strides = [1]} : vector<16xf32> to vector<1xf32>
        %squeeze3A_415 = vector.extract %slice3A_414[0] : f32 from vector<1xf32>
        %get3A_416 = arith.index_cast %add3A_413 : i32 to index
        %get3A_417 = arith.constant 0 : index
        %get3A_418 = tpu.vector_load %arg17[%get3A_416, %get3A_417] {strides = array<i32>} : memref<640x64xf32, #tpu.memory_space<vmem>>, vector<1x16xf32>,
        %get3A_419 = vector.shape_cast %get3A_418 : vector<1x16xf32> to vector<16xf32>
        %mul3A_420 = vector.broadcast %squeeze3A_415 : f32 to vector<16xf32>
        %mul3A_421 = arith.mulf %get3A_419, %mul3A_420 : vector<16xf32>
        %add3A_422 = arith.addf %add3A_388, %mul3A_421 : vector<16xf32>
        %get3A_423 = arith.index_cast %add3A_413 : i32 to index
        %get3A_424 = arith.constant 16 : index
        %get3A_425 = tpu.vector_load %arg17[%get3A_423, %get3A_424] {strides = array<i32>} : memref<640x64xf32, #tpu.memory_space<vmem>>, vector<1x16xf32>,
        %get3A_426 = vector.shape_cast %get3A_425 : vector<1x16xf32> to vector<16xf32>
        %mul3A_427 = vector.broadcast %squeeze3A_415 : f32 to vector<16xf32>
        %mul3A_428 = arith.mulf %get3A_426, %mul3A_427 : vector<16xf32>
        %add3A_429 = arith.addf %add3A_395, %mul3A_428 : vector<16xf32>
        %get3A_430 = arith.index_cast %add3A_413 : i32 to index
        %get3A_431 = arith.constant 32 : index
        %get3A_432 = tpu.vector_load %arg17[%get3A_430, %get3A_431] {strides = array<i32>} : memref<640x64xf32, #tpu.memory_space<vmem>>, vector<1x16xf32>,
        %get3A_433 = vector.shape_cast %get3A_432 : vector<1x16xf32> to vector<16xf32>
        %mul3A_434 = vector.broadcast %squeeze3A_415 : f32 to vector<16xf32>
        %mul3A_435 = arith.mulf %get3A_433, %mul3A_434 : vector<16xf32>
        %add3A_436 = arith.addf %add3A_402, %mul3A_435 : vector<16xf32>
        %get3A_437 = arith.index_cast %add3A_413 : i32 to index
        %get3A_438 = arith.constant 48 : index
        %get3A_439 = tpu.vector_load %arg17[%get3A_437, %get3A_438] {strides = array<i32>} : memref<640x64xf32, #tpu.memory_space<vmem>>, vector<1x16xf32>,
        %get3A_440 = vector.shape_cast %get3A_439 : vector<1x16xf32> to vector<16xf32>
        %mul3A_441 = vector.broadcast %squeeze3A_415 : f32 to vector<16xf32>
        %mul3A_442 = arith.mulf %get3A_440, %mul3A_441 : vector<16xf32>
        %add3A_443 = arith.addf %add3A_409, %mul3A_442 : vector<16xf32>
        %swap3A_444 = arith.index_cast %scan3A_58 : i32 to index
        %swap3A_445 = arith.constant 64 : index
        %swap3A_446 = tpu.vector_load %arg18[%swap3A_444, %swap3A_445] {strides = array<i32>} : memref<32x256xf32, #tpu.memory_space<vmem>>, vector<1x16xf32>,
        %swap3A_447 = vector.shape_cast %swap3A_446 : vector<1x16xf32> to vector<16xf32>
        %swap3A_448 = vector.shape_cast %add3A_422 : vector<16xf32> to vector<1x16xf32>
        tpu.vector_store %arg18[%swap3A_444, %swap3A_445], %swap3A_448 {strides = array<i32>} : memref<32x256xf32, #tpu.memory_space<vmem>>, vector<1x16xf32>,
        %swap3A_449 = arith.index_cast %scan3A_58 : i32 to index
        %swap3A_450 = arith.constant 80 : index
        %swap3A_451 = tpu.vector_load %arg18[%swap3A_449, %swap3A_450] {strides = array<i32>} : memref<32x256xf32, #tpu.memory_space<vmem>>, vector<1x16xf32>,
        %swap3A_452 = vector.shape_cast %swap3A_451 : vector<1x16xf32> to vector<16xf32>
        %swap3A_453 = vector.shape_cast %add3A_429 : vector<16xf32> to vector<1x16xf32>
        tpu.vector_store %arg18[%swap3A_449, %swap3A_450], %swap3A_453 {strides = array<i32>} : memref<32x256xf32, #tpu.memory_space<vmem>>, vector<1x16xf32>,
        %swap3A_454 = arith.index_cast %scan3A_58 : i32 to index
        %swap3A_455 = arith.constant 96 : index
        %swap3A_456 = tpu.vector_load %arg18[%swap3A_454, %swap3A_455] {strides = array<i32>} : memref<32x256xf32, #tpu.memory_space<vmem>>, vector<1x16xf32>,
        %swap3A_457 = vector.shape_cast %swap3A_456 : vector<1x16xf32> to vector<16xf32>
        %swap3A_458 = vector.shape_cast %add3A_436 : vector<16xf32> to vector<1x16xf32>
        tpu.vector_store %arg18[%swap3A_454, %swap3A_455], %swap3A_458 {strides = array<i32>} : memref<32x256xf32, #tpu.memory_space<vmem>>, vector<1x16xf32>,
        %swap3A_459 = arith.index_cast %scan3A_58 : i32 to index
        %swap3A_460 = arith.constant 112 : index
        %swap3A_461 = tpu.vector_load %arg18[%swap3A_459, %swap3A_460] {strides = array<i32>} : memref<32x256xf32, #tpu.memory_space<vmem>>, vector<1x16xf32>,
        %swap3A_462 = vector.shape_cast %swap3A_461 : vector<1x16xf32> to vector<16xf32>
        %swap3A_463 = vector.shape_cast %add3A_443 : vector<16xf32> to vector<1x16xf32>
        tpu.vector_store %arg18[%swap3A_459, %swap3A_460], %swap3A_463 {strides = array<i32>} : memref<32x256xf32, #tpu.memory_space<vmem>>, vector<1x16xf32>,
        %broadcast_in_dim3A_464 = arith.constant 0.000000e+00 : f32
        %broadcast_in_dim3A_465 = vector.broadcast %broadcast_in_dim3A_464 : f32 to vector<16xf32>
        %broadcast_in_dim3A_466 = arith.constant 0.000000e+00 : f32
        %broadcast_in_dim3A_467 = vector.broadcast %broadcast_in_dim3A_466 : f32 to vector<16xf32>
        %broadcast_in_dim3A_468 = arith.constant 0.000000e+00 : f32
        %broadcast_in_dim3A_469 = vector.broadcast %broadcast_in_dim3A_468 : f32 to vector<16xf32>
        %broadcast_in_dim3A_470 = arith.constant 0.000000e+00 : f32
        %broadcast_in_dim3A_471 = vector.broadcast %broadcast_in_dim3A_470 : f32 to vector<16xf32>
        %add3A_472 = arith.constant 10 : i32
        %add3A_473 = arith.addi %mul3A_60, %add3A_472 : i32
        %add3A_474 = arith.constant 0 : i32
        %add3A_475 = arith.addi %add3A_473, %add3A_474 : i32
        %slice3A_476 = vector.extract_strided_slice %get3A_64 {offsets = [10], sizes = [1], strides = [1]} : vector<16xf32> to vector<1xf32>
        %squeeze3A_477 = vector.extract %slice3A_476[0] : f32 from vector<1xf32>
        %get3A_478 = arith.index_cast %add3A_475 : i32 to index
        %get3A_479 = arith.constant 0 : index
        %get3A_480 = tpu.vector_load %arg17[%get3A_478, %get3A_479] {strides = array<i32>} : memref<640x64xf32, #tpu.memory_space<vmem>>, vector<1x16xf32>,
        %get3A_481 = vector.shape_cast %get3A_480 : vector<1x16xf32> to vector<16xf32>
        %mul3A_482 = vector.broadcast %squeeze3A_477 : f32 to vector<16xf32>
        %mul3A_483 = arith.mulf %get3A_481, %mul3A_482 : vector<16xf32>
        %add3A_484 = arith.addf %broadcast_in_dim3A_465, %mul3A_483 : vector<16xf32>
        %get3A_485 = arith.index_cast %add3A_475 : i32 to index
        %get3A_486 = arith.constant 16 : index
        %get3A_487 = tpu.vector_load %arg17[%get3A_485, %get3A_486] {strides = array<i32>} : memref<640x64xf32, #tpu.memory_space<vmem>>, vector<1x16xf32>,
        %get3A_488 = vector.shape_cast %get3A_487 : vector<1x16xf32> to vector<16xf32>
        %mul3A_489 = vector.broadcast %squeeze3A_477 : f32 to vector<16xf32>
        %mul3A_490 = arith.mulf %get3A_488, %mul3A_489 : vector<16xf32>
        %add3A_491 = arith.addf %broadcast_in_dim3A_467, %mul3A_490 : vector<16xf32>
        %get3A_492 = arith.index_cast %add3A_475 : i32 to index
        %get3A_493 = arith.constant 32 : index
        %get3A_494 = tpu.vector_load %arg17[%get3A_492, %get3A_493] {strides = array<i32>} : memref<640x64xf32, #tpu.memory_space<vmem>>, vector<1x16xf32>,
        %get3A_495 = vector.shape_cast %get3A_494 : vector<1x16xf32> to vector<16xf32>
        %mul3A_496 = vector.broadcast %squeeze3A_477 : f32 to vector<16xf32>
        %mul3A_497 = arith.mulf %get3A_495, %mul3A_496 : vector<16xf32>
        %add3A_498 = arith.addf %broadcast_in_dim3A_469, %mul3A_497 : vector<16xf32>
        %get3A_499 = arith.index_cast %add3A_475 : i32 to index
        %get3A_500 = arith.constant 48 : index
        %get3A_501 = tpu.vector_load %arg17[%get3A_499, %get3A_500] {strides = array<i32>} : memref<640x64xf32, #tpu.memory_space<vmem>>, vector<1x16xf32>,
        %get3A_502 = vector.shape_cast %get3A_501 : vector<1x16xf32> to vector<16xf32>
        %mul3A_503 = vector.broadcast %squeeze3A_477 : f32 to vector<16xf32>
        %mul3A_504 = arith.mulf %get3A_502, %mul3A_503 : vector<16xf32>
        %add3A_505 = arith.addf %broadcast_in_dim3A_471, %mul3A_504 : vector<16xf32>
        %add3A_506 = arith.constant 10 : i32
        %add3A_507 = arith.addi %mul3A_60, %add3A_506 : i32
        %add3A_508 = arith.constant 1 : i32
        %add3A_509 = arith.addi %add3A_507, %add3A_508 : i32
        %slice3A_510 = vector.extract_strided_slice %get3A_64 {offsets = [11], sizes = [1], strides = [1]} : vector<16xf32> to vector<1xf32>
        %squeeze3A_511 = vector.extract %slice3A_510[0] : f32 from vector<1xf32>
        %get3A_512 = arith.index_cast %add3A_509 : i32 to index
        %get3A_513 = arith.constant 0 : index
        %get3A_514 = tpu.vector_load %arg17[%get3A_512, %get3A_513] {strides = array<i32>} : memref<640x64xf32, #tpu.memory_space<vmem>>, vector<1x16xf32>,
        %get3A_515 = vector.shape_cast %get3A_514 : vector<1x16xf32> to vector<16xf32>
        %mul3A_516 = vector.broadcast %squeeze3A_511 : f32 to vector<16xf32>
        %mul3A_517 = arith.mulf %get3A_515, %mul3A_516 : vector<16xf32>
        %add3A_518 = arith.addf %add3A_484, %mul3A_517 : vector<16xf32>
        %get3A_519 = arith.index_cast %add3A_509 : i32 to index
        %get3A_520 = arith.constant 16 : index
        %get3A_521 = tpu.vector_load %arg17[%get3A_519, %get3A_520] {strides = array<i32>} : memref<640x64xf32, #tpu.memory_space<vmem>>, vector<1x16xf32>,
        %get3A_522 = vector.shape_cast %get3A_521 : vector<1x16xf32> to vector<16xf32>
        %mul3A_523 = vector.broadcast %squeeze3A_511 : f32 to vector<16xf32>
        %mul3A_524 = arith.mulf %get3A_522, %mul3A_523 : vector<16xf32>
        %add3A_525 = arith.addf %add3A_491, %mul3A_524 : vector<16xf32>
        %get3A_526 = arith.index_cast %add3A_509 : i32 to index
        %get3A_527 = arith.constant 32 : index
        %get3A_528 = tpu.vector_load %arg17[%get3A_526, %get3A_527] {strides = array<i32>} : memref<640x64xf32, #tpu.memory_space<vmem>>, vector<1x16xf32>,
        %get3A_529 = vector.shape_cast %get3A_528 : vector<1x16xf32> to vector<16xf32>
        %mul3A_530 = vector.broadcast %squeeze3A_511 : f32 to vector<16xf32>
        %mul3A_531 = arith.mulf %get3A_529, %mul3A_530 : vector<16xf32>
        %add3A_532 = arith.addf %add3A_498, %mul3A_531 : vector<16xf32>
        %get3A_533 = arith.index_cast %add3A_509 : i32 to index
        %get3A_534 = arith.constant 48 : index
        %get3A_535 = tpu.vector_load %arg17[%get3A_533, %get3A_534] {strides = array<i32>} : memref<640x64xf32, #tpu.memory_space<vmem>>, vector<1x16xf32>,
        %get3A_536 = vector.shape_cast %get3A_535 : vector<1x16xf32> to vector<16xf32>
        %mul3A_537 = vector.broadcast %squeeze3A_511 : f32 to vector<16xf32>
        %mul3A_538 = arith.mulf %get3A_536, %mul3A_537 : vector<16xf32>
        %add3A_539 = arith.addf %add3A_505, %mul3A_538 : vector<16xf32>
        %add3A_540 = arith.constant 10 : i32
        %add3A_541 = arith.addi %mul3A_60, %add3A_540 : i32
        %add3A_542 = arith.constant 2 : i32
        %add3A_543 = arith.addi %add3A_541, %add3A_542 : i32
        %slice3A_544 = vector.extract_strided_slice %get3A_64 {offsets = [12], sizes = [1], strides = [1]} : vector<16xf32> to vector<1xf32>
        %squeeze3A_545 = vector.extract %slice3A_544[0] : f32 from vector<1xf32>
        %get3A_546 = arith.index_cast %add3A_543 : i32 to index
        %get3A_547 = arith.constant 0 : index
        %get3A_548 = tpu.vector_load %arg17[%get3A_546, %get3A_547] {strides = array<i32>} : memref<640x64xf32, #tpu.memory_space<vmem>>, vector<1x16xf32>,
        %get3A_549 = vector.shape_cast %get3A_548 : vector<1x16xf32> to vector<16xf32>
        %mul3A_550 = vector.broadcast %squeeze3A_545 : f32 to vector<16xf32>
        %mul3A_551 = arith.mulf %get3A_549, %mul3A_550 : vector<16xf32>
        %add3A_552 = arith.addf %add3A_518, %mul3A_551 : vector<16xf32>
        %get3A_553 = arith.index_cast %add3A_543 : i32 to index
        %get3A_554 = arith.constant 16 : index
        %get3A_555 = tpu.vector_load %arg17[%get3A_553, %get3A_554] {strides = array<i32>} : memref<640x64xf32, #tpu.memory_space<vmem>>, vector<1x16xf32>,
        %get3A_556 = vector.shape_cast %get3A_555 : vector<1x16xf32> to vector<16xf32>
        %mul3A_557 = vector.broadcast %squeeze3A_545 : f32 to vector<16xf32>
        %mul3A_558 = arith.mulf %get3A_556, %mul3A_557 : vector<16xf32>
        %add3A_559 = arith.addf %add3A_525, %mul3A_558 : vector<16xf32>
        %get3A_560 = arith.index_cast %add3A_543 : i32 to index
        %get3A_561 = arith.constant 32 : index
        %get3A_562 = tpu.vector_load %arg17[%get3A_560, %get3A_561] {strides = array<i32>} : memref<640x64xf32, #tpu.memory_space<vmem>>, vector<1x16xf32>,
        %get3A_563 = vector.shape_cast %get3A_562 : vector<1x16xf32> to vector<16xf32>
        %mul3A_564 = vector.broadcast %squeeze3A_545 : f32 to vector<16xf32>
        %mul3A_565 = arith.mulf %get3A_563, %mul3A_564 : vector<16xf32>
        %add3A_566 = arith.addf %add3A_532, %mul3A_565 : vector<16xf32>
        %get3A_567 = arith.index_cast %add3A_543 : i32 to index
        %get3A_568 = arith.constant 48 : index
        %get3A_569 = tpu.vector_load %arg17[%get3A_567, %get3A_568] {strides = array<i32>} : memref<640x64xf32, #tpu.memory_space<vmem>>, vector<1x16xf32>,
        %get3A_570 = vector.shape_cast %get3A_569 : vector<1x16xf32> to vector<16xf32>
        %mul3A_571 = vector.broadcast %squeeze3A_545 : f32 to vector<16xf32>
        %mul3A_572 = arith.mulf %get3A_570, %mul3A_571 : vector<16xf32>
        %add3A_573 = arith.addf %add3A_539, %mul3A_572 : vector<16xf32>
        %add3A_574 = arith.constant 10 : i32
        %add3A_575 = arith.addi %mul3A_60, %add3A_574 : i32
        %add3A_576 = arith.constant 3 : i32
        %add3A_577 = arith.addi %add3A_575, %add3A_576 : i32
        %slice3A_578 = vector.extract_strided_slice %get3A_64 {offsets = [13], sizes = [1], strides = [1]} : vector<16xf32> to vector<1xf32>
        %squeeze3A_579 = vector.extract %slice3A_578[0] : f32 from vector<1xf32>
        %get3A_580 = arith.index_cast %add3A_577 : i32 to index
        %get3A_581 = arith.constant 0 : index
        %get3A_582 = tpu.vector_load %arg17[%get3A_580, %get3A_581] {strides = array<i32>} : memref<640x64xf32, #tpu.memory_space<vmem>>, vector<1x16xf32>,
        %get3A_583 = vector.shape_cast %get3A_582 : vector<1x16xf32> to vector<16xf32>
        %mul3A_584 = vector.broadcast %squeeze3A_579 : f32 to vector<16xf32>
        %mul3A_585 = arith.mulf %get3A_583, %mul3A_584 : vector<16xf32>
        %add3A_586 = arith.addf %add3A_552, %mul3A_585 : vector<16xf32>
        %get3A_587 = arith.index_cast %add3A_577 : i32 to index
        %get3A_588 = arith.constant 16 : index
        %get3A_589 = tpu.vector_load %arg17[%get3A_587, %get3A_588] {strides = array<i32>} : memref<640x64xf32, #tpu.memory_space<vmem>>, vector<1x16xf32>,
        %get3A_590 = vector.shape_cast %get3A_589 : vector<1x16xf32> to vector<16xf32>
        %mul3A_591 = vector.broadcast %squeeze3A_579 : f32 to vector<16xf32>
        %mul3A_592 = arith.mulf %get3A_590, %mul3A_591 : vector<16xf32>
        %add3A_593 = arith.addf %add3A_559, %mul3A_592 : vector<16xf32>
        %get3A_594 = arith.index_cast %add3A_577 : i32 to index
        %get3A_595 = arith.constant 32 : index
        %get3A_596 = tpu.vector_load %arg17[%get3A_594, %get3A_595] {strides = array<i32>} : memref<640x64xf32, #tpu.memory_space<vmem>>, vector<1x16xf32>,
        %get3A_597 = vector.shape_cast %get3A_596 : vector<1x16xf32> to vector<16xf32>
        %mul3A_598 = vector.broadcast %squeeze3A_579 : f32 to vector<16xf32>
        %mul3A_599 = arith.mulf %get3A_597, %mul3A_598 : vector<16xf32>
        %add3A_600 = arith.addf %add3A_566, %mul3A_599 : vector<16xf32>
        %get3A_601 = arith.index_cast %add3A_577 : i32 to index
        %get3A_602 = arith.constant 48 : index
        %get3A_603 = tpu.vector_load %arg17[%get3A_601, %get3A_602] {strides = array<i32>} : memref<640x64xf32, #tpu.memory_space<vmem>>, vector<1x16xf32>,
        %get3A_604 = vector.shape_cast %get3A_603 : vector<1x16xf32> to vector<16xf32>
        %mul3A_605 = vector.broadcast %squeeze3A_579 : f32 to vector<16xf32>
        %mul3A_606 = arith.mulf %get3A_604, %mul3A_605 : vector<16xf32>
        %add3A_607 = arith.addf %add3A_573, %mul3A_606 : vector<16xf32>
        %add3A_608 = arith.constant 10 : i32
        %add3A_609 = arith.addi %mul3A_60, %add3A_608 : i32
        %add3A_610 = arith.constant 4 : i32
        %add3A_611 = arith.addi %add3A_609, %add3A_610 : i32
        %slice3A_612 = vector.extract_strided_slice %get3A_64 {offsets = [14], sizes = [1], strides = [1]} : vector<16xf32> to vector<1xf32>
        %squeeze3A_613 = vector.extract %slice3A_612[0] : f32 from vector<1xf32>
        %get3A_614 = arith.index_cast %add3A_611 : i32 to index
        %get3A_615 = arith.constant 0 : index
        %get3A_616 = tpu.vector_load %arg17[%get3A_614, %get3A_615] {strides = array<i32>} : memref<640x64xf32, #tpu.memory_space<vmem>>, vector<1x16xf32>,
        %get3A_617 = vector.shape_cast %get3A_616 : vector<1x16xf32> to vector<16xf32>
        %mul3A_618 = vector.broadcast %squeeze3A_613 : f32 to vector<16xf32>
        %mul3A_619 = arith.mulf %get3A_617, %mul3A_618 : vector<16xf32>
        %add3A_620 = arith.addf %add3A_586, %mul3A_619 : vector<16xf32>
        %get3A_621 = arith.index_cast %add3A_611 : i32 to index
        %get3A_622 = arith.constant 16 : index
        %get3A_623 = tpu.vector_load %arg17[%get3A_621, %get3A_622] {strides = array<i32>} : memref<640x64xf32, #tpu.memory_space<vmem>>, vector<1x16xf32>,
        %get3A_624 = vector.shape_cast %get3A_623 : vector<1x16xf32> to vector<16xf32>
        %mul3A_625 = vector.broadcast %squeeze3A_613 : f32 to vector<16xf32>
        %mul3A_626 = arith.mulf %get3A_624, %mul3A_625 : vector<16xf32>
        %add3A_627 = arith.addf %add3A_593, %mul3A_626 : vector<16xf32>
        %get3A_628 = arith.index_cast %add3A_611 : i32 to index
        %get3A_629 = arith.constant 32 : index
        %get3A_630 = tpu.vector_load %arg17[%get3A_628, %get3A_629] {strides = array<i32>} : memref<640x64xf32, #tpu.memory_space<vmem>>, vector<1x16xf32>,
        %get3A_631 = vector.shape_cast %get3A_630 : vector<1x16xf32> to vector<16xf32>
        %mul3A_632 = vector.broadcast %squeeze3A_613 : f32 to vector<16xf32>
        %mul3A_633 = arith.mulf %get3A_631, %mul3A_632 : vector<16xf32>
        %add3A_634 = arith.addf %add3A_600, %mul3A_633 : vector<16xf32>
        %get3A_635 = arith.index_cast %add3A_611 : i32 to index
        %get3A_636 = arith.constant 48 : index
        %get3A_637 = tpu.vector_load %arg17[%get3A_635, %get3A_636] {strides = array<i32>} : memref<640x64xf32, #tpu.memory_space<vmem>>, vector<1x16xf32>,
        %get3A_638 = vector.shape_cast %get3A_637 : vector<1x16xf32> to vector<16xf32>
        %mul3A_639 = vector.broadcast %squeeze3A_613 : f32 to vector<16xf32>
        %mul3A_640 = arith.mulf %get3A_638, %mul3A_639 : vector<16xf32>
        %add3A_641 = arith.addf %add3A_607, %mul3A_640 : vector<16xf32>
        %swap3A_642 = arith.index_cast %scan3A_58 : i32 to index
        %swap3A_643 = arith.constant 128 : index
        %swap3A_644 = tpu.vector_load %arg18[%swap3A_642, %swap3A_643] {strides = array<i32>} : memref<32x256xf32, #tpu.memory_space<vmem>>, vector<1x16xf32>,
        %swap3A_645 = vector.shape_cast %swap3A_644 : vector<1x16xf32> to vector<16xf32>
        %swap3A_646 = vector.shape_cast %add3A_620 : vector<16xf32> to vector<1x16xf32>
        tpu.vector_store %arg18[%swap3A_642, %swap3A_643], %swap3A_646 {strides = array<i32>} : memref<32x256xf32, #tpu.memory_space<vmem>>, vector<1x16xf32>,
        %swap3A_647 = arith.index_cast %scan3A_58 : i32 to index
        %swap3A_648 = arith.constant 144 : index
        %swap3A_649 = tpu.vector_load %arg18[%swap3A_647, %swap3A_648] {strides = array<i32>} : memref<32x256xf32, #tpu.memory_space<vmem>>, vector<1x16xf32>,
        %swap3A_650 = vector.shape_cast %swap3A_649 : vector<1x16xf32> to vector<16xf32>
        %swap3A_651 = vector.shape_cast %add3A_627 : vector<16xf32> to vector<1x16xf32>
        tpu.vector_store %arg18[%swap3A_647, %swap3A_648], %swap3A_651 {strides = array<i32>} : memref<32x256xf32, #tpu.memory_space<vmem>>, vector<1x16xf32>,
        %swap3A_652 = arith.index_cast %scan3A_58 : i32 to index
        %swap3A_653 = arith.constant 160 : index
        %swap3A_654 = tpu.vector_load %arg18[%swap3A_652, %swap3A_653] {strides = array<i32>} : memref<32x256xf32, #tpu.memory_space<vmem>>, vector<1x16xf32>,
        %swap3A_655 = vector.shape_cast %swap3A_654 : vector<1x16xf32> to vector<16xf32>
        %swap3A_656 = vector.shape_cast %add3A_634 : vector<16xf32> to vector<1x16xf32>
        tpu.vector_store %arg18[%swap3A_652, %swap3A_653], %swap3A_656 {strides = array<i32>} : memref<32x256xf32, #tpu.memory_space<vmem>>, vector<1x16xf32>,
        %swap3A_657 = arith.index_cast %scan3A_58 : i32 to index
        %swap3A_658 = arith.constant 176 : index
        %swap3A_659 = tpu.vector_load %arg18[%swap3A_657, %swap3A_658] {strides = array<i32>} : memref<32x256xf32, #tpu.memory_space<vmem>>, vector<1x16xf32>,
        %swap3A_660 = vector.shape_cast %swap3A_659 : vector<1x16xf32> to vector<16xf32>
        %swap3A_661 = vector.shape_cast %add3A_641 : vector<16xf32> to vector<1x16xf32>
        tpu.vector_store %arg18[%swap3A_657, %swap3A_658], %swap3A_661 {strides = array<i32>} : memref<32x256xf32, #tpu.memory_space<vmem>>, vector<1x16xf32>,
        %broadcast_in_dim3A_662 = arith.constant 0.000000e+00 : f32
        %broadcast_in_dim3A_663 = vector.broadcast %broadcast_in_dim3A_662 : f32 to vector<16xf32>
        %broadcast_in_dim3A_664 = arith.constant 0.000000e+00 : f32
        %broadcast_in_dim3A_665 = vector.broadcast %broadcast_in_dim3A_664 : f32 to vector<16xf32>
        %broadcast_in_dim3A_666 = arith.constant 0.000000e+00 : f32
        %broadcast_in_dim3A_667 = vector.broadcast %broadcast_in_dim3A_666 : f32 to vector<16xf32>
        %broadcast_in_dim3A_668 = arith.constant 0.000000e+00 : f32
        %broadcast_in_dim3A_669 = vector.broadcast %broadcast_in_dim3A_668 : f32 to vector<16xf32>
        %add3A_670 = arith.constant 15 : i32
        %add3A_671 = arith.addi %mul3A_60, %add3A_670 : i32
        %add3A_672 = arith.constant 0 : i32
        %add3A_673 = arith.addi %add3A_671, %add3A_672 : i32
        %slice3A_674 = vector.extract_strided_slice %get3A_64 {offsets = [15], sizes = [1], strides = [1]} : vector<16xf32> to vector<1xf32>
        %squeeze3A_675 = vector.extract %slice3A_674[0] : f32 from vector<1xf32>
        %get3A_676 = arith.index_cast %add3A_673 : i32 to index
        %get3A_677 = arith.constant 0 : index
        %get3A_678 = tpu.vector_load %arg17[%get3A_676, %get3A_677] {strides = array<i32>} : memref<640x64xf32, #tpu.memory_space<vmem>>, vector<1x16xf32>,
        %get3A_679 = vector.shape_cast %get3A_678 : vector<1x16xf32> to vector<16xf32>
        %mul3A_680 = vector.broadcast %squeeze3A_675 : f32 to vector<16xf32>
        %mul3A_681 = arith.mulf %get3A_679, %mul3A_680 : vector<16xf32>
        %add3A_682 = arith.addf %broadcast_in_dim3A_663, %mul3A_681 : vector<16xf32>
        %get3A_683 = arith.index_cast %add3A_673 : i32 to index
        %get3A_684 = arith.constant 16 : index
        %get3A_685 = tpu.vector_load %arg17[%get3A_683, %get3A_684] {strides = array<i32>} : memref<640x64xf32, #tpu.memory_space<vmem>>, vector<1x16xf32>,
        %get3A_686 = vector.shape_cast %get3A_685 : vector<1x16xf32> to vector<16xf32>
        %mul3A_687 = vector.broadcast %squeeze3A_675 : f32 to vector<16xf32>
        %mul3A_688 = arith.mulf %get3A_686, %mul3A_687 : vector<16xf32>
        %add3A_689 = arith.addf %broadcast_in_dim3A_665, %mul3A_688 : vector<16xf32>
        %get3A_690 = arith.index_cast %add3A_673 : i32 to index
        %get3A_691 = arith.constant 32 : index
        %get3A_692 = tpu.vector_load %arg17[%get3A_690, %get3A_691] {strides = array<i32>} : memref<640x64xf32, #tpu.memory_space<vmem>>, vector<1x16xf32>,
        %get3A_693 = vector.shape_cast %get3A_692 : vector<1x16xf32> to vector<16xf32>
        %mul3A_694 = vector.broadcast %squeeze3A_675 : f32 to vector<16xf32>
        %mul3A_695 = arith.mulf %get3A_693, %mul3A_694 : vector<16xf32>
        %add3A_696 = arith.addf %broadcast_in_dim3A_667, %mul3A_695 : vector<16xf32>
        %get3A_697 = arith.index_cast %add3A_673 : i32 to index
        %get3A_698 = arith.constant 48 : index
        %get3A_699 = tpu.vector_load %arg17[%get3A_697, %get3A_698] {strides = array<i32>} : memref<640x64xf32, #tpu.memory_space<vmem>>, vector<1x16xf32>,
        %get3A_700 = vector.shape_cast %get3A_699 : vector<1x16xf32> to vector<16xf32>
        %mul3A_701 = vector.broadcast %squeeze3A_675 : f32 to vector<16xf32>
        %mul3A_702 = arith.mulf %get3A_700, %mul3A_701 : vector<16xf32>
        %add3A_703 = arith.addf %broadcast_in_dim3A_669, %mul3A_702 : vector<16xf32>
        %add3A_704 = arith.constant 15 : i32
        %add3A_705 = arith.addi %mul3A_60, %add3A_704 : i32
        %add3A_706 = arith.constant 1 : i32
        %add3A_707 = arith.addi %add3A_705, %add3A_706 : i32
        %slice3A_708 = vector.extract_strided_slice %get3A_71 {offsets = [0], sizes = [1], strides = [1]} : vector<16xf32> to vector<1xf32>
        %squeeze3A_709 = vector.extract %slice3A_708[0] : f32 from vector<1xf32>
        %get3A_710 = arith.index_cast %add3A_707 : i32 to index
        %get3A_711 = arith.constant 0 : index
        %get3A_712 = tpu.vector_load %arg17[%get3A_710, %get3A_711] {strides = array<i32>} : memref<640x64xf32, #tpu.memory_space<vmem>>, vector<1x16xf32>,
        %get3A_713 = vector.shape_cast %get3A_712 : vector<1x16xf32> to vector<16xf32>
        %mul3A_714 = vector.broadcast %squeeze3A_709 : f32 to vector<16xf32>
        %mul3A_715 = arith.mulf %get3A_713, %mul3A_714 : vector<16xf32>
        %add3A_716 = arith.addf %add3A_682, %mul3A_715 : vector<16xf32>
        %get3A_717 = arith.index_cast %add3A_707 : i32 to index
        %get3A_718 = arith.constant 16 : index
        %get3A_719 = tpu.vector_load %arg17[%get3A_717, %get3A_718] {strides = array<i32>} : memref<640x64xf32, #tpu.memory_space<vmem>>, vector<1x16xf32>,
        %get3A_720 = vector.shape_cast %get3A_719 : vector<1x16xf32> to vector<16xf32>
        %mul3A_721 = vector.broadcast %squeeze3A_709 : f32 to vector<16xf32>
        %mul3A_722 = arith.mulf %get3A_720, %mul3A_721 : vector<16xf32>
        %add3A_723 = arith.addf %add3A_689, %mul3A_722 : vector<16xf32>
        %get3A_724 = arith.index_cast %add3A_707 : i32 to index
        %get3A_725 = arith.constant 32 : index
        %get3A_726 = tpu.vector_load %arg17[%get3A_724, %get3A_725] {strides = array<i32>} : memref<640x64xf32, #tpu.memory_space<vmem>>, vector<1x16xf32>,
        %get3A_727 = vector.shape_cast %get3A_726 : vector<1x16xf32> to vector<16xf32>
        %mul3A_728 = vector.broadcast %squeeze3A_709 : f32 to vector<16xf32>
        %mul3A_729 = arith.mulf %get3A_727, %mul3A_728 : vector<16xf32>
        %add3A_730 = arith.addf %add3A_696, %mul3A_729 : vector<16xf32>
        %get3A_731 = arith.index_cast %add3A_707 : i32 to index
        %get3A_732 = arith.constant 48 : index
        %get3A_733 = tpu.vector_load %arg17[%get3A_731, %get3A_732] {strides = array<i32>} : memref<640x64xf32, #tpu.memory_space<vmem>>, vector<1x16xf32>,
        %get3A_734 = vector.shape_cast %get3A_733 : vector<1x16xf32> to vector<16xf32>
        %mul3A_735 = vector.broadcast %squeeze3A_709 : f32 to vector<16xf32>
        %mul3A_736 = arith.mulf %get3A_734, %mul3A_735 : vector<16xf32>
        %add3A_737 = arith.addf %add3A_703, %mul3A_736 : vector<16xf32>
        %add3A_738 = arith.constant 15 : i32
        %add3A_739 = arith.addi %mul3A_60, %add3A_738 : i32
        %add3A_740 = arith.constant 2 : i32
        %add3A_741 = arith.addi %add3A_739, %add3A_740 : i32
        %slice3A_742 = vector.extract_strided_slice %get3A_71 {offsets = [1], sizes = [1], strides = [1]} : vector<16xf32> to vector<1xf32>
        %squeeze3A_743 = vector.extract %slice3A_742[0] : f32 from vector<1xf32>
        %get3A_744 = arith.index_cast %add3A_741 : i32 to index
        %get3A_745 = arith.constant 0 : index
        %get3A_746 = tpu.vector_load %arg17[%get3A_744, %get3A_745] {strides = array<i32>} : memref<640x64xf32, #tpu.memory_space<vmem>>, vector<1x16xf32>,
        %get3A_747 = vector.shape_cast %get3A_746 : vector<1x16xf32> to vector<16xf32>
        %mul3A_748 = vector.broadcast %squeeze3A_743 : f32 to vector<16xf32>
        %mul3A_749 = arith.mulf %get3A_747, %mul3A_748 : vector<16xf32>
        %add3A_750 = arith.addf %add3A_716, %mul3A_749 : vector<16xf32>
        %get3A_751 = arith.index_cast %add3A_741 : i32 to index
        %get3A_752 = arith.constant 16 : index
        %get3A_753 = tpu.vector_load %arg17[%get3A_751, %get3A_752] {strides = array<i32>} : memref<640x64xf32, #tpu.memory_space<vmem>>, vector<1x16xf32>,
        %get3A_754 = vector.shape_cast %get3A_753 : vector<1x16xf32> to vector<16xf32>
        %mul3A_755 = vector.broadcast %squeeze3A_743 : f32 to vector<16xf32>
        %mul3A_756 = arith.mulf %get3A_754, %mul3A_755 : vector<16xf32>
        %add3A_757 = arith.addf %add3A_723, %mul3A_756 : vector<16xf32>
        %get3A_758 = arith.index_cast %add3A_741 : i32 to index
        %get3A_759 = arith.constant 32 : index
        %get3A_760 = tpu.vector_load %arg17[%get3A_758, %get3A_759] {strides = array<i32>} : memref<640x64xf32, #tpu.memory_space<vmem>>, vector<1x16xf32>,
        %get3A_761 = vector.shape_cast %get3A_760 : vector<1x16xf32> to vector<16xf32>
        %mul3A_762 = vector.broadcast %squeeze3A_743 : f32 to vector<16xf32>
        %mul3A_763 = arith.mulf %get3A_761, %mul3A_762 : vector<16xf32>
        %add3A_764 = arith.addf %add3A_730, %mul3A_763 : vector<16xf32>
        %get3A_765 = arith.index_cast %add3A_741 : i32 to index
        %get3A_766 = arith.constant 48 : index
        %get3A_767 = tpu.vector_load %arg17[%get3A_765, %get3A_766] {strides = array<i32>} : memref<640x64xf32, #tpu.memory_space<vmem>>, vector<1x16xf32>,
        %get3A_768 = vector.shape_cast %get3A_767 : vector<1x16xf32> to vector<16xf32>
        %mul3A_769 = vector.broadcast %squeeze3A_743 : f32 to vector<16xf32>
        %mul3A_770 = arith.mulf %get3A_768, %mul3A_769 : vector<16xf32>
        %add3A_771 = arith.addf %add3A_737, %mul3A_770 : vector<16xf32>
        %add3A_772 = arith.constant 15 : i32
        %add3A_773 = arith.addi %mul3A_60, %add3A_772 : i32
        %add3A_774 = arith.constant 3 : i32
        %add3A_775 = arith.addi %add3A_773, %add3A_774 : i32
        %slice3A_776 = vector.extract_strided_slice %get3A_71 {offsets = [2], sizes = [1], strides = [1]} : vector<16xf32> to vector<1xf32>
        %squeeze3A_777 = vector.extract %slice3A_776[0] : f32 from vector<1xf32>
        %get3A_778 = arith.index_cast %add3A_775 : i32 to index
        %get3A_779 = arith.constant 0 : index
        %get3A_780 = tpu.vector_load %arg17[%get3A_778, %get3A_779] {strides = array<i32>} : memref<640x64xf32, #tpu.memory_space<vmem>>, vector<1x16xf32>,
        %get3A_781 = vector.shape_cast %get3A_780 : vector<1x16xf32> to vector<16xf32>
        %mul3A_782 = vector.broadcast %squeeze3A_777 : f32 to vector<16xf32>
        %mul3A_783 = arith.mulf %get3A_781, %mul3A_782 : vector<16xf32>
        %add3A_784 = arith.addf %add3A_750, %mul3A_783 : vector<16xf32>
        %get3A_785 = arith.index_cast %add3A_775 : i32 to index
        %get3A_786 = arith.constant 16 : index
        %get3A_787 = tpu.vector_load %arg17[%get3A_785, %get3A_786] {strides = array<i32>} : memref<640x64xf32, #tpu.memory_space<vmem>>, vector<1x16xf32>,
        %get3A_788 = vector.shape_cast %get3A_787 : vector<1x16xf32> to vector<16xf32>
        %mul3A_789 = vector.broadcast %squeeze3A_777 : f32 to vector<16xf32>
        %mul3A_790 = arith.mulf %get3A_788, %mul3A_789 : vector<16xf32>
        %add3A_791 = arith.addf %add3A_757, %mul3A_790 : vector<16xf32>
        %get3A_792 = arith.index_cast %add3A_775 : i32 to index
        %get3A_793 = arith.constant 32 : index
        %get3A_794 = tpu.vector_load %arg17[%get3A_792, %get3A_793] {strides = array<i32>} : memref<640x64xf32, #tpu.memory_space<vmem>>, vector<1x16xf32>,
        %get3A_795 = vector.shape_cast %get3A_794 : vector<1x16xf32> to vector<16xf32>
        %mul3A_796 = vector.broadcast %squeeze3A_777 : f32 to vector<16xf32>
        %mul3A_797 = arith.mulf %get3A_795, %mul3A_796 : vector<16xf32>
        %add3A_798 = arith.addf %add3A_764, %mul3A_797 : vector<16xf32>
        %get3A_799 = arith.index_cast %add3A_775 : i32 to index
        %get3A_800 = arith.constant 48 : index
        %get3A_801 = tpu.vector_load %arg17[%get3A_799, %get3A_800] {strides = array<i32>} : memref<640x64xf32, #tpu.memory_space<vmem>>, vector<1x16xf32>,
        %get3A_802 = vector.shape_cast %get3A_801 : vector<1x16xf32> to vector<16xf32>
        %mul3A_803 = vector.broadcast %squeeze3A_777 : f32 to vector<16xf32>
        %mul3A_804 = arith.mulf %get3A_802, %mul3A_803 : vector<16xf32>
        %add3A_805 = arith.addf %add3A_771, %mul3A_804 : vector<16xf32>
        %add3A_806 = arith.constant 15 : i32
        %add3A_807 = arith.addi %mul3A_60, %add3A_806 : i32
        %add3A_808 = arith.constant 4 : i32
        %add3A_809 = arith.addi %add3A_807, %add3A_808 : i32
        %slice3A_810 = vector.extract_strided_slice %get3A_71 {offsets = [3], sizes = [1], strides = [1]} : vector<16xf32> to vector<1xf32>
        %squeeze3A_811 = vector.extract %slice3A_810[0] : f32 from vector<1xf32>
        %get3A_812 = arith.index_cast %add3A_809 : i32 to index
        %get3A_813 = arith.constant 0 : index
        %get3A_814 = tpu.vector_load %arg17[%get3A_812, %get3A_813] {strides = array<i32>} : memref<640x64xf32, #tpu.memory_space<vmem>>, vector<1x16xf32>,
        %get3A_815 = vector.shape_cast %get3A_814 : vector<1x16xf32> to vector<16xf32>
        %mul3A_816 = vector.broadcast %squeeze3A_811 : f32 to vector<16xf32>
        %mul3A_817 = arith.mulf %get3A_815, %mul3A_816 : vector<16xf32>
        %add3A_818 = arith.addf %add3A_784, %mul3A_817 : vector<16xf32>
        %get3A_819 = arith.index_cast %add3A_809 : i32 to index
        %get3A_820 = arith.constant 16 : index
        %get3A_821 = tpu.vector_load %arg17[%get3A_819, %get3A_820] {strides = array<i32>} : memref<640x64xf32, #tpu.memory_space<vmem>>, vector<1x16xf32>,
        %get3A_822 = vector.shape_cast %get3A_821 : vector<1x16xf32> to vector<16xf32>
        %mul3A_823 = vector.broadcast %squeeze3A_811 : f32 to vector<16xf32>
        %mul3A_824 = arith.mulf %get3A_822, %mul3A_823 : vector<16xf32>
        %add3A_825 = arith.addf %add3A_791, %mul3A_824 : vector<16xf32>
        %get3A_826 = arith.index_cast %add3A_809 : i32 to index
        %get3A_827 = arith.constant 32 : index
        %get3A_828 = tpu.vector_load %arg17[%get3A_826, %get3A_827] {strides = array<i32>} : memref<640x64xf32, #tpu.memory_space<vmem>>, vector<1x16xf32>,
        %get3A_829 = vector.shape_cast %get3A_828 : vector<1x16xf32> to vector<16xf32>
        %mul3A_830 = vector.broadcast %squeeze3A_811 : f32 to vector<16xf32>
        %mul3A_831 = arith.mulf %get3A_829, %mul3A_830 : vector<16xf32>
        %add3A_832 = arith.addf %add3A_798, %mul3A_831 : vector<16xf32>
        %get3A_833 = arith.index_cast %add3A_809 : i32 to index
        %get3A_834 = arith.constant 48 : index
        %get3A_835 = tpu.vector_load %arg17[%get3A_833, %get3A_834] {strides = array<i32>} : memref<640x64xf32, #tpu.memory_space<vmem>>, vector<1x16xf32>,
        %get3A_836 = vector.shape_cast %get3A_835 : vector<1x16xf32> to vector<16xf32>
        %mul3A_837 = vector.broadcast %squeeze3A_811 : f32 to vector<16xf32>
        %mul3A_838 = arith.mulf %get3A_836, %mul3A_837 : vector<16xf32>
        %add3A_839 = arith.addf %add3A_805, %mul3A_838 : vector<16xf32>
        %swap3A_840 = arith.index_cast %scan3A_58 : i32 to index
        %swap3A_841 = arith.constant 192 : index
        %swap3A_842 = tpu.vector_load %arg18[%swap3A_840, %swap3A_841] {strides = array<i32>} : memref<32x256xf32, #tpu.memory_space<vmem>>, vector<1x16xf32>,
        %swap3A_843 = vector.shape_cast %swap3A_842 : vector<1x16xf32> to vector<16xf32>
        %swap3A_844 = vector.shape_cast %add3A_818 : vector<16xf32> to vector<1x16xf32>
        tpu.vector_store %arg18[%swap3A_840, %swap3A_841], %swap3A_844 {strides = array<i32>} : memref<32x256xf32, #tpu.memory_space<vmem>>, vector<1x16xf32>,
        %swap3A_845 = arith.index_cast %scan3A_58 : i32 to index
        %swap3A_846 = arith.constant 208 : index
        %swap3A_847 = tpu.vector_load %arg18[%swap3A_845, %swap3A_846] {strides = array<i32>} : memref<32x256xf32, #tpu.memory_space<vmem>>, vector<1x16xf32>,
        %swap3A_848 = vector.shape_cast %swap3A_847 : vector<1x16xf32> to vector<16xf32>
        %swap3A_849 = vector.shape_cast %add3A_825 : vector<16xf32> to vector<1x16xf32>
        tpu.vector_store %arg18[%swap3A_845, %swap3A_846], %swap3A_849 {strides = array<i32>} : memref<32x256xf32, #tpu.memory_space<vmem>>, vector<1x16xf32>,
        %swap3A_850 = arith.index_cast %scan3A_58 : i32 to index
        %swap3A_851 = arith.constant 224 : index
        %swap3A_852 = tpu.vector_load %arg18[%swap3A_850, %swap3A_851] {strides = array<i32>} : memref<32x256xf32, #tpu.memory_space<vmem>>, vector<1x16xf32>,
        %swap3A_853 = vector.shape_cast %swap3A_852 : vector<1x16xf32> to vector<16xf32>
        %swap3A_854 = vector.shape_cast %add3A_832 : vector<16xf32> to vector<1x16xf32>
        tpu.vector_store %arg18[%swap3A_850, %swap3A_851], %swap3A_854 {strides = array<i32>} : memref<32x256xf32, #tpu.memory_space<vmem>>, vector<1x16xf32>,
        %swap3A_855 = arith.index_cast %scan3A_58 : i32 to index
        %swap3A_856 = arith.constant 240 : index
        %swap3A_857 = tpu.vector_load %arg18[%swap3A_855, %swap3A_856] {strides = array<i32>} : memref<32x256xf32, #tpu.memory_space<vmem>>, vector<1x16xf32>,
        %swap3A_858 = vector.shape_cast %swap3A_857 : vector<1x16xf32> to vector<16xf32>
        %swap3A_859 = vector.shape_cast %add3A_839 : vector<16xf32> to vector<1x16xf32>
        tpu.vector_store %arg18[%swap3A_855, %swap3A_856], %swap3A_859 {strides = array<i32>} : memref<32x256xf32, #tpu.memory_space<vmem>>, vector<1x16xf32>,
      }
      %scan3A_57 = arith.constant 32 : i32
      "tpu.region"() ({
        %run_scoped3A = tpu.sem_alloc : memref<!tpu.dma_semaphore, #tpu.memory_space<semaphore_mem>>
        %dma_start3A_58 = arith.constant 0 : i32
        %dma_start3A_59 = tpu.memref_slice %arg7[%add3A_15, %dma_start3A_58] : memref<51200x384xf32, #tpu.memory_space<hbm>> -> memref<32x128xf32, #tpu.memory_space<hbm>>
        %dma_start3A_60 = arith.constant 0 : i32
        %dma_start3A_61 = tpu.memref_slice %arg7[%add3A_15, %dma_start3A_60] : memref<51200x384xf32, #tpu.memory_space<hbm>> -> memref<32x128xf32, #tpu.memory_space<hbm>>
        tpu.enqueue_dma source(%arg15 : memref<32x128xf32, #tpu.memory_space<vmem>>) target(%dma_start3A_61 : memref<32x128xf32, #tpu.memory_space<hbm>>) target_semaphore(%run_scoped3A : memref<!tpu.dma_semaphore, #tpu.memory_space<semaphore_mem>>)
        %dma_wait3A_62 = arith.constant 0 : i32
        %dma_wait3A_63 = tpu.memref_slice %arg7[%add3A_15, %dma_wait3A_62] : memref<51200x384xf32, #tpu.memory_space<hbm>> -> memref<32x128xf32, #tpu.memory_space<hbm>>
        %dma_wait3A_64 = arith.constant 0 : i32
        %dma_wait3A_65 = tpu.memref_slice %arg7[%add3A_15, %dma_wait3A_64] : memref<51200x384xf32, #tpu.memory_space<hbm>> -> memref<32x128xf32, #tpu.memory_space<hbm>>
        tpu.wait_dma2 semaphore(%run_scoped3A : memref<!tpu.dma_semaphore, #tpu.memory_space<semaphore_mem>>) src(%arg15 : memref<32x128xf32, #tpu.memory_space<vmem>>) dst(%dma_wait3A_65 : memref<32x128xf32, #tpu.memory_space<hbm>>)
        tpu.yield
      }) : () -> ()
      "tpu.region"() ({
        %run_scoped3A = tpu.sem_alloc : memref<!tpu.dma_semaphore, #tpu.memory_space<semaphore_mem>>
        %dma_start3A_58 = arith.constant 128 : i32
        %dma_start3A_59 = tpu.memref_slice %arg7[%add3A_15, %dma_start3A_58] : memref<51200x384xf32, #tpu.memory_space<hbm>> -> memref<32x256xf32, #tpu.memory_space<hbm>>
        %dma_start3A_60 = arith.constant 128 : i32
        %dma_start3A_61 = tpu.memref_slice %arg7[%add3A_15, %dma_start3A_60] : memref<51200x384xf32, #tpu.memory_space<hbm>> -> memref<32x256xf32, #tpu.memory_space<hbm>>
        tpu.enqueue_dma source(%arg18 : memref<32x256xf32, #tpu.memory_space<vmem>>) target(%dma_start3A_61 : memref<32x256xf32, #tpu.memory_space<hbm>>) target_semaphore(%run_scoped3A : memref<!tpu.dma_semaphore, #tpu.memory_space<semaphore_mem>>)
        %dma_wait3A_62 = arith.constant 128 : i32
        %dma_wait3A_63 = tpu.memref_slice %arg7[%add3A_15, %dma_wait3A_62] : memref<51200x384xf32, #tpu.memory_space<hbm>> -> memref<32x256xf32, #tpu.memory_space<hbm>>
        %dma_wait3A_64 = arith.constant 128 : i32
        %dma_wait3A_65 = tpu.memref_slice %arg7[%add3A_15, %dma_wait3A_64] : memref<51200x384xf32, #tpu.memory_space<hbm>> -> memref<32x256xf32, #tpu.memory_space<hbm>>
        tpu.wait_dma2 semaphore(%run_scoped3A : memref<!tpu.dma_semaphore, #tpu.memory_space<semaphore_mem>>) src(%arg18 : memref<32x256xf32, #tpu.memory_space<vmem>>) dst(%dma_wait3A_65 : memref<32x256xf32, #tpu.memory_space<hbm>>)
        tpu.yield
      }) : () -> ()
    }
    %scan3A_5 = arith.constant 25 : i32
    return
  }
}

</mosaic_0001>

<sc_bundles>
// kernel: kernel.3.cloned.1.call-start
scs
__scs_entry_jumppad:
0x0: {  	(pc) =	sbr.rel $0x88, $3  }
0x1: {  	(tag) =	ssettag $0x0;
	lr =	simm.s32 $0x1  }
0x2: {  	[smem:$0x3F9C] =	sst lr;
	_ =	strace $0xD0000000  }
0x3: {  	_ = 	snop  }
0x4: {  	_ = 	snop  }
0x5: {  	_ = 	snop  }
0x6: {  	_ = 	snop  }
0x7: {  	_ = 	snop  }
__scs_overlays_trampoline_lowered:
0x8: {  	[smem:$0x3FAB] =	sst s0  }
0x9: {  	[smem:$0x3FAC] =	sst s1  }
0xa: {  	[smem:$0x3FAD] =	sst s2  }
0xb: {  	[smem:$0x3FAE] =	sst s3  }
0xc: {  	[smem:$0x3FAF] =	sst s4  }
0xd: {  	[smem:$0x3FB0] =	sst s5  }
0xe: {  	[smem:$0x3FB1] =	sst s6  }
0xf: {  	[smem:$0x3FB2] =	sst s7  }
0x10: {  	[smem:$0x3FB3] =	sst s8  }
0x11: {  	[smem:$0x3FB4] =	sst s9;
	s0 =	simm.s32 @!p0 $0x0  }
0x12: {  	s1 =	sld [smem:$0x3F9A];
	s0 =	simm.s32 @p0 $0x1  }
0x13: {  	[smem:$0x3FB5] =	sst s0;
	s0 =	simm.s32 @!p1 $0x0  }
0x14: {  	s2 =	sld [smem:$0x3F99];
	s0 =	simm.s32 @p1 $0x1  }
0x15: {  	[smem:$0x3FB6] =	sst s0;
	s0 =	simm.s32 @!p2 $0x0  }
0x16: {  	s3 =	sld [smem:$0x3FDB];
	s0 =	simm.s32 @p2 $0x1  }
0x17: {  	s4 =	simm.s32 $0x1BF5;
	[smem:$0x3FB8] =	sst s0  }
0x18: {  	s0 =	sld [smem:$0x3F9B];
	_ =	swait.ge [sflag:s4], $0x0  }
0x19: {  	s7 =	sld [smem:$0x3F9C]  }
0x1a: {  	s8 =	sadd.s32 $0xFFFFE003, lr  }
0x1b: {  	s9 =	sadd.s32 $0xFFFFFEF7, lr;
	s5 =	simm.s32 $0xFFFFFFFF;
	p2 =	slt.u32 s8, $0xFFFFF086  }
0x1c: {  	p1 =	slt.u32 s9, $0xF7A;
	s5 =	simm.s32 @!p2 $0x0  }
0x1d: {  	s5 =	simm.s32 @p1 $0x1;
	p0 =	seq.s32 s7, s2  }
0x1e: {  	s7 =	smul.u32 @!p0 $0xF7A, s2;
	p2 =	seq.s32 @!p0 s5, $0x0  }
0x1f: {  	s9 =	smul.u32 $0xF7A, s1;
	s8 =	simm.s32 @!p0 $0x1BF5;
	p2 =	por !p2, p0  }
0x20: {  	[sflag:s8] =	ssyncset.s32 @!p0 $0xFFFFF086;
	s6 =	sadd.s32 @!p0 s3, s7;
	s7 =	simm.s32 @!p0 $0x108  }
0x21: {  	s3 =	sadd.s32 s3, s9;
	s6 =	sadd.s32 @!p0 $0x88, s6;
	s7 =	simm.s32 @p2 $0x1082  }
0x22: {  	[simem:s7], [sflag:s8] =	dma.local @!p0 [hbm:s6], $0xF7A  }
0x23: {  	s9 =	sor.u32 $0xD0000000, s2;
	s6 =	simm.s32 $0x108;
	_ =	swait.ge @!p0 [sflag:s8], $0x0  }
0x24: {  	s3 =	sadd.s32 $0x88, s3;
	s6 =	simm.s32 @!p1 $0x1082;
	[sflag:s4] =	ssyncset.s32 $0xFFFFF086  }
0x25: {  	[simem:s6], [sflag:s4] =	dma.local [hbm:s3], $0xF7A  }
0x26: {  	[smem:$0x3F9C] =	sst s1;
	(tag) =	ssettag s2;
	_ =	strace s9  }
0x27: {  	s1 =	sld [smem:$0x3FAC]  }
0x28: {  	s2 =	sld [smem:$0x3FAD]  }
0x29: {  	s4 =	sld [smem:$0x3FAF]  }
0x2a: {  	p0 =	seq.s32 s5, $0x0;
	s5 =	sld [smem:$0x3FB0]  }
0x2b: {  	s6 =	sld [smem:$0x3FB1]  }
0x2c: {  	s7 =	sld [smem:$0x3FB2]  }
0x2d: {  	s3 =	simm.s32 $0x108;
	s8 =	sld [smem:$0x3FB3]  }
0x2e: {  	s3 =	simm.s32 @!p0 $0x1082;
	s9 =	sld [smem:$0x3FB4]  }
0x2f: {  	lr =	sadd.s32 s0, s3;
	s0 =	sld [smem:$0x3FAB]  }
0x30: {  	s3 =	sld [smem:$0x3FAE]  }
0x31: {  	[smem:$0x3FB7] =	sst s10  }
0x32: {  	s10 =	sld [smem:$0x3FB5];
	_ =	sdelay $0x3  }
0x33: {  	p0 =	seq.s32 s10, $0x1;
	s10 =	sld [smem:$0x3FB7];
	_ =	sdelay $0x3  }
0x34: {  	[smem:$0x3FB7] =	sst s10  }
0x35: {  	s10 =	sld [smem:$0x3FB6];
	_ =	sdelay $0x3  }
0x36: {  	p1 =	seq.s32 s10, $0x1;
	s10 =	sld [smem:$0x3FB7];
	_ =	sdelay $0x3  }
0x37: {  	[smem:$0x3FB7] =	sst s10  }
0x38: {  	s10 =	sld [smem:$0x3FB8]  }
0x39: {  	_ = 	snop;
	(pc) =	sbr.ind lr, $3  }
0x3a: {  	_ = 	snop  }
0x3b: {  	_ = 	snop  }
0x3c: {  	p2 =	seq.s32 s10, $0x1;
	s10 =	sld [smem:$0x3FB7]  }
0x3d: {  	_ =	shalt  }
0x3e: {  	_ =	shalt  }
0x3f: {  	_ =	shalt  }
0x40: {  	_ =	shalt  }
0x41: {  	_ =	shalt  }
0x42: {  	_ =	shalt  }
0x43: {  	_ =	shalt  }
0x44: {  	_ =	shalt  }
0x45: {  	_ =	shalt  }
0x46: {  	_ =	shalt  }
0x47: {  	_ =	shalt  }
0x48: {  	_ =	shalt  }
0x49: {  	_ =	shalt  }
0x4a: {  	_ =	shalt  }
0x4b: {  	_ =	shalt  }
0x4c: {  	_ =	shalt  }
0x4d: {  	_ =	shalt  }
0x4e: {  	_ =	shalt  }
0x4f: {  	_ =	shalt  }
0x50: {  	_ =	shalt  }
0x51: {  	_ =	shalt  }
0x52: {  	_ =	shalt  }
0x53: {  	_ =	shalt  }
0x54: {  	_ =	shalt  }
0x55: {  	_ =	shalt  }
0x56: {  	_ =	shalt  }
0x57: {  	_ =	shalt  }
0x58: {  	_ =	shalt  }
0x59: {  	_ =	shalt  }
0x5a: {  	_ =	shalt  }
0x5b: {  	_ =	shalt  }
0x5c: {  	_ =	shalt  }
0x5d: {  	_ =	shalt  }
0x5e: {  	_ =	shalt  }
0x5f: {  	_ =	shalt  }
0x60: {  	_ =	shalt  }
0x61: {  	_ =	shalt  }
0x62: {  	_ =	shalt  }
0x63: {  	_ =	shalt  }
0x64: {  	_ =	shalt  }
0x65: {  	_ =	shalt  }
0x66: {  	_ =	shalt  }
0x67: {  	_ =	shalt  }
0x68: {  	_ =	shalt  }
0x69: {  	_ =	shalt  }
0x6a: {  	_ =	shalt  }
0x6b: {  	_ =	shalt  }
0x6c: {  	_ =	shalt  }
0x6d: {  	_ =	shalt  }
0x6e: {  	_ =	shalt  }
0x6f: {  	_ =	shalt  }
0x70: {  	_ =	shalt  }
0x71: {  	_ =	shalt  }
0x72: {  	_ =	shalt  }
0x73: {  	_ =	shalt  }
0x74: {  	_ =	shalt  }
0x75: {  	_ =	shalt  }
0x76: {  	_ =	shalt  }
0x77: {  	_ =	shalt  }
0x78: {  	_ =	shalt  }
0x79: {  	_ =	shalt  }
0x7a: {  	_ =	shalt  }
0x7b: {  	_ =	shalt  }
0x7c: {  	_ =	shalt  }
0x7d: {  	_ =	shalt  }
0x7e: {  	_ =	shalt  }
0x7f: {  	_ =	shalt  }
0x80: {  	_ =	shalt  }
0x81: {  	_ =	shalt  }
0x82: {  	_ =	shalt  }
0x83: {  	_ =	shalt  }
0x84: {  	_ =	shalt  }
0x85: {  	_ =	shalt  }
0x86: {  	_ =	shalt  }
0x87: {  	_ =	shalt  }
.Lfunc_end0:
.L_simem_size_0:
called_computation.1_lowered:
.L_overlay_start_0:
0x88: {  	s2 =	sld [smem:$0x3FD9]  }
0x89: {  	s3 =	sld [smem:$0x3FFE];
	_ =	sdelay $0x1  }
0x8a: {  	s1 =	srdreg.scid  }
0x8b: {  	s0 =	sand.u32 $0x1, s1  }
0x8c: {  	s17 =	sshll.u32 s0, $0xA;
	s2 =	sadd.s32 s3, s2  }
0x8d: {  	s2 =	sadd.s32 s2, s17  }
0x8e: {  	[smem:$0x3FC3] =	sst s2  }
0x8f: {  	_ = 	snop  }
0x90: {  	s2 =	sld [smem:$0x3FC6]  }
0x91: {  	s18 =	sld [smem:$0x3FD0];
	(tm) =	ssettm $0x1  }
0x92: {  	s4 =	sld [smem:$0x3FFB];
	_ =	sdelay $0x3  }
0x93: {  	_ =	strace s4  }
0x94: {  	s4 =	sld [smem:$0x3FFC];
	_ =	sdelay $0x3  }
0x95: {  	_ =	strace s4  }
0x96: {  	s4 =	sld [smem:$0x3FFD];
	_ =	sdelay $0x3  }
0x97: {  	_ =	strace s4  }
0x98: {  	_ =	strace $0x8FFFFFFF  }
0x99: {  	s19 =	sld [smem:$0x3FDB];
	_ =	sdelay $0x1  }
0x9a: {  	s5 =	simm.s32 $_scs_section_size  }
0x9b: {  	s6 =	simm.s32 $_size__tile_overlayer_lowered;
	s7 =	simm.s32 $_tile_overlayer_lowered  }
0x9c: {  	s22 =	simm.s32 $0x1BFF;
	s21 =	sshll.u32 s7, $0x1;
	s4 =	sadd.s32 s5, s19  }
0x9d: {  	s8 =	simm.s32 $0x0;
	s20 =	sshll.u32 s6, $0x1;
	s6 =	sadd.s32 s21, s4  }
0x9e: {  	[timem:s8], [sflag:s22] =	dma.local [hbm:s6], s20  }
0x9f: {  	_ =	swait.ge [sflag:s22], s20  }
0xa0: {  	s5 =	ssub.s32 $0x0, s20;
	[sflag:s22] =	ssyncset.done $0x0  }
0xa1: {  	[sflag:s22] =	ssyncadd.s32 s5;
	_ =	sdelay $0x1  }
0xa2: {  	s23 =	simm.s32 $0x1B8B  }
0xa3: {  	_ =	swait.ge [sflag:s23], $0x1  }
0xa4: {  	[sflag:s23] =	ssyncset.done $0x0  }
0xa5: {  	s25 =	simm.s32 $0x1B8E;
	s24 =	sld [smem:$0x3FFE];
	[sflag:s23] =	ssyncadd.s32 $0xFFFFFFFF  }
0xa6: {  	s26 =	simm.s32 $execute0_lowered;
	[smem:$0x3FD2] =	sst s25  }
0xa7: {  	s6 =	sshll.u32 s26, $0x1;
	_ =	strace $0x80000046;
	[dreg:$0x1] =	wrdreg $0xFFFFFFFF  }
0xa8: {  	s28 =	simm.s32 $_size_execute0_lowered;
	s4 =	sadd.s32 s4, s6;
	[dreg:$0x0] =	wrdreg $0x0  }
0xa9: {  	s6 =	sshll.u32 s28, $0x1;
	[dreg:$0x2] =	wrdreg s4  }
0xaa: {  	[dreg:$0x3] =	wrdreg s6  }
0xab: {  	[dreg:$0x4] =	wrdreg $0xC0  }
0xac: {  	_ =	task [dreg:s8], $0x5FFFF  }
0xad: {  	[dreg:$0x1] =	wrdreg $0xFFFFFFFF  }
0xae: {  	[dreg:$0x0] =	wrdreg $0x60  }
0xaf: {  	[dreg:$0x2] =	wrdreg s24  }
0xb0: {  	[dreg:$0x3] =	wrdreg s2  }
0xb1: {  	[dreg:$0x4] =	wrdreg s18  }
0xb2: {  	[dreg:$0x5] =	wrdreg $0x9  }
0xb3: {  	_ =	task.clear_ibuf [dreg:s8], $0x6FFFF;
	_ =	strace $0x90000046  }
0xb4: {  	s29 =	simm.s32 $0x9;
	_ =	strace $0x80000048  }
0xb5: {  	_ =	swait.ge [sflag:s29], $0x1  }
0xb6: {  	[sflag:s29] =	ssyncadd.s32 $0xFFFFFFFF  }
0xb7: {  	_ =	strace $0x90000048  }
0xb8: {  	_ =	sfence  }
0xb9: {  	s30 =	sld [smem:$0x0];
	_ =	sdelay $0x2  }
0xba: {  	s31 =	sshll.u32 s1, $0xD;
	s1 =	sshrl.u32 s1, $0x2  }
0xbb: {  	s3 =	sand.u32 $0x4000, s31;
	s1 =	sadd.s32 s1, s30  }
0xbc: {  	s0 =	sor.u32 s3, s0;
	s1 =	sshll.u32 s1, $0x11  }
0xbd: {  	s0 =	sor.u32 s1, s0  }
0xbe: {  	s0 =	sadd.s32 $0x8F2B, s0  }
0xbf: {  	[sflag:s0] =	ssyncadd.remote.s32 $0x1  }
0xc0: {  	_ =	sfence.sel $0xFFFF  }
0xc1: {  	[dreg:$0x0] =	wrdreg $0xFFFFFFFF;
	(pc) =	sbr.abs _section_cstart, $3  }
0xc2: {  	[dreg:$0x1] =	wrdreg $0xFFFFFFFF  }
0xc3: {  	_ =	task.clear_ibuf [dreg:s8], $0x2FFFF;
	_ =	strace $0x9FFFFFFF  }
0xc4: {  	(tm) =	ssettm $0x7FFFFFFF  }
0xc5: {  	_ =	shalt  }
tec
execute0_lowered:
.L_overlay_start_1:
0x0: {  	(tag) =	ssettag $0x1  }
0x1: {  	s0 =	rddreg [dreg:$0x0]  }
0x2: {  	s1 =	rddreg [dreg:$0x1]  }
0x3: {  	s2 =	rddreg [dreg:$0x2];
	s11 =	simm.s32 $0x0;
	s3 =	srdreg.scid  }
0x4: {  	s8 =	stileid.u32;
	s12 =	simm.s32 $0x3;
	s13 =	simm.s32 $0x40  }
0x5: {  	s15 =	simm.s32 $0x20;
	s16 =	simm.s32 $0xD40;
	s17 =	simm.s32 $0x280  }
0x6: {  	s18 =	simm.s32 $0x2D40;
	s19 =	simm.s32 $0x2C0;
	s20 =	simm.s32 $0x940  }
0x7: {  	s21 =	simm.s32 $0x1D40;
	s22 =	simm.s32 $0xCD40;
	s23 =	simm.s32 $0x1  }
0x8: {  	s24 =	simm.s32 $0x80;
	s25 =	simm.s32 $0x180;
	s26 =	simm.s32 $0x100  }
0x9: {  	s28 =	simm.s32 $0x16D40;
	s29 =	simm.s32 $0x2;
	s3 =	sand.u32 $0x1, s3  }
0xa: {  	[smem:$0x7FF] =	sst s11;
	s5 =	sadd.s32 $0x32E00, s0;
	s4 =	ssub.s32 $0x2, s3  }
0xb: {  	s6 =	sadd.s32 $0x320E00, s0;
	s7 =	sadd.s32 $0xE00, s0;
	s31 =	sshrl.u32 s4, $0x1  }
0xc: {  	s9 =	sshll.u32 s8, $0x1;
	s8 =	sadd.s32 $0xF43200, s0;
	s0 =	ssub.s32 s4, s31  }
0xd: {  	s10 =	sadd.s32 $0x10, s2;
	s3 =	sor.u32 s3, s9;
	s0 =	smax.u32 s0, $0x1  }
0xe: {  	_ =	strace $0x80000047;
	s9 =	smul.u32 $0x640, s3;
	[dreg:$0x5] =	wrdreg s0  }
.LBB2_1:
0xf: {  	[dreg:$0x4] =	wrdreg s11;
	s30 =	simm.s32 $0x0  }
.LBB2_2:
0x10: {  	s0 =	sshll.u32 s30, $0x6  }
0x11: {  	s0 =	sadd.s32 s9, s0  }
0x12: {  	s3 =	sshrl.u32 s0, $0x3  }
0x13: {  	s4 =	simm.s32 $0x0;
	s14 =	smul.u32 $0x14, s0;
	s3 =	sadd.s32 s5, s3  }
0x14: {  	[tilespmem:s4], [sflag:$0x3] =	stream.linear.gather [hbm4b:s3+s4], $0x20, $0x38;
	[tilespmem:$0x18D40] =	vst v63  }
0x15: {  	_ =	swait.ge [sflag:s12], $0x20  }
0x16: {  	s3 =	sshrl.u32 s14, $0x3;
	[sflag:s12] =	ssyncset.done $0x0  }
0x17: {  	s3 =	sadd.s32 s6, s3;
	[sflag:s12] =	ssyncadd.s32 $0xFFFFFFE0  }
0x18: {  	[tilespmem:s13], [sflag:$0x3] =	stream.linear.gather [hbm4b:s3+s4], $0x280, $0x38;
	[tilespmem:$0x18D40] =	vst v63  }
0x19: {  	_ =	swait.ge [sflag:s12], $0x280  }
0x1a: {  	s11 =	sshll.u32 s0, $0x2;
	[sflag:s12] =	ssyncset.done $0x0  }
0x1b: {  	s3 =	sadd.s32 s7, s11;
	s11 =	simm.s32 $0x540;
	[sflag:s12] =	ssyncadd.s32 $0xFFFFFD80  }
0x1c: {  	[tilespmem:s11], [sflag:$0x3] =	stream.linear.gather [hbm4b:s3+s4], $0x400, $0x38;
	[tilespmem:$0x18D40] =	vst v63  }
0x1d: {  	_ =	swait.ge [sflag:s12], $0x400  }
0x1e: {  	[sflag:s12] =	ssyncset.done $0x0  }
0x1f: {  	s31 =	sor.u32 $0x20, s0;
	[sflag:s12] =	ssyncadd.s32 $0xFFFFFC00  }
0x20: {  	[tilespmem:s16], [sflag:$0x1] =	stream.indirect.gather [hbm4b:s1+s15], $0x80, s4, s15, $0xb8;
	[tilespmem:$0x18D40] =	vst v63  }
0x21: {  	s14 =	sshrl.u32 s31, $0x3  }
0x22: {  	[tilespmem:s18], [sflag:$0x1] =	stream.indirect.gather [hbm4b:s8+s17], $0x40, s13, s17, $0xb8;
	[tilespmem:$0x18D40] =	vst v63  }
0x23: {  	s3 =	sadd.s32 s5, s14;
	s11 =	smul.u32 $0x14, s31  }
0x24: {  	[tilespmem:s15], [sflag:$0x3] =	stream.linear.gather [hbm4b:s3+s4], $0x20, $0x38;
	[tilespmem:$0x18D40] =	vst v63  }
0x25: {  	_ =	swait.ge [sflag:s12], $0x20  }
0x26: {  	s3 =	sshrl.u32 s11, $0x3;
	[sflag:s12] =	ssyncset.done $0x0  }
0x27: {  	s3 =	sadd.s32 s6, s3;
	[sflag:s12] =	ssyncadd.s32 $0xFFFFFFE0  }
0x28: {  	[tilespmem:s19], [sflag:$0x3] =	stream.linear.gather [hbm4b:s3+s4], $0x280, $0x38;
	[tilespmem:$0x18D40] =	vst v63  }
0x29: {  	s14 =	sshll.u32 s31, $0x2;
	_ =	swait.ge [sflag:s12], $0x280  }
0x2a: {  	s3 =	sand.u32 $0x1FFFFF80, s14;
	[sflag:s12] =	ssyncset.done $0x0  }
0x2b: {  	s3 =	sadd.s32 s7, s3;
	[sflag:s12] =	ssyncadd.s32 $0xFFFFFD80  }
0x2c: {  	[tilespmem:s20], [sflag:$0x3] =	stream.linear.gather [hbm4b:s3+s4], $0x400, $0x38;
	[tilespmem:$0x18D40] =	vst v63  }
0x2d: {  	_ =	swait.ge [sflag:s12], $0x400  }
0x2e: {  	[sflag:s12] =	ssyncset.done $0x0  }
0x2f: {  	[sflag:s12] =	ssyncadd.s32 $0xFFFFFC00  }
0x30: {  	[tilespmem:s21], [sflag:$0x2] =	stream.indirect.gather [hbm4b:s1+s15], $0x80, s15, s15, $0xb8;
	[tilespmem:$0x18D40] =	vst v63  }
0x31: {  	_ = 	snop  }
0x32: {  	[tilespmem:s22], [sflag:$0x2] =	stream.indirect.gather [hbm4b:s8+s17], $0x40, s19, s17, $0xb8;
	[tilespmem:$0x18D40] =	vst v63  }
0x33: {  	_ =	swait.ge [sflag:s23], $0x1000  }
0x34: {  	[sflag:s23] =	ssyncset.done $0x0  }
0x35: {  	[sflag:s23] =	ssyncadd.s32 $0xFFFFF000  }
0x36: {  	_ =	swait.ge [sflag:s23], $0xA000  }
0x37: {  	[sflag:s23] =	ssyncset.done $0x0  }
0x38: {  	s11 =	simm.s32 $0x16DC0;
	s3 =	simm.s32 $0x2FC0;
	[sflag:s23] =	ssyncadd.s32 $0xFFFF6000  }
.LBB2_3:
0x39: {  	v1 =	vld [tilespmem:s3+$0xFFFFFD80]  }
0x3a: {  	v2 =	vld [tilespmem:s3+$0xFFFFFD90]  }
0x3b: {  	v3 =	vld [tilespmem:s3+$0xFFFFFDA0]  }
0x3c: {  	s14 =	sshra.s32 s4, $0x2;
	v4 =	vld [tilespmem:s3+$0xFFFFFDB0]  }
0x3d: {  	v0 =	vld [tilespmem:s14+$0x540]  }
0x3e: {  	v5 =	vld [tilespmem:s3+$0xFFFFFDC0]  }
0x3f: {  	v6 =	vld [tilespmem:s3+$0xFFFFFDD0]  }
0x40: {  	v7 =	vld [tilespmem:s3+$0xFFFFFDE0]  }
0x41: {  	v8 =	vld [tilespmem:s3+$0xFFFFFDF0]  }
0x42: {  	v10 =	vld [tilespmem:s3+$0xFFFFFE00];
	v9 =	vbroadcast v0, $0x0  }
0x43: {  	v11 =	vld [tilespmem:s3+$0xFFFFFE10];
	v13 =	vbroadcast v0, $0x1;
	v16 =	vbroadcast v0, $0x2  }
0x44: {  	v12 =	vld [tilespmem:s3+$0xFFFFFE20];
	v39 =	vbroadcast v0, $0x3;
	v45 =	vbroadcast v0, $0x4  }
0x45: {  	v14 =	vld [tilespmem:s3+$0xFFFFFE30];
	v1 =	vmul.f32 v1, v9;
	v2 =	vmul.f32 v2, v9  }
0x46: {  	v33 =	vld [tilespmem:s3+$0xFFFFFE40];
	v3 =	vmul.f32 v3, v9;
	v4 =	vmul.f32 v4, v9  }
0x47: {  	v15 =	vld [tilespmem:s3+$0xFFFFFE50];
	v5 =	vmul.f32 v5, v13;
	v6 =	vmul.f32 v6, v13  }
0x48: {  	v17 =	vld [tilespmem:s3+$0xFFFFFE60];
	v7 =	vmul.f32 v7, v13;
	v34 =	vmul.f32 v8, v13  }
0x49: {  	v35 =	vld [tilespmem:s3+$0xFFFFFE70];
	v36 =	vmul.f32 v10, v16;
	v38 =	vmul.f32 v11, v16;
	v1 =	vadd.f32 $0.0e+00, v1  }
0x4a: {  	v37 =	vld [tilespmem:s3+$0xFFFFFE80];
	v41 =	vmul.f32 v12, v16;
	v42 =	vmul.f32 v14, v16;
	v2 =	vadd.f32 $0.0e+00, v2  }
0x4b: {  	v40 =	vld [tilespmem:s3+$0xFFFFFE90];
	v44 =	vmul.f32 v33, v39;
	v3 =	vadd.f32 $0.0e+00, v3;
	v1 =	vadd.f32 v5, v1  }
0x4c: {  	v43 =	vld [tilespmem:s3+$0xFFFFFEA0];
	v47 =	vmul.f32 v15, v39;
	v4 =	vadd.f32 $0.0e+00, v4;
	v2 =	vadd.f32 v6, v2  }
0x4d: {  	v46 =	vld [tilespmem:s3+$0xFFFFFEB0];
	v48 =	vmul.f32 v17, v39;
	v3 =	vadd.f32 v7, v3;
	v1 =	vadd.f32 v36, v1  }
0x4e: {  	v49 =	vmul.f32 v35, v39;
	v4 =	vadd.f32 v34, v4;
	v2 =	vadd.f32 v38, v2  }
0x4f: {  	v7 =	vmul.f32 v37, v45;
	v3 =	vadd.f32 v41, v3;
	v1 =	vadd.f32 v44, v1  }
0x50: {  	v50 =	vmul.f32 v40, v45;
	v4 =	vadd.f32 v42, v4;
	v2 =	vadd.f32 v47, v2  }
0x51: {  	v52 =	vmul.f32 v43, v45;
	v3 =	vadd.f32 v48, v3;
	v51 =	vadd.f32 v7, v1  }
0x52: {  	v53 =	vmul.f32 v46, v45;
	v4 =	vadd.f32 v49, v4;
	v2 =	vadd.f32 v50, v2  }
0x53: {  	v1 =	vld [tilespmem:s14+$0x550];
	v3 =	vadd.f32 v52, v3;
	[tilespmem:s11+$0xFFFFFF80] =	vst v51  }
0x54: {  	v4 =	vadd.f32 v53, v4;
	[tilespmem:s11+$0xFFFFFF90] =	vst v2  }
0x55: {  	[tilespmem:s11+$0xFFFFFFA0] =	vst v3  }
0x56: {  	[tilespmem:s11+$0xFFFFFFB0] =	vst v4  }
0x57: {  	v2 =	vld [tilespmem:s3+$0xFFFFFEC0]  }
0x58: {  	v3 =	vld [tilespmem:s3+$0xFFFFFED0]  }
0x59: {  	v4 =	vld [tilespmem:s3+$0xFFFFFEE0]  }
0x5a: {  	v5 =	vld [tilespmem:s3+$0xFFFFFEF0]  }
0x5b: {  	v54 =	vld [tilespmem:s3+$0xFFFFFF00]  }
0x5c: {  	v55 =	vld [tilespmem:s3+$0xFFFFFF10]  }
0x5d: {  	v56 =	vld [tilespmem:s3+$0xFFFFFF20]  }
0x5e: {  	v57 =	vld [tilespmem:s3+$0xFFFFFF30]  }
0x5f: {  	v58 =	vbroadcast v0, $0x5;
	v59 =	vld [tilespmem:s3+$0xFFFFFF40]  }
0x60: {  	v62 =	vbroadcast v0, $0x6;
	v23 =	vbroadcast v0, $0x7;
	v60 =	vld [tilespmem:s3+$0xFFFFFF50]  }
0x61: {  	v29 =	vbroadcast v0, $0x8;
	v35 =	vbroadcast v0, $0x9;
	v61 =	vld [tilespmem:s3+$0xFFFFFF60]  }
0x62: {  	v63 =	vld [tilespmem:s3+$0xFFFFFF70];
	v2 =	vmul.f32 v2, v58;
	v3 =	vmul.f32 v3, v58  }
0x63: {  	v21 =	vld [tilespmem:s3+$0xFFFFFF80];
	v4 =	vmul.f32 v4, v58;
	v5 =	vmul.f32 v5, v58  }
0x64: {  	v22 =	vld [tilespmem:s3+$0xFFFFFF90];
	v6 =	vmul.f32 v54, v62;
	v7 =	vmul.f32 v55, v62  }
0x65: {  	v18 =	vld [tilespmem:s3+$0xFFFFFFA0];
	v8 =	vmul.f32 v56, v62;
	v24 =	vmul.f32 v57, v62  }
0x66: {  	v25 =	vld [tilespmem:s3+$0xFFFFFFB0];
	v26 =	vmul.f32 v59, v23;
	v28 =	vmul.f32 v60, v23;
	v2 =	vadd.f32 $0.0e+00, v2  }
0x67: {  	v27 =	vld [tilespmem:s3+$0xFFFFFFC0];
	v31 =	vmul.f32 v61, v23;
	v32 =	vmul.f32 v63, v23;
	v3 =	vadd.f32 $0.0e+00, v3  }
0x68: {  	v30 =	vld [tilespmem:s3+$0xFFFFFFD0];
	v34 =	vmul.f32 v21, v29;
	v4 =	vadd.f32 $0.0e+00, v4;
	v2 =	vadd.f32 v6, v2  }
0x69: {  	v33 =	vld [tilespmem:s3+$0xFFFFFFE0];
	v37 =	vmul.f32 v22, v29;
	v5 =	vadd.f32 $0.0e+00, v5;
	v3 =	vadd.f32 v7, v3  }
0x6a: {  	v36 =	vld [tilespmem:s3+$0xFFFFFFF0];
	v38 =	vmul.f32 v18, v29;
	v4 =	vadd.f32 v8, v4;
	v2 =	vadd.f32 v26, v2  }
0x6b: {  	v39 =	vmul.f32 v25, v29;
	v5 =	vadd.f32 v24, v5;
	v3 =	vadd.f32 v28, v3  }
0x6c: {  	v8 =	vmul.f32 v27, v35;
	v4 =	vadd.f32 v31, v4;
	v2 =	vadd.f32 v34, v2  }
0x6d: {  	v40 =	vmul.f32 v30, v35;
	v5 =	vadd.f32 v32, v5;
	v3 =	vadd.f32 v37, v3  }
0x6e: {  	v41 =	vmul.f32 v33, v35;
	v4 =	vadd.f32 v38, v4;
	v2 =	vadd.f32 v8, v2  }
0x6f: {  	v42 =	vmul.f32 v36, v35;
	v5 =	vadd.f32 v39, v5;
	v3 =	vadd.f32 v40, v3  }
0x70: {  	v4 =	vadd.f32 v41, v4;
	[tilespmem:s11+$0xFFFFFFC0] =	vst v2  }
0x71: {  	v43 =	vadd.f32 v42, v5;
	[tilespmem:s11+$0xFFFFFFD0] =	vst v3  }
0x72: {  	[tilespmem:s11+$0xFFFFFFE0] =	vst v4  }
0x73: {  	[tilespmem:s11+$0xFFFFFFF0] =	vst v43  }
0x74: {  	v2 =	vld [tilespmem:s3+$0x0]  }
0x75: {  	v3 =	vld [tilespmem:s3+$0x10]  }
0x76: {  	v4 =	vld [tilespmem:s3+$0x20]  }
0x77: {  	v44 =	vld [tilespmem:s3+$0x30]  }
0x78: {  	v45 =	vld [tilespmem:s3+$0x40]  }
0x79: {  	v46 =	vld [tilespmem:s3+$0x50]  }
0x7a: {  	v47 =	vld [tilespmem:s3+$0x60]  }
0x7b: {  	v48 =	vld [tilespmem:s3+$0x70]  }
0x7c: {  	v19 =	vbroadcast v0, $0xD;
	v50 =	vld [tilespmem:s3+$0x80]  }
0x7d: {  	v49 =	vbroadcast v0, $0xA;
	v53 =	vbroadcast v0, $0xB;
	v51 =	vld [tilespmem:s3+$0x90]  }
0x7e: {  	v57 =	vbroadcast v0, $0xC;
	v25 =	vbroadcast v0, $0xE;
	v52 =	vld [tilespmem:s3+$0xA0]  }
0x7f: {  	v54 =	vld [tilespmem:s3+$0xB0];
	v2 =	vmul.f32 v2, v49;
	v3 =	vmul.f32 v3, v49  }
0x80: {  	v55 =	vld [tilespmem:s3+$0xC0];
	v4 =	vmul.f32 v4, v49;
	v5 =	vmul.f32 v44, v49  }
0x81: {  	v56 =	vld [tilespmem:s3+$0xD0];
	v6 =	vmul.f32 v45, v53;
	v7 =	vmul.f32 v46, v53  }
0x82: {  	v58 =	vld [tilespmem:s3+$0xE0];
	v8 =	vmul.f32 v47, v53;
	v59 =	vmul.f32 v48, v53  }
0x83: {  	v60 =	vld [tilespmem:s3+$0xF0];
	v61 =	vmul.f32 v50, v57;
	v63 =	vmul.f32 v51, v57;
	v2 =	vadd.f32 $0.0e+00, v2  }
0x84: {  	v62 =	vld [tilespmem:s3+$0x100];
	v21 =	vmul.f32 v52, v57;
	v22 =	vmul.f32 v54, v57;
	v3 =	vadd.f32 $0.0e+00, v3  }
0x85: {  	v20 =	vld [tilespmem:s3+$0x110];
	v24 =	vmul.f32 v55, v19;
	v4 =	vadd.f32 $0.0e+00, v4;
	v2 =	vadd.f32 v6, v2  }
0x86: {  	v23 =	vld [tilespmem:s3+$0x120];
	v27 =	vmul.f32 v56, v19;
	v5 =	vadd.f32 $0.0e+00, v5;
	v3 =	vadd.f32 v7, v3  }
0x87: {  	v26 =	vld [tilespmem:s3+$0x130];
	v28 =	vmul.f32 v58, v19;
	v4 =	vadd.f32 v8, v4;
	v2 =	vadd.f32 v61, v2  }
0x88: {  	v29 =	vmul.f32 v60, v19;
	v5 =	vadd.f32 v59, v5;
	v3 =	vadd.f32 v63, v3  }
0x89: {  	v8 =	vmul.f32 v62, v25;
	v4 =	vadd.f32 v21, v4;
	v2 =	vadd.f32 v24, v2  }
0x8a: {  	v30 =	vmul.f32 v20, v25;
	v5 =	vadd.f32 v22, v5;
	v3 =	vadd.f32 v27, v3  }
0x8b: {  	v31 =	vmul.f32 v23, v25;
	v4 =	vadd.f32 v28, v4;
	v2 =	vadd.f32 v8, v2  }
0x8c: {  	v32 =	vmul.f32 v26, v25;
	v5 =	vadd.f32 v29, v5;
	v3 =	vadd.f32 v30, v3  }
0x8d: {  	v4 =	vadd.f32 v31, v4;
	[tilespmem:s11+$0x0] =	vst v2  }
0x8e: {  	v33 =	vadd.f32 v32, v5;
	[tilespmem:s11+$0x10] =	vst v3  }
0x8f: {  	[tilespmem:s11+$0x20] =	vst v4  }
0x90: {  	[tilespmem:s11+$0x30] =	vst v33  }
0x91: {  	v2 =	vld [tilespmem:s3+$0x140]  }
0x92: {  	v3 =	vld [tilespmem:s3+$0x150]  }
0x93: {  	v4 =	vld [tilespmem:s3+$0x160]  }
0x94: {  	v34 =	vld [tilespmem:s3+$0x170]  }
0x95: {  	v35 =	vld [tilespmem:s3+$0x180]  }
0x96: {  	v36 =	vld [tilespmem:s3+$0x190]  }
0x97: {  	v37 =	vld [tilespmem:s3+$0x1A0]  }
0x98: {  	v38 =	vld [tilespmem:s3+$0x1B0]  }
0x99: {  	v0 =	vbroadcast v0, $0xF;
	v39 =	vld [tilespmem:s3+$0x1C0]  }
0x9a: {  	v42 =	vbroadcast v1, $0x0;
	v46 =	vbroadcast v1, $0x1;
	v40 =	vld [tilespmem:s3+$0x1D0]  }
0x9b: {  	v53 =	vbroadcast v1, $0x2;
	v1 =	vbroadcast v1, $0x3;
	v41 =	vld [tilespmem:s3+$0x1E0]  }
0x9c: {  	v43 =	vld [tilespmem:s3+$0x1F0];
	v2 =	vmul.f32 v2, v0;
	v3 =	vmul.f32 v3, v0  }
0x9d: {  	v44 =	vld [tilespmem:s3+$0x200];
	v4 =	vmul.f32 v4, v0;
	v0 =	vmul.f32 v34, v0  }
0x9e: {  	v45 =	vld [tilespmem:s3+$0x210];
	v6 =	vmul.f32 v35, v42;
	v7 =	vmul.f32 v36, v42  }
0x9f: {  	v47 =	vld [tilespmem:s3+$0x220];
	v8 =	vmul.f32 v37, v42;
	v48 =	vmul.f32 v38, v42  }
0xa0: {  	v49 =	vld [tilespmem:s3+$0x230];
	v50 =	vmul.f32 v39, v46;
	v52 =	vmul.f32 v40, v46;
	v2 =	vadd.f32 $0.0e+00, v2  }
0xa1: {  	v51 =	vld [tilespmem:s3+$0x240];
	v55 =	vmul.f32 v41, v46;
	v56 =	vmul.f32 v43, v46;
	v3 =	vadd.f32 $0.0e+00, v3  }
0xa2: {  	v54 =	vld [tilespmem:s3+$0x250];
	v5 =	vmul.f32 v44, v53;
	v4 =	vadd.f32 $0.0e+00, v4;
	v2 =	vadd.f32 v6, v2  }
0xa3: {  	v57 =	vld [tilespmem:s3+$0x260];
	v59 =	vmul.f32 v45, v53;
	v0 =	vadd.f32 $0.0e+00, v0;
	v3 =	vadd.f32 v7, v3  }
0xa4: {  	v58 =	vld [tilespmem:s3+$0x270];
	v60 =	vmul.f32 v47, v53;
	v4 =	vadd.f32 v8, v4;
	v2 =	vadd.f32 v50, v2  }
0xa5: {  	v61 =	vmul.f32 v49, v53;
	v0 =	vadd.f32 v48, v0;
	v3 =	vadd.f32 v52, v3  }
0xa6: {  	v8 =	vmul.f32 v51, v1;
	v4 =	vadd.f32 v55, v4;
	v2 =	vadd.f32 v5, v2  }
0xa7: {  	v62 =	vmul.f32 v54, v1;
	v0 =	vadd.f32 v56, v0;
	v3 =	vadd.f32 v59, v3  }
0xa8: {  	p0 =	sne.s32 s4, $0xF80;
	v63 =	vmul.f32 v57, v1;
	v4 =	vadd.f32 v60, v4;
	v2 =	vadd.f32 v8, v2  }
.Ltmp0:
0xa9: {  	v1 =	vmul.f32 v58, v1;
	v0 =	vadd.f32 v61, v0;
	v3 =	vadd.f32 v62, v3;
	(pc) =	sbr.rel @p0 .LBB2_3-.Ltmp0, $4  }
0xaa: {  	v4 =	vadd.f32 v63, v4;
	[tilespmem:s11+$0x40] =	vst v2  }
0xab: {  	v0 =	vadd.f32 v1, v0;
	[tilespmem:s11+$0x50] =	vst v3  }
0xac: {  	[tilespmem:s11+$0x60] =	vst v4  }
0xad: {  	s4 =	sadd.s32 $0x80, s4;
	s3 =	sadd.s32 $0x500, s3;
	[tilespmem:s11+$0x70] =	vst v0;
	s11 =	sadd.s32 $0x100, s11  }
0xae: {  	s0 =	smul.u32 $0x30, s0;
	_ =	sdelay $0x1  }
0xaf: {  	s3 =	sadd.s32 s2, s0  }
0xb0: {  	[hbm4b:s3+s24] =	stream.strided.scatter [tilespmem:s16], [sflag:$0x3], $0x1000, s25, s24, $0x38;
	[tilespmem:$0x18D40] =	vst v63  }
0xb1: {  	_ =	swait.ge [sflag:s12], $0x1000  }
0xb2: {  	[sflag:s12] =	ssyncset.done $0x0  }
0xb3: {  	s0 =	sadd.s32 s0, s10;
	[sflag:s12] =	ssyncadd.s32 $0xFFFFF000  }
0xb4: {  	[hbm4b:s0+s26] =	stream.strided.scatter [tilespmem:s28], [sflag:$0x3], $0x2000, s25, s26, $0x38;
	[tilespmem:$0x18D40] =	vst v63  }
0xb5: {  	_ =	swait.ge [sflag:s12], $0x2000  }
0xb6: {  	[sflag:s12] =	ssyncset.done $0x0  }
0xb7: {  	[sflag:s12] =	ssyncadd.s32 $0xFFFFE000  }
0xb8: {  	_ =	swait.ge [sflag:s29], $0x1000  }
0xb9: {  	[sflag:s29] =	ssyncset.done $0x0  }
0xba: {  	[sflag:s29] =	ssyncadd.s32 $0xFFFFF000  }
0xbb: {  	_ =	swait.ge [sflag:s29], $0xA000  }
0xbc: {  	s4 =	simm.s32 $0x16DC0;
	[sflag:s29] =	ssyncset.done $0x0  }
0xbd: {  	s3 =	simm.s32 $0xCFC0;
	s0 =	simm.s32 $0x0;
	[sflag:s29] =	ssyncadd.s32 $0xFFFF6000  }
.LBB2_5:
0xbe: {  	v1 =	vld [tilespmem:s3+$0xFFFFFD80]  }
0xbf: {  	v2 =	vld [tilespmem:s3+$0xFFFFFD90]  }
0xc0: {  	v3 =	vld [tilespmem:s3+$0xFFFFFDA0]  }
0xc1: {  	s11 =	sshra.s32 s0, $0x2;
	v4 =	vld [tilespmem:s3+$0xFFFFFDB0]  }
0xc2: {  	v0 =	vld [tilespmem:s11+$0x940]  }
0xc3: {  	v5 =	vld [tilespmem:s3+$0xFFFFFDC0]  }
0xc4: {  	v6 =	vld [tilespmem:s3+$0xFFFFFDD0]  }
0xc5: {  	v7 =	vld [tilespmem:s3+$0xFFFFFDE0]  }
0xc6: {  	v8 =	vld [tilespmem:s3+$0xFFFFFDF0]  }
0xc7: {  	v10 =	vld [tilespmem:s3+$0xFFFFFE00];
	v9 =	vbroadcast v0, $0x0  }
0xc8: {  	v11 =	vld [tilespmem:s3+$0xFFFFFE10];
	v13 =	vbroadcast v0, $0x1;
	v16 =	vbroadcast v0, $0x2  }
0xc9: {  	v12 =	vld [tilespmem:s3+$0xFFFFFE20];
	v39 =	vbroadcast v0, $0x3;
	v45 =	vbroadcast v0, $0x4  }
0xca: {  	v14 =	vld [tilespmem:s3+$0xFFFFFE30];
	v1 =	vmul.f32 v1, v9;
	v2 =	vmul.f32 v2, v9  }
0xcb: {  	v33 =	vld [tilespmem:s3+$0xFFFFFE40];
	v3 =	vmul.f32 v3, v9;
	v4 =	vmul.f32 v4, v9  }
0xcc: {  	v15 =	vld [tilespmem:s3+$0xFFFFFE50];
	v5 =	vmul.f32 v5, v13;
	v6 =	vmul.f32 v6, v13  }
0xcd: {  	v17 =	vld [tilespmem:s3+$0xFFFFFE60];
	v7 =	vmul.f32 v7, v13;
	v34 =	vmul.f32 v8, v13  }
0xce: {  	v35 =	vld [tilespmem:s3+$0xFFFFFE70];
	v36 =	vmul.f32 v10, v16;
	v38 =	vmul.f32 v11, v16;
	v1 =	vadd.f32 $0.0e+00, v1  }
0xcf: {  	v37 =	vld [tilespmem:s3+$0xFFFFFE80];
	v41 =	vmul.f32 v12, v16;
	v42 =	vmul.f32 v14, v16;
	v2 =	vadd.f32 $0.0e+00, v2  }
0xd0: {  	v40 =	vld [tilespmem:s3+$0xFFFFFE90];
	v44 =	vmul.f32 v33, v39;
	v3 =	vadd.f32 $0.0e+00, v3;
	v1 =	vadd.f32 v5, v1  }
0xd1: {  	v43 =	vld [tilespmem:s3+$0xFFFFFEA0];
	v47 =	vmul.f32 v15, v39;
	v4 =	vadd.f32 $0.0e+00, v4;
	v2 =	vadd.f32 v6, v2  }
0xd2: {  	v46 =	vld [tilespmem:s3+$0xFFFFFEB0];
	v48 =	vmul.f32 v17, v39;
	v3 =	vadd.f32 v7, v3;
	v1 =	vadd.f32 v36, v1  }
0xd3: {  	v49 =	vmul.f32 v35, v39;
	v4 =	vadd.f32 v34, v4;
	v2 =	vadd.f32 v38, v2  }
0xd4: {  	v7 =	vmul.f32 v37, v45;
	v3 =	vadd.f32 v41, v3;
	v1 =	vadd.f32 v44, v1  }
0xd5: {  	v50 =	vmul.f32 v40, v45;
	v4 =	vadd.f32 v42, v4;
	v2 =	vadd.f32 v47, v2  }
0xd6: {  	v52 =	vmul.f32 v43, v45;
	v3 =	vadd.f32 v48, v3;
	v51 =	vadd.f32 v7, v1  }
0xd7: {  	v53 =	vmul.f32 v46, v45;
	v4 =	vadd.f32 v49, v4;
	v2 =	vadd.f32 v50, v2  }
0xd8: {  	v1 =	vld [tilespmem:s11+$0x950];
	v3 =	vadd.f32 v52, v3;
	[tilespmem:s4+$0xFFFFFF80] =	vst v51  }
0xd9: {  	v4 =	vadd.f32 v53, v4;
	[tilespmem:s4+$0xFFFFFF90] =	vst v2  }
0xda: {  	[tilespmem:s4+$0xFFFFFFA0] =	vst v3  }
0xdb: {  	[tilespmem:s4+$0xFFFFFFB0] =	vst v4  }
0xdc: {  	v2 =	vld [tilespmem:s3+$0xFFFFFEC0]  }
0xdd: {  	v3 =	vld [tilespmem:s3+$0xFFFFFED0]  }
0xde: {  	v4 =	vld [tilespmem:s3+$0xFFFFFEE0]  }
0xdf: {  	v5 =	vld [tilespmem:s3+$0xFFFFFEF0]  }
0xe0: {  	v54 =	vld [tilespmem:s3+$0xFFFFFF00]  }
0xe1: {  	v55 =	vld [tilespmem:s3+$0xFFFFFF10]  }
0xe2: {  	v56 =	vld [tilespmem:s3+$0xFFFFFF20]  }
0xe3: {  	v57 =	vld [tilespmem:s3+$0xFFFFFF30]  }
0xe4: {  	v58 =	vbroadcast v0, $0x5;
	v59 =	vld [tilespmem:s3+$0xFFFFFF40]  }
0xe5: {  	v62 =	vbroadcast v0, $0x6;
	v23 =	vbroadcast v0, $0x7;
	v60 =	vld [tilespmem:s3+$0xFFFFFF50]  }
0xe6: {  	v29 =	vbroadcast v0, $0x8;
	v35 =	vbroadcast v0, $0x9;
	v61 =	vld [tilespmem:s3+$0xFFFFFF60]  }
0xe7: {  	v63 =	vld [tilespmem:s3+$0xFFFFFF70];
	v2 =	vmul.f32 v2, v58;
	v3 =	vmul.f32 v3, v58  }
0xe8: {  	v21 =	vld [tilespmem:s3+$0xFFFFFF80];
	v4 =	vmul.f32 v4, v58;
	v5 =	vmul.f32 v5, v58  }
0xe9: {  	v22 =	vld [tilespmem:s3+$0xFFFFFF90];
	v6 =	vmul.f32 v54, v62;
	v7 =	vmul.f32 v55, v62  }
0xea: {  	v18 =	vld [tilespmem:s3+$0xFFFFFFA0];
	v8 =	vmul.f32 v56, v62;
	v24 =	vmul.f32 v57, v62  }
0xeb: {  	v25 =	vld [tilespmem:s3+$0xFFFFFFB0];
	v26 =	vmul.f32 v59, v23;
	v28 =	vmul.f32 v60, v23;
	v2 =	vadd.f32 $0.0e+00, v2  }
0xec: {  	v27 =	vld [tilespmem:s3+$0xFFFFFFC0];
	v31 =	vmul.f32 v61, v23;
	v32 =	vmul.f32 v63, v23;
	v3 =	vadd.f32 $0.0e+00, v3  }
0xed: {  	v30 =	vld [tilespmem:s3+$0xFFFFFFD0];
	v34 =	vmul.f32 v21, v29;
	v4 =	vadd.f32 $0.0e+00, v4;
	v2 =	vadd.f32 v6, v2  }
0xee: {  	v33 =	vld [tilespmem:s3+$0xFFFFFFE0];
	v37 =	vmul.f32 v22, v29;
	v5 =	vadd.f32 $0.0e+00, v5;
	v3 =	vadd.f32 v7, v3  }
0xef: {  	v36 =	vld [tilespmem:s3+$0xFFFFFFF0];
	v38 =	vmul.f32 v18, v29;
	v4 =	vadd.f32 v8, v4;
	v2 =	vadd.f32 v26, v2  }
0xf0: {  	v39 =	vmul.f32 v25, v29;
	v5 =	vadd.f32 v24, v5;
	v3 =	vadd.f32 v28, v3  }
0xf1: {  	v8 =	vmul.f32 v27, v35;
	v4 =	vadd.f32 v31, v4;
	v2 =	vadd.f32 v34, v2  }
0xf2: {  	v40 =	vmul.f32 v30, v35;
	v5 =	vadd.f32 v32, v5;
	v3 =	vadd.f32 v37, v3  }
0xf3: {  	v41 =	vmul.f32 v33, v35;
	v4 =	vadd.f32 v38, v4;
	v2 =	vadd.f32 v8, v2  }
0xf4: {  	v42 =	vmul.f32 v36, v35;
	v5 =	vadd.f32 v39, v5;
	v3 =	vadd.f32 v40, v3  }
0xf5: {  	v4 =	vadd.f32 v41, v4;
	[tilespmem:s4+$0xFFFFFFC0] =	vst v2  }
0xf6: {  	v43 =	vadd.f32 v42, v5;
	[tilespmem:s4+$0xFFFFFFD0] =	vst v3  }
0xf7: {  	[tilespmem:s4+$0xFFFFFFE0] =	vst v4  }
0xf8: {  	[tilespmem:s4+$0xFFFFFFF0] =	vst v43  }
0xf9: {  	v2 =	vld [tilespmem:s3+$0x0]  }
0xfa: {  	v3 =	vld [tilespmem:s3+$0x10]  }
0xfb: {  	v4 =	vld [tilespmem:s3+$0x20]  }
0xfc: {  	v44 =	vld [tilespmem:s3+$0x30]  }
0xfd: {  	v45 =	vld [tilespmem:s3+$0x40]  }
0xfe: {  	v46 =	vld [tilespmem:s3+$0x50]  }
0xff: {  	v47 =	vld [tilespmem:s3+$0x60]  }
0x100: {  	v48 =	vld [tilespmem:s3+$0x70]  }
0x101: {  	v19 =	vbroadcast v0, $0xD;
	v50 =	vld [tilespmem:s3+$0x80]  }
0x102: {  	v49 =	vbroadcast v0, $0xA;
	v53 =	vbroadcast v0, $0xB;
	v51 =	vld [tilespmem:s3+$0x90]  }
0x103: {  	v57 =	vbroadcast v0, $0xC;
	v25 =	vbroadcast v0, $0xE;
	v52 =	vld [tilespmem:s3+$0xA0]  }
0x104: {  	v54 =	vld [tilespmem:s3+$0xB0];
	v2 =	vmul.f32 v2, v49;
	v3 =	vmul.f32 v3, v49  }
0x105: {  	v55 =	vld [tilespmem:s3+$0xC0];
	v4 =	vmul.f32 v4, v49;
	v5 =	vmul.f32 v44, v49  }
0x106: {  	v56 =	vld [tilespmem:s3+$0xD0];
	v6 =	vmul.f32 v45, v53;
	v7 =	vmul.f32 v46, v53  }
0x107: {  	v58 =	vld [tilespmem:s3+$0xE0];
	v8 =	vmul.f32 v47, v53;
	v59 =	vmul.f32 v48, v53  }
0x108: {  	v60 =	vld [tilespmem:s3+$0xF0];
	v61 =	vmul.f32 v50, v57;
	v63 =	vmul.f32 v51, v57;
	v2 =	vadd.f32 $0.0e+00, v2  }
0x109: {  	v62 =	vld [tilespmem:s3+$0x100];
	v21 =	vmul.f32 v52, v57;
	v22 =	vmul.f32 v54, v57;
	v3 =	vadd.f32 $0.0e+00, v3  }
0x10a: {  	v20 =	vld [tilespmem:s3+$0x110];
	v24 =	vmul.f32 v55, v19;
	v4 =	vadd.f32 $0.0e+00, v4;
	v2 =	vadd.f32 v6, v2  }
0x10b: {  	v23 =	vld [tilespmem:s3+$0x120];
	v27 =	vmul.f32 v56, v19;
	v5 =	vadd.f32 $0.0e+00, v5;
	v3 =	vadd.f32 v7, v3  }
0x10c: {  	v26 =	vld [tilespmem:s3+$0x130];
	v28 =	vmul.f32 v58, v19;
	v4 =	vadd.f32 v8, v4;
	v2 =	vadd.f32 v61, v2  }
0x10d: {  	v29 =	vmul.f32 v60, v19;
	v5 =	vadd.f32 v59, v5;
	v3 =	vadd.f32 v63, v3  }
0x10e: {  	v8 =	vmul.f32 v62, v25;
	v4 =	vadd.f32 v21, v4;
	v2 =	vadd.f32 v24, v2  }
0x10f: {  	v30 =	vmul.f32 v20, v25;
	v5 =	vadd.f32 v22, v5;
	v3 =	vadd.f32 v27, v3  }
0x110: {  	v31 =	vmul.f32 v23, v25;
	v4 =	vadd.f32 v28, v4;
	v2 =	vadd.f32 v8, v2  }
0x111: {  	v32 =	vmul.f32 v26, v25;
	v5 =	vadd.f32 v29, v5;
	v3 =	vadd.f32 v30, v3  }
0x112: {  	v4 =	vadd.f32 v31, v4;
	[tilespmem:s4+$0x0] =	vst v2  }
0x113: {  	v33 =	vadd.f32 v32, v5;
	[tilespmem:s4+$0x10] =	vst v3  }
0x114: {  	[tilespmem:s4+$0x20] =	vst v4  }
0x115: {  	[tilespmem:s4+$0x30] =	vst v33  }
0x116: {  	v2 =	vld [tilespmem:s3+$0x140]  }
0x117: {  	v3 =	vld [tilespmem:s3+$0x150]  }
0x118: {  	v4 =	vld [tilespmem:s3+$0x160]  }
0x119: {  	v34 =	vld [tilespmem:s3+$0x170]  }
0x11a: {  	v35 =	vld [tilespmem:s3+$0x180]  }
0x11b: {  	v36 =	vld [tilespmem:s3+$0x190]  }
0x11c: {  	v37 =	vld [tilespmem:s3+$0x1A0]  }
0x11d: {  	v38 =	vld [tilespmem:s3+$0x1B0]  }
0x11e: {  	v0 =	vbroadcast v0, $0xF;
	v39 =	vld [tilespmem:s3+$0x1C0]  }
0x11f: {  	v42 =	vbroadcast v1, $0x0;
	v46 =	vbroadcast v1, $0x1;
	v40 =	vld [tilespmem:s3+$0x1D0]  }
0x120: {  	v53 =	vbroadcast v1, $0x2;
	v1 =	vbroadcast v1, $0x3;
	v41 =	vld [tilespmem:s3+$0x1E0]  }
0x121: {  	v43 =	vld [tilespmem:s3+$0x1F0];
	v2 =	vmul.f32 v2, v0;
	v3 =	vmul.f32 v3, v0  }
0x122: {  	v44 =	vld [tilespmem:s3+$0x200];
	v4 =	vmul.f32 v4, v0;
	v0 =	vmul.f32 v34, v0  }
0x123: {  	v45 =	vld [tilespmem:s3+$0x210];
	v6 =	vmul.f32 v35, v42;
	v7 =	vmul.f32 v36, v42  }
0x124: {  	v47 =	vld [tilespmem:s3+$0x220];
	v8 =	vmul.f32 v37, v42;
	v48 =	vmul.f32 v38, v42  }
0x125: {  	v49 =	vld [tilespmem:s3+$0x230];
	v50 =	vmul.f32 v39, v46;
	v52 =	vmul.f32 v40, v46;
	v2 =	vadd.f32 $0.0e+00, v2  }
0x126: {  	v51 =	vld [tilespmem:s3+$0x240];
	v55 =	vmul.f32 v41, v46;
	v56 =	vmul.f32 v43, v46;
	v3 =	vadd.f32 $0.0e+00, v3  }
0x127: {  	v54 =	vld [tilespmem:s3+$0x250];
	v5 =	vmul.f32 v44, v53;
	v4 =	vadd.f32 $0.0e+00, v4;
	v2 =	vadd.f32 v6, v2  }
0x128: {  	v57 =	vld [tilespmem:s3+$0x260];
	v59 =	vmul.f32 v45, v53;
	v0 =	vadd.f32 $0.0e+00, v0;
	v3 =	vadd.f32 v7, v3  }
0x129: {  	v58 =	vld [tilespmem:s3+$0x270];
	v60 =	vmul.f32 v47, v53;
	v4 =	vadd.f32 v8, v4;
	v2 =	vadd.f32 v50, v2  }
0x12a: {  	v61 =	vmul.f32 v49, v53;
	v0 =	vadd.f32 v48, v0;
	v3 =	vadd.f32 v52, v3  }
0x12b: {  	v8 =	vmul.f32 v51, v1;
	v4 =	vadd.f32 v55, v4;
	v2 =	vadd.f32 v5, v2  }
0x12c: {  	v62 =	vmul.f32 v54, v1;
	v0 =	vadd.f32 v56, v0;
	v3 =	vadd.f32 v59, v3  }
0x12d: {  	p0 =	sne.s32 s0, $0xF80;
	v63 =	vmul.f32 v57, v1;
	v4 =	vadd.f32 v60, v4;
	v2 =	vadd.f32 v8, v2  }
.Ltmp1:
0x12e: {  	v1 =	vmul.f32 v58, v1;
	v0 =	vadd.f32 v61, v0;
	v3 =	vadd.f32 v62, v3;
	(pc) =	sbr.rel @p0 .LBB2_5-.Ltmp1, $4  }
0x12f: {  	v4 =	vadd.f32 v63, v4;
	[tilespmem:s4+$0x40] =	vst v2  }
0x130: {  	v0 =	vadd.f32 v1, v0;
	[tilespmem:s4+$0x50] =	vst v3  }
0x131: {  	[tilespmem:s4+$0x60] =	vst v4  }
0x132: {  	s0 =	sadd.s32 $0x80, s0;
	s3 =	sadd.s32 $0x500, s3;
	[tilespmem:s4+$0x70] =	vst v0;
	s4 =	sadd.s32 $0x100, s4  }
0x133: {  	s0 =	smul.u32 $0x30, s31;
	_ =	sdelay $0x1  }
0x134: {  	s3 =	sadd.s32 s2, s0  }
0x135: {  	[hbm4b:s3+s24] =	stream.strided.scatter [tilespmem:s21], [sflag:$0x3], $0x1000, s25, s24, $0x38;
	[tilespmem:$0x18D40] =	vst v63  }
0x136: {  	s30 =	sadd.s32 $0x1, s30;
	_ =	swait.ge [sflag:s12], $0x1000  }
0x137: {  	p0 =	sne.s32 s30, $0x19;
	[sflag:s12] =	ssyncset.done $0x0  }
.Ltmp2:
0x138: {  	s0 =	sadd.s32 s0, s10;
	[sflag:s12] =	ssyncadd.s32 $0xFFFFF000;
	(pc) =	sbr.rel @p0 .LBB2_2-.Ltmp2, $4  }
0x139: {  	[hbm4b:s0+s26] =	stream.strided.scatter [tilespmem:s28], [sflag:$0x3], $0x2000, s25, s26, $0x38;
	[tilespmem:$0x18D40] =	vst v63  }
0x13a: {  	_ =	swait.ge [sflag:s12], $0x2000  }
0x13b: {  	[sflag:s12] =	ssyncset.done $0x0  }
0x13c: {  	[sflag:s12] =	ssyncadd.s32 $0xFFFFE000  }
0x13d: {  	s11 =	rddreg [dreg:$0x4]  }
0x13e: {  	s0 =	rddreg [dreg:$0x5];
	s11 =	sadd.s32 $0x1, s11  }
0x13f: {  	p0 =	sne.s32 s11, s0  }
.Ltmp3:
0x140: {  	_ = 	snop;
	(pc) =	sbr.rel @p0 .LBB2_1-.Ltmp3, $1  }
0x141: {  	_ =	sdelay $0x3  }
0x142: {  	_ =	sfence.sel $0x180000  }
0x143: {  	[bflag:$0x0] =	sbarrier.arrive $0xFFFF  }
0x144: {  	_ =	strace $0x90000047  }
0x145: {  	s0 =	stileid.u32;
	[bflag:$0x2] =	sbarrier.arrive $0xFFFF  }
0x146: {  	p0 =	sne.s32 s0, $0x0;
	s0 =	rddreg [dreg:$0x3]  }
0x147: {  	s0 =	sadd.s32 @!p0 $0x100000, s0  }
0x148: {  	[sflag:s0] =	ssyncadd.tile.s32 @!p0 $0x1;
	_ =	shalt  }
.Lfunc_end2:
_tile_overlayer_lowered:
.L_overlay_start_2:
0x149: {  	(tag) =	ssettag $0x2  }
0x14a: {  	s0 =	rddreg [dreg:$0x0];
	s2 =	stileid.u32  }
0x14b: {  	s1 =	rddreg [dreg:$0x1];
	p0 =	sne.s32 s2, $0x0  }
0x14c: {  	s3 =	rddreg [dreg:$0x2];
	[bflag:$0x3] =	sbarrier.arrive $0xFFFF;
	s2 =	simm.s32 @!p0 $0x1C03  }
0x14d: {  	[timem:s3], [sflag:s2] =	dma.local @!p0 [hbm:s0], s1  }
0x14e: {  	s0 =	simm.s32 @!p0 $0x3  }
0x14f: {  	_ =	swait.ge @!p0 [sflag:s0], s1  }
0x150: {  	s1 =	ssub.s32 @!p0 $0x0, s1;
	[sflag:s0] =	ssyncset.done @!p0 $0x0  }
0x151: {  	[sflag:s0] =	ssyncadd.s32 @!p0 s1  }
0x152: {  	[bflag:$0x3] =	sbarrier.arrive $0xFFFF  }
0x153: {  	_ =	shalt  }

// kernel: sparse-core-data-format-call.cloned.1.call-start
scs
called_computation_lowered:
.L_overlay_start_0:
0x0: {  	s2 =	sld [smem:$0x3FD9]  }
0x1: {  	s3 =	sld [smem:$0x3FFE];
	_ =	sdelay $0x1  }
0x2: {  	s1 =	srdreg.scid  }
0x3: {  	s0 =	sand.u32 $0x1, s1  }
0x4: {  	s18 =	sshll.u32 s0, $0xA;
	s2 =	sadd.s32 s3, s2  }
0x5: {  	s2 =	sadd.s32 s2, s18  }
0x6: {  	[smem:$0x3FC3] =	sst s2  }
0x7: {  	_ = 	snop  }
0x8: {  	s2 =	sld [smem:$0x3FD0];
	(tm) =	ssettm $0x1  }
0x9: {  	s19 =	sld [smem:$0x3FFB];
	_ =	sdelay $0x3  }
0xa: {  	_ =	strace s19  }
0xb: {  	s3 =	sld [smem:$0x3FFC];
	_ =	sdelay $0x3  }
0xc: {  	_ =	strace s3  }
0xd: {  	s3 =	sld [smem:$0x3FFD];
	_ =	sdelay $0x3  }
0xe: {  	_ =	strace s3  }
0xf: {  	_ =	strace $0x8FFFFFFF  }
0x10: {  	s20 =	sld [smem:$0x3FDB];
	_ =	sdelay $0x1  }
0x11: {  	s4 =	simm.s32 $_scs_section_size  }
0x12: {  	s5 =	simm.s32 $_size__tile_overlayer_lowered;
	s6 =	simm.s32 $_tile_overlayer_lowered  }
0x13: {  	s23 =	simm.s32 $0x1BFF;
	s22 =	sshll.u32 s6, $0x1;
	s3 =	sadd.s32 s4, s20  }
0x14: {  	s7 =	simm.s32 $0x0;
	s21 =	sshll.u32 s5, $0x1;
	s5 =	sadd.s32 s22, s3  }
0x15: {  	[timem:s7], [sflag:s23] =	dma.local [hbm:s5], s21  }
0x16: {  	_ =	swait.ge [sflag:s23], s21  }
0x17: {  	s4 =	ssub.s32 $0x0, s21;
	[sflag:s23] =	ssyncset.done $0x0  }
0x18: {  	[sflag:s23] =	ssyncadd.s32 s4;
	_ =	sdelay $0x1  }
0x19: {  	s24 =	simm.s32 $0x1B8B  }
0x1a: {  	_ =	swait.ge [sflag:s24], $0x1  }
0x1b: {  	[sflag:s24] =	ssyncset.done $0x0  }
0x1c: {  	s26 =	simm.s32 $0x1B8E;
	s25 =	sld [smem:$0x3FFE];
	[sflag:s24] =	ssyncadd.s32 $0xFFFFFFFF  }
0x1d: {  	s27 =	simm.s32 $execute0_lowered;
	[smem:$0x3FD2] =	sst s26  }
0x1e: {  	s5 =	sshll.u32 s27, $0x1;
	_ =	strace $0x80000049;
	[dreg:$0x1] =	wrdreg $0xFFFFFFFF  }
0x1f: {  	s28 =	simm.s32 $_size_execute0_lowered;
	s3 =	sadd.s32 s3, s5;
	[dreg:$0x0] =	wrdreg $0x0  }
0x20: {  	s5 =	sshll.u32 s28, $0x1;
	[dreg:$0x2] =	wrdreg s3  }
0x21: {  	[dreg:$0x3] =	wrdreg s5  }
0x22: {  	[dreg:$0x4] =	wrdreg $0xC0  }
0x23: {  	_ =	task [dreg:s7], $0x5FFFF  }
0x24: {  	[dreg:$0x1] =	wrdreg $0xFFFFFFFF  }
0x25: {  	[dreg:$0x0] =	wrdreg $0x60  }
0x26: {  	[dreg:$0x2] =	wrdreg s25  }
0x27: {  	[dreg:$0x3] =	wrdreg s2  }
0x28: {  	[dreg:$0x4] =	wrdreg $0x9  }
0x29: {  	_ =	task.clear_ibuf [dreg:s7], $0x5FFFF;
	_ =	strace $0x90000049  }
0x2a: {  	s29 =	simm.s32 $0x9;
	_ =	strace $0x8000004B  }
0x2b: {  	_ =	swait.ge [sflag:s29], $0x1  }
0x2c: {  	[sflag:s29] =	ssyncadd.s32 $0xFFFFFFFF  }
0x2d: {  	_ =	strace $0x9000004B  }
0x2e: {  	_ =	sfence  }
0x2f: {  	s30 =	sld [smem:$0x0];
	_ =	sdelay $0x2  }
0x30: {  	s31 =	sshll.u32 s1, $0xD;
	s1 =	sshrl.u32 s1, $0x2  }
0x31: {  	s3 =	sand.u32 $0x4000, s31;
	s1 =	sadd.s32 s1, s30  }
0x32: {  	s0 =	sor.u32 s3, s0;
	s1 =	sshll.u32 s1, $0x11  }
0x33: {  	s0 =	sor.u32 s1, s0  }
0x34: {  	s0 =	sadd.s32 $0x8F2B, s0  }
0x35: {  	[sflag:s0] =	ssyncadd.remote.s32 $0x1  }
0x36: {  	_ =	sfence.sel $0xFFFF  }
0x37: {  	[dreg:$0x0] =	wrdreg $0xFFFFFFFF;
	(pc) =	sbr.abs _section_cstart, $3  }
0x38: {  	[dreg:$0x1] =	wrdreg $0xFFFFFFFF  }
0x39: {  	_ =	task.clear_ibuf [dreg:s7], $0x2FFFF;
	_ =	strace $0x9FFFFFFF  }
0x3a: {  	(tm) =	ssettm $0x7FFFFFFF  }
0x3b: {  	_ =	shalt  }
tec
execute0_lowered:
.L_overlay_start_1:
0x0: {  	(tag) =	ssettag $0x1  }
0x1: {  	s0 =	stileid.u32  }
0x2: {  	s1 =	srdreg.scid;
	s2 =	sshll.u32 s0, $0x7  }
0x3: {  	s7 =	rddreg [dreg:$0x0];
	s3 =	sshll.u32 s1, $0x4;
	s1 =	sand.u32 $0x380, s2  }
0x4: {  	s8 =	simm.s32 $0x2;
	s30 =	sand.u32 $0x10, s3;
	s31 =	ssub.s32 $0x400, s1  }
0x5: {  	s16 =	simm.s32 $0x0;
	s2 =	sor.u32 s0, s30;
	s4 =	sand.u32 $0x380, s31  }
0x6: {  	s2 =	sshrl.u32 s2, $0x3;
	p0 =	sne.s32 s4, $0x0;
	s4 =	simm.s32 $0x1  }
0x7: {  	s3 =	sshrl.u32 s31, $0xA;
	s5 =	ssub.s32 $0x35, s2;
	s4 =	simm.s32 @!p0 $0x0  }
0x8: {  	s9 =	simm.s32 $0xC00;
	s5 =	sshrl.u32 s5, $0x2;
	s3 =	sadd.s32 s4, s3  }
0x9: {  	s10 =	simm.s32 $0x0;
	s15 =	simm.s32 $0x0;
	s6 =	smul.u32 s3, s5  }
.Ltmp0:
0xa: {  	s17 =	simm.s32 $0x0;
	s4 =	rddreg [dreg:$0x1];
	(pc) =	sbr.rel .LBB1_1-.Ltmp0, $4  }
0xb: {  	s11 =	simm.s32 $0x0;
	s14 =	simm.s32 $0x0;
	s3 =	rddreg [dreg:$0x2]  }
0xc: {  	_ =	strace $0x8000004A;
	s5 =	simm.s32 $0x1;
	s6 =	smul.u32 $0x3, s6  }
0xd: {  	s7 =	sadd.s32 $0xE00, s7;
	s13 =	smov.u32 s1;
	[sflag:s5] =	ssyncpa.u1 $0x0  }
0xe: {  	s12 =	smov.u32 s2;
	[sflag:s8] =	ssyncpa.u1 $0x0;
	s8 =	sadd.s32 $0x1, s6  }
.LBB1_4:
0xf: {  	_ =	sdelay $0x2  }
0x10: {  	s21 =	sshrl.u32 s17, $0x3  }
0x11: {  	[tilespmem:v0+s20+$0xFFFFFFD0 ss:$0x1] =	vst.idx.msk $0xffff, v7;
	s22 =	sshll.u32 s16, $0x3;
	s21 =	smul.u32 $0xC00, s21  }
0x12: {  	v56 =	vld.idx.msk [tilespmem:v1+s19+$0x0 ss:$0x1], $0xffff;
	[tilespmem:v0+s20+$0xFFFFFFE0 ss:$0x1] =	vst.idx.msk $0xffff, v5;
	s27 =	sshll.u32 s17, $0x7;
	s22 =	sand.u32 $0xFFFFFC00, s22  }
0x13: {  	v57 =	vld.idx.msk [tilespmem:v1+s19+$0xFFFFFF90 ss:$0x1], $0xffff;
	[tilespmem:v0+s20+$0xFFFFFFF0 ss:$0x1] =	vst.idx.msk $0xffff, v4;
	s17 =	sand.u32 $0x380, s27;
	s21 =	sadd.s32 s21, s22  }
0x14: {  	v58 =	vld.idx.msk [tilespmem:v1+s19+$0xFFFFFFA0 ss:$0x1], $0xffff;
	[tilespmem:v0+s20+$0x0 ss:$0x1] =	vst.idx.msk $0xffff, v2;
	s28 =	sand.u32 $0x7F, s16;
	s17 =	sor.u32 s17, s21  }
0x15: {  	v59 =	vld.idx.msk [tilespmem:v1+s19+$0xFFFFFFB0 ss:$0x1], $0xffff;
	[tilespmem:v0+s20+$0x10 ss:$0x1] =	vst.idx.msk $0xffff, v3;
	s16 =	sor.u32 s28, s17  }
0x16: {  	v60 =	vld.idx.msk [tilespmem:v1+s19+$0xFFFFFFC0 ss:$0x1], $0xffff;
	[tilespmem:v0+s20+$0x20 ss:$0x1] =	vst.idx.msk $0xffff, v6;
	s29 =	smulhi.u32 $0xAAAAAAAB, s16  }
0x17: {  	v61 =	vld.idx.msk [tilespmem:v1+s19+$0xFFFFFFD0 ss:$0x1], $0xffff;
	[tilespmem:v0+s19+$0x30 ss:$0x1] =	vst.idx.msk $0xffff, v56;
	s17 =	smulhi.u32 $0xAAAAAAAB, s17  }
0x18: {  	v62 =	vld.idx.msk [tilespmem:v1+s19+$0xFFFFFFE0 ss:$0x1], $0xffff;
	[tilespmem:v0+s19+$0xFFFFFFC0 ss:$0x1] =	vst.idx.msk $0xffff, v57;
	s20 =	sshrl.u32 s29, $0x8  }
0x19: {  	v63 =	vld.idx.msk [tilespmem:v1+s19+$0xFFFFFFF0 ss:$0x1], $0xffff;
	[tilespmem:v0+s19+$0xFFFFFFD0 ss:$0x1] =	vst.idx.msk $0xffff, v58;
	s17 =	sshrl.u32 s17, $0x8;
	s20 =	smul.u32 $0x180, s20  }
0x1a: {  	s15 =	smul.u32 $0xC000, s15;
	[tilespmem:v0+s19+$0xFFFFFFE0 ss:$0x1] =	vst.idx.msk $0xffff, v59;
	s17 =	sand.u32 $0x3FF, s17  }
0x1b: {  	[tilespmem:v0+s19+$0xFFFFFFF0 ss:$0x1] =	vst.idx.msk $0xffff, v60;
	s17 =	smul.u32 $0x30, s17;
	s16 =	ssub.s32 s16, s20  }
0x1c: {  	s15 =	sadd.s32 s4, s15;
	[tilespmem:v0+s19+$0x0 ss:$0x1] =	vst.idx.msk $0xffff, v61;
	s20 =	sand.u32 $0x7, s16  }
0x1d: {  	[tilespmem:v0+s19+$0x10 ss:$0x1] =	vst.idx.msk $0xffff, v62;
	s15 =	sadd.s32 s17, s15;
	s16 =	sshrl.u32 s16, $0x3;
	s30 =	sshll.u32 s20, $0x12  }
0x1e: {  	[tilespmem:v0+s19+$0x20 ss:$0x1] =	vst.idx.msk $0xffff, v63;
	s15 =	sadd.s32 s16, s15;
	s31 =	sor.u32 $0x400, s30  }
0x1f: {  	[hbm4b:s15+s31] =	stream.strided.scatter [tilespmem:s18], [sflag:$0x2], $0x4000, s9, s31, $0x38;
	[tilespmem:$0x10000] =	vst v63  }
.LBB1_5:
0x20: {  	s18 =	sadd.s32 $0x80, s11  }
0x21: {  	s15 =	sadd.s32 $0x4, s12;
	s19 =	smov.u32 s12;
	p1 =	sgt.s32 s18, $0x17F  }
0x22: {  	s19 =	smov.u32 @p1 s15  }
0x23: {  	s21 =	smov.u32 s13;
	s15 =	sadd.s32 $0x400, s13;
	p2 =	sgt.s32 s19, $0x31  }
0x24: {  	s21 =	smov.u32 @p2 s15  }
0x25: {  	s18 =	simm.s32 @p1 $0x0;
	p1 =	sgt.s32 s21, $0x3FF  }
0x26: {  	p0 =	slt.u32 s14, $0x2;
	s21 =	smov.u32 @p1 s1;
	p1 =	sne.s32 s14, s8  }
.Ltmp1:
0x27: {  	s20 =	simm.s32 @!p0 $0x2;
	(pc) =	sbr.rel @!p1 .LBB1_6-.Ltmp1, $4  }
0x28: {  	s16 =	smov.u32 s11;
	s17 =	smov.u32 s13;
	_ =	swait.ge @!p0 [sflag:s20], $0x4000  }
0x29: {  	s10 =	sadd.s32 $0x4000, s10;
	[sflag:s20] =	ssyncset.done @!p0 $0x0;
	s11 =	smov.u32 s18  }
0x2a: {  	s19 =	smov.u32 @p2 s2;
	s15 =	smov.u32 s12;
	[sflag:s20] =	ssyncadd.s32 @!p0 $0xFFFFC000  }
0x2b: {  	s12 =	smov.u32 s19;
	s14 =	sadd.s32 $0x1, s14;
	s13 =	smov.u32 s21  }
.LBB1_1:
0x2c: {  	p0 =	sge.u32 s14, s6  }
0x2d: {  	s18 =	sshrl.u32 @!p0 s12, $0x3  }
0x2e: {  	s19 =	sshll.u32 @!p0 s11, $0x3;
	s18 =	smul.u32 @!p0 $0xC00, s18  }
0x2f: {  	s20 =	sshll.u32 @!p0 s12, $0x7;
	s19 =	sand.u32 @!p0 $0xFFFFFC00, s19  }
0x30: {  	s18 =	sadd.s32 @!p0 s18, s19;
	s19 =	sand.u32 @!p0 $0x380, s20  }
0x31: {  	s18 =	sor.u32 @!p0 s19, s18  }
0x32: {  	s19 =	sand.u32 @!p0 $0x7F, s11;
	s20 =	smulhi.u32 @!p0 $0xAAAAAAAB, s18  }
0x33: {  	s18 =	sor.u32 @!p0 s19, s18  }
0x34: {  	s19 =	smulhi.u32 @!p0 $0xAAAAAAAB, s18;
	s20 =	sshrl.u32 @!p0 s20, $0x8  }
0x35: {  	s21 =	smulhi.u32 @!p0 $0x4924925, s20;
	_ =	sdelay $0x1  }
0x36: {  	s19 =	sshrl.u32 @!p0 s19, $0x8;
	s21 =	smul.u32 @!p0 $0x38, s21  }
0x37: {  	s31 =	sadd.s32 $0xFFFFFFFF, s14;
	s19 =	smul.u32 @!p0 $0x180, s19  }
0x38: {  	s22 =	sxor.u32 @!p0 $0xFFFFFFFF, s14;
	s20 =	ssub.s32 @!p0 s20, s21;
	s21 =	smul.u32 @!p0 $0xA80, s13  }
0x39: {  	s22 =	sshll.u32 @!p0 s22, $0xE;
	s18 =	ssub.s32 @!p0 s18, s19;
	s19 =	smul.u32 @!p0 $0x30, s20  }
0x3a: {  	s20 =	sand.u32 @!p0 $0x4000, s22;
	s22 =	sand.u32 @!p0 $0x7, s18;
	s21 =	sadd.s32 @!p0 s7, s21  }
0x3b: {  	s18 =	sshrl.u32 @!p0 s18, $0x3;
	s19 =	sadd.s32 @!p0 s19, s21;
	s21 =	sshll.u32 @!p0 s22, $0x12  }
0x3c: {  	s18 =	sadd.s32 @!p0 s18, s19;
	s19 =	sor.u32 @!p0 $0x80, s21;
	s21 =	simm.s32 @!p0 $0x5400  }
0x3d: {  	[tilespmem:s20], [sflag:$0x1] =	stream.strided.gather @!p0 [hbm4b:s18+s19], $0x4000, s21, s19, $0x38;
	[tilespmem:$0x10000] =	vst v63  }
0x3e: {  	p0 =	sge.u32 s31, s6  }
.Ltmp2:
0x3f: {  	_ = 	snop;
	(pc) =	sbr.rel @p0 .LBB1_5-.Ltmp2, $1  }
0x40: {  	_ =	sdelay $0x3  }
0x41: {  	s18 =	sand.u32 $0x4000, s10  }
0x42: {  	s19 =	sor.u32 $0x70, s18  }
0x43: {  	v1 =	vmov s19;
	_ =	sdelay $0x1  }
0x44: {  	_ =	swait.ge [sflag:s5], $0x4000  }
0x45: {  	[sflag:s5] =	ssyncset.done $0x0  }
0x46: {  	s20 =	simm.s32 $0x0;
	[sflag:s5] =	ssyncadd.s32 $0xFFFFC000  }
0x47: {  	s18 =	sor.u32 $0x8040, s18;
	v6 =	vld.idx.msk [tilespmem:v1+s20+$0x0 ss:$0x1], $0xffff  }
0x48: {  	v0 =	vmov s18;
	v8 =	vld.idx.msk [tilespmem:v1+s20+$0xFFFFFF90 ss:$0x1], $0xffff  }
0x49: {  	v7 =	vld.idx.msk [tilespmem:v1+s20+$0xFFFFFFA0 ss:$0x1], $0xffff  }
0x4a: {  	v5 =	vld.idx.msk [tilespmem:v1+s20+$0xFFFFFFB0 ss:$0x1], $0xffff  }
0x4b: {  	v4 =	vld.idx.msk [tilespmem:v1+s20+$0xFFFFFFC0 ss:$0x1], $0xffff  }
0x4c: {  	s31 =	sshll.u32 s14, $0xE;
	v2 =	vld.idx.msk [tilespmem:v1+s20+$0xFFFFFFD0 ss:$0x1], $0xffff  }
0x4d: {  	s18 =	sand.u32 $0x4000, s31;
	v3 =	vld.idx.msk [tilespmem:v1+s20+$0xFFFFFFE0 ss:$0x1], $0xffff;
	[tilespmem:v0+s20+$0x30 ss:$0x1] =	vst.idx.msk $0xffff, v6  }
0x4e: {  	s21 =	simm.s32 $0x400;
	s19 =	simm.s32 $0x80;
	s18 =	sor.u32 $0x8000, s18;
	[tilespmem:v0+s20+$0xFFFFFFC0 ss:$0x1] =	vst.idx.msk $0xffff, v8;
	v6 =	vld.idx.msk [tilespmem:v1+s20+$0xFFFFFFF0 ss:$0x1], $0xffff  }
.LBB1_3:
0x4f: {  	p0 =	sne.s32 s21, $0xFE00;
	v8 =	vld.idx.msk [tilespmem:v1+s19+$0x0 ss:$0x1], $0xffff;
	[tilespmem:v0+s20+$0xFFFFFFD0 ss:$0x1] =	vst.idx.msk $0xffff, v7  }
0x50: {  	v9 =	vld.idx.msk [tilespmem:v1+s19+$0xFFFFFF90 ss:$0x1], $0xffff;
	[tilespmem:v0+s20+$0xFFFFFFE0 ss:$0x1] =	vst.idx.msk $0xffff, v5  }
0x51: {  	v7 =	vld.idx.msk [tilespmem:v1+s19+$0xFFFFFFA0 ss:$0x1], $0xffff;
	[tilespmem:v0+s20+$0xFFFFFFF0 ss:$0x1] =	vst.idx.msk $0xffff, v4  }
.Ltmp3:
0x52: {  	v5 =	vld.idx.msk [tilespmem:v1+s19+$0xFFFFFFB0 ss:$0x1], $0xffff;
	[tilespmem:v0+s20+$0x0 ss:$0x1] =	vst.idx.msk $0xffff, v2;
	(pc) =	sbr.rel @p0 .LBB1_3-.Ltmp3, $4  }
0x53: {  	v4 =	vld.idx.msk [tilespmem:v1+s19+$0xFFFFFFC0 ss:$0x1], $0xffff;
	[tilespmem:v0+s20+$0x10 ss:$0x1] =	vst.idx.msk $0xffff, v3  }
0x54: {  	v2 =	vld.idx.msk [tilespmem:v1+s19+$0xFFFFFFD0 ss:$0x1], $0xffff;
	[tilespmem:v0+s20+$0x20 ss:$0x1] =	vst.idx.msk $0xffff, v6;
	s20 =	smov.u32 s19  }
0x55: {  	v3 =	vld.idx.msk [tilespmem:v1+s20+$0xFFFFFFE0 ss:$0x1], $0xffff;
	[tilespmem:v0+s20+$0x30 ss:$0x1] =	vst.idx.msk $0xffff, v8  }
0x56: {  	s19 =	sshra.s32 s21, $0x2;
	s21 =	sadd.s32 $0x200, s21;
	[tilespmem:v0+s20+$0xFFFFFFC0 ss:$0x1] =	vst.idx.msk $0xffff, v9;
	v6 =	vld.idx.msk [tilespmem:v1+s20+$0xFFFFFFF0 ss:$0x1], $0xffff  }
.Ltmp4:
0x57: {  	_ = 	snop;
	(pc) =	sbr.rel .LBB1_4-.Ltmp4, $1  }
0x58: {  	_ =	sdelay $0x3  }
.LBB1_6:
0x59: {  	_ =	sfence.sel $0x180000  }
0x5a: {  	s1 =	simm.s32 $0x1;
	[bflag:$0x0] =	sbarrier.arrive $0xFFFF  }
0x5b: {  	s31 =	simm.s32 $0x2;
	[sflag:s1] =	ssyncpa.u1 $0x1  }
0x5c: {  	[sflag:s31] =	ssyncpa.u1 $0x1  }
0x5d: {  	p0 =	sne.s32 s0, $0x0;
	_ =	strace $0x9000004A  }
0x5e: {  	s0 =	sadd.s32 @!p0 $0x100000, s3;
	[bflag:$0x2] =	sbarrier.arrive $0xFFFF  }
0x5f: {  	[sflag:s0] =	ssyncadd.tile.s32 @!p0 $0x1;
	_ =	shalt  }
.Lfunc_end1:
_tile_overlayer_lowered:
.L_overlay_start_2:
0x60: {  	(tag) =	ssettag $0x2  }
0x61: {  	s0 =	rddreg [dreg:$0x0];
	s2 =	stileid.u32  }
0x62: {  	s1 =	rddreg [dreg:$0x1];
	p0 =	sne.s32 s2, $0x0  }
0x63: {  	s3 =	rddreg [dreg:$0x2];
	[bflag:$0x3] =	sbarrier.arrive $0xFFFF;
	s2 =	simm.s32 @!p0 $0x1C01  }
0x64: {  	[timem:s3], [sflag:s2] =	dma.local @!p0 [hbm:s0], s1  }
0x65: {  	s0 =	simm.s32 @!p0 $0x1  }
0x66: {  	_ =	swait.ge @!p0 [sflag:s0], s1  }
0x67: {  	s1 =	ssub.s32 @!p0 $0x0, s1;
	[sflag:s0] =	ssyncset.done @!p0 $0x0  }
0x68: {  	[sflag:s0] =	ssyncadd.s32 @!p0 s1  }
0x69: {  	[bflag:$0x3] =	sbarrier.arrive $0xFFFF  }
0x6a: {  	_ =	shalt  }

</sc_bundles>
